<compile_context>
chip_gen: v7x
topology: tpu7x:2x2x1
jax: 0.10.2.dev20260603
libtpu: 0.0.44.dev20260713+nightly
codegen_flags: <defaults>
</compile_context>

<pallas_src>
import functools

import jax
import jax.numpy as jnp
from jax import lax
from jax.experimental import pallas as pl
from jax.experimental.pallas import tpu as pltpu
from jax.experimental.pallas import tpu_sc as plsc

_NUM_TOKENS = 32768
_NUM_EXPERTS = 64
_TOP_K = 8
_LANES = 16
_NUM_CORES = 2
_NUM_SUBCORES = 16
_NW = _NUM_CORES * _NUM_SUBCORES
_TPW = _NUM_TOKENS // _NW


_CHUNK = 256


_RM_STRIDE = 65


def _router_body(logits_hbm, w_hbm, e_hbm, logits_v, rm_v, w_v, e_v, sems):
  wid = lax.axis_index("s") * _NUM_CORES + lax.axis_index("c")
  base = wid * _TPW

  lanes = jnp.arange(_LANES, dtype=jnp.int32)
  lo = lanes < _TOP_K
  idx0 = lanes
  idx1 = lanes + _LANES
  idx2 = lanes + 2 * _LANES
  idx3 = lanes + 3 * _LANES
  lanes_rm = lanes * _RM_STRIDE

  n_chunks = _TPW // _CHUNK

  def _start_copy(c, buf):
    return pltpu.async_copy(
        logits_hbm.at[:, pl.ds(base + c * _CHUNK, _CHUNK)],
        logits_v.at[buf], sems)

  _start_copy(0, 0)

  def _chunk(c, carry):
    buf = lax.rem(c, 2)
    out0 = c * _CHUNK

    @pl.when(c < n_chunks - 1)
    def _prefetch():
      _start_copy(c + 1, 1 - buf)

    pltpu.make_async_copy(
        logits_hbm.at[:, pl.ds(base, _CHUNK)], logits_v.at[buf], sems).wait()

    @plsc.parallel_loop(0, _CHUNK // _LANES, 1)
    def _block(b):
      bvec = lanes_rm + b * (_LANES * _RM_STRIDE)
      for e in range(_NUM_EXPERTS):
        v = logits_v[buf, e, pl.ds(b * _LANES, _LANES)]
        plsc.store_scatter(rm_v, [bvec + e], v)

    @plsc.parallel_loop(0, _CHUNK, 1, unroll=8)
    def _token(t):
      tcol = jnp.full((_LANES,), out0 + t, dtype=jnp.int32)
      trow = jnp.full((_LANES,), t * _RM_STRIDE, dtype=jnp.int32)
      _one_token(tcol, trow, rm_v, w_v, e_v, lo, lanes, idx0, idx1, idx2,
                 idx3)

    return carry

  lax.fori_loop(0, n_chunks, _chunk, 0)
  _normalize(w_v)
  pltpu.sync_copy(w_v, w_hbm.at[:, pl.ds(base, _TPW)])
  pltpu.sync_copy(e_v, e_hbm.at[:, pl.ds(base, _TPW)])


def _one_token(tcol, trow, rm_v, w_v, e_v, lo, lanes, idx0, idx1, idx2,
               idx3):
    k0 = plsc.load_gather(rm_v, [trow + idx0])
    k1 = plsc.load_gather(rm_v, [trow + idx1])
    k2 = plsc.load_gather(rm_v, [trow + idx2])
    k3 = plsc.load_gather(rm_v, [trow + idx3])
    s0k, s0v = plsc.sort_key_val(k0, idx0, descending=True)
    s1k, s1v = plsc.sort_key_val(k1, idx1, descending=False)
    s2k, s2v = plsc.sort_key_val(k2, idx2, descending=True)
    s3k, s3v = plsc.sort_key_val(k3, idx3, descending=False)
    c01k = jnp.where(lo, s0k, s1k)
    c01v = jnp.where(lo, s0v, s1v)
    c23k = jnp.where(lo, s2k, s3k)
    c23v = jnp.where(lo, s2v, s3v)
    d01k, d01v = plsc.sort_key_val(c01k, c01v, descending=True)
    d23k, d23v = plsc.sort_key_val(c23k, c23v, descending=False)
    ck = jnp.where(lo, d01k, d23k)
    cv = jnp.where(lo, d01v, d23v)
    fk, fv = plsc.sort_key_val(ck, cv, descending=True)
    plsc.store_scatter(w_v, [lanes, tcol], fk, mask=lo)
    plsc.store_scatter(e_v, [lanes, tcol], fv, mask=lo)


def _normalize(w_v):

  @plsc.parallel_loop(0, _TPW // _LANES, 1, unroll=2)
  def _norm(j):
    sl = pl.ds(j * _LANES, _LANES)
    es = [jnp.exp(w_v[r, sl]) for r in range(_TOP_K)]
    s = es[0]
    for r in range(1, _TOP_K):
      s = s + es[r]
    inv = jnp.full((_LANES,), 1.0, dtype=jnp.float32) / s
    for r in range(_TOP_K):
      w_v[r, sl] = es[r] * inv


@functools.partial(
    pl.kernel,
    out_type=(
        jax.ShapeDtypeStruct((_TOP_K, _NUM_TOKENS), jnp.float32),
        jax.ShapeDtypeStruct((_TOP_K, _NUM_TOKENS), jnp.int32),
    ),
    mesh=plsc.VectorSubcoreMesh(
        core_axis_name="c",
        subcore_axis_name="s",
        num_cores=_NUM_CORES,
        num_subcores=_NUM_SUBCORES,
    ),
    compiler_params=pltpu.CompilerParams(needs_layout_passes=False),
    scratch_types=[
        pltpu.VMEM((2, _NUM_EXPERTS, _CHUNK), jnp.float32),
        pltpu.VMEM((_CHUNK * _RM_STRIDE + _LANES,), jnp.float32),
        pltpu.VMEM((_TOP_K, _TPW), jnp.float32),
        pltpu.VMEM((_TOP_K, _TPW), jnp.int32),
        pltpu.SemaphoreType.DMA,
    ],
)
def _route(logits_hbm, w_hbm, e_hbm, logits_v, rm_v, w_v, e_v, sems):
  _router_body(logits_hbm, w_hbm, e_hbm, logits_v, rm_v, w_v, e_v, sems)


def kernel(router_logits):
  w_t, e_t = _route(router_logits.T)
  return w_t.T, e_t.T

# --- scband reference (transcript-rebuilt; emitter-appended) ---
"""Pipeline reference for scband-top-krouter-11338713661824 (READ-ONLY COPY).

The authoritative reference and input builder live on the scoring server;
editing this copy changes nothing except your own understanding.
"""

import jax, jax.numpy as jnp
import numpy as np

NUM_EXPERTS = 64
TOP_K = 8
NORM_TOPK_PROB = True
NUM_TOKENS = 32768


def setup_inputs(seed: int = 0) -> dict:
    key = jax.random.key(seed)
    router_logits = jax.random.normal(key, (NUM_TOKENS, NUM_EXPERTS), dtype=jnp.float32)
    return {"router_logits": router_logits}


def reference(router_logits):
    # softmax in float32 (matches F.softmax(..., dtype=torch.float))
    routing_weights = jax.nn.softmax(router_logits.astype(jnp.float32), axis=1)
    # top-k over experts
    routing_weights, selected_experts = jax.lax.top_k(routing_weights, TOP_K)
    if NORM_TOPK_PROB:
        routing_weights = routing_weights / jnp.sum(routing_weights, axis=-1, keepdims=True)
    # input_dtype cast: inputs are float32 here, so cast is identity
    routing_weights = routing_weights.astype(jnp.float32)
    return (routing_weights, selected_experts)

if __name__ == "__main__":
    import jax
    _d = setup_inputs()
    print(jax.jit(kernel)(*tuple(_d.values())))

</pallas_src>

<mosaic_0001>
#map = affine_map<(d0, d1) -> (0, 0)>
module attributes {stable_mosaic.version = 14 : i64} {
  func.func @_route(%arg0: i32, %arg1: i32, %arg2: memref<64x32768xf32, #tpu.memory_space<hbm>>, %arg3: memref<8x32768xf32, #tpu.memory_space<hbm>>, %arg4: memref<8x32768xi32, #tpu.memory_space<hbm>>, %arg5: memref<2x64x256xf32, #tpu.memory_space<vmem>>, %arg6: memref<16656xf32, #tpu.memory_space<vmem>>, %arg7: memref<8x1024xf32, #tpu.memory_space<vmem>>, %arg8: memref<8x1024xi32, #tpu.memory_space<vmem>>, %arg9: memref<!tpu.dma_semaphore, #tpu.memory_space<semaphore_mem>>) attributes {dimension_semantics = [#tpu.dimension_semantics<core_parallel>, #tpu.dimension_semantics<subcore_parallel>], iteration_bounds = array<i64: 2, 16>, scalar_prefetch = 0 : i64, scratch_operands = 5 : i64, tpu.core_type = #tpu.core_type<sc_vector_subcore>, window_params = [{transform_indices = #map}, {transform_indices = #map}, {transform_indices = #map}]} {
    %mul3A = arith.constant 2 : i32
    %mul3A_0 = arith.muli %arg1, %mul3A : i32
    %add3A = arith.addi %mul3A_0, %arg0 : i32
    %mul3A_1 = arith.constant 1024 : i32
    %mul3A_2 = arith.muli %add3A, %mul3A_1 : i32
    %iota3A = tpu.iota {dimensions = array<i32: 0>} : vector<16xi32>
    %lt3A = arith.constant 8 : i32
    %lt3A_3 = vector.broadcast %lt3A : i32 to vector<16xi32>
    %lt3A_4 = arith.cmpi slt, %iota3A, %lt3A_3 : vector<16xi32>
    %add3A_5 = arith.constant 16 : i32
    %add3A_6 = vector.broadcast %add3A_5 : i32 to vector<16xi32>
    %add3A_7 = arith.addi %iota3A, %add3A_6 : vector<16xi32>
    %add3A_8 = arith.constant 32 : i32
    %add3A_9 = vector.broadcast %add3A_8 : i32 to vector<16xi32>
    %add3A_10 = arith.addi %iota3A, %add3A_9 : vector<16xi32>
    %add3A_11 = arith.constant 48 : i32
    %add3A_12 = vector.broadcast %add3A_11 : i32 to vector<16xi32>
    %add3A_13 = arith.addi %iota3A, %add3A_12 : vector<16xi32>
    %mul3A_14 = arith.constant 65 : i32
    %mul3A_15 = vector.broadcast %mul3A_14 : i32 to vector<16xi32>
    %mul3A_16 = arith.muli %iota3A, %mul3A_15 : vector<16xi32>
    %add3A_17 = arith.constant 0 : i32
    %add3A_18 = arith.addi %mul3A_2, %add3A_17 : i32
    %dma_start3A = arith.constant 0 : i32
    %dma_start3A_19 = arith.constant 0 : i32
    %dma_start3A_20 = arith.constant 0 : i32
    %dma_start3A_21 = tpu.memref_slice %arg5[%dma_start3A, %dma_start3A_19, %dma_start3A_20] : memref<2x64x256xf32, #tpu.memory_space<vmem>> -> memref<1x64x256xf32, #tpu.memory_space<vmem>>
    %dma_start3A_22 = tpu.memref_squeeze %dma_start3A_21 : memref<1x64x256xf32, #tpu.memory_space<vmem>> -> memref<64x256xf32, #tpu.memory_space<vmem>>
    %dma_start3A_23 = arith.constant 0 : i32
    %dma_start3A_24 = tpu.memref_slice %arg2[%dma_start3A_23, %add3A_18] : memref<64x32768xf32, #tpu.memory_space<hbm>> -> memref<64x256xf32, #tpu.memory_space<hbm>>
    %dma_start3A_25 = arith.constant 0 : i32
    %dma_start3A_26 = arith.constant 0 : i32
    %dma_start3A_27 = tpu.memref_slice %arg5[%dma_start3A, %dma_start3A_25, %dma_start3A_26] : memref<2x64x256xf32, #tpu.memory_space<vmem>> -> memref<1x64x256xf32, #tpu.memory_space<vmem>>
    %dma_start3A_28 = tpu.memref_squeeze %dma_start3A_27 : memref<1x64x256xf32, #tpu.memory_space<vmem>> -> memref<64x256xf32, #tpu.memory_space<vmem>>
    %dma_start3A_29 = arith.constant 0 : i32
    %dma_start3A_30 = tpu.memref_slice %arg2[%dma_start3A_29, %add3A_18] : memref<64x32768xf32, #tpu.memory_space<hbm>> -> memref<64x256xf32, #tpu.memory_space<hbm>>
    tpu.enqueue_dma source(%dma_start3A_30 : memref<64x256xf32, #tpu.memory_space<hbm>>) target(%dma_start3A_28 : memref<64x256xf32, #tpu.memory_space<vmem>>) target_semaphore(%arg9 : memref<!tpu.dma_semaphore, #tpu.memory_space<semaphore_mem>>)
    %scan3A = arith.constant 0 : i32
    %scan3A_31 = arith.constant 0 : i32
    %scan3A_32 = arith.constant 4 : i32
    %scan3A_33 = arith.addi %scan3A_31, %scan3A_32 : i32
    %scan3A_34 = arith.constant 1 : i32
    scf.for %scan3A_38 = %scan3A_31 to %scan3A_33 step %scan3A_34  : i32 {
      %rem3A = arith.constant 2 : i32
      %rem3A_39 = arith.remsi %scan3A_38, %rem3A : i32
      %mul3A_40 = arith.constant 256 : i32
      %mul3A_41 = arith.muli %scan3A_38, %mul3A_40 : i32
      %lt3A_42 = arith.constant 3 : i32
      %lt3A_43 = arith.cmpi slt, %scan3A_38, %lt3A_42 : i32
      %convert_element_type3A = arith.extui %lt3A_43 : i1 to i32
      %cond3A = arith.constant 0 : i32
      %cond3A_44 = arith.cmpi ne, %convert_element_type3A, %cond3A : i32
      scf.if %cond3A_44 {
        %add3A_62 = arith.constant 1 : i32
        %add3A_63 = arith.addi %scan3A_38, %add3A_62 : i32
        %sub3A = arith.constant 1 : i32
        %sub3A_64 = arith.subi %sub3A, %rem3A_39 : i32
        %mul3A_65 = arith.constant 256 : i32
        %mul3A_66 = arith.muli %add3A_63, %mul3A_65 : i32
        %add3A_67 = arith.addi %mul3A_2, %mul3A_66 : i32
        %dma_start3A_68 = arith.constant 0 : i32
        %dma_start3A_69 = arith.constant 0 : i32
        %dma_start3A_70 = tpu.memref_slice %arg5[%sub3A_64, %dma_start3A_68, %dma_start3A_69] : memref<2x64x256xf32, #tpu.memory_space<vmem>> -> memref<1x64x256xf32, #tpu.memory_space<vmem>>
        %dma_start3A_71 = tpu.memref_squeeze %dma_start3A_70 : memref<1x64x256xf32, #tpu.memory_space<vmem>> -> memref<64x256xf32, #tpu.memory_space<vmem>>
        %dma_start3A_72 = arith.constant 0 : i32
        %dma_start3A_73 = tpu.memref_slice %arg2[%dma_start3A_72, %add3A_67] : memref<64x32768xf32, #tpu.memory_space<hbm>> -> memref<64x256xf32, #tpu.memory_space<hbm>>
        %dma_start3A_74 = arith.constant 0 : i32
        %dma_start3A_75 = arith.constant 0 : i32
        %dma_start3A_76 = tpu.memref_slice %arg5[%sub3A_64, %dma_start3A_74, %dma_start3A_75] : memref<2x64x256xf32, #tpu.memory_space<vmem>> -> memref<1x64x256xf32, #tpu.memory_space<vmem>>
        %dma_start3A_77 = tpu.memref_squeeze %dma_start3A_76 : memref<1x64x256xf32, #tpu.memory_space<vmem>> -> memref<64x256xf32, #tpu.memory_space<vmem>>
        %dma_start3A_78 = arith.constant 0 : i32
        %dma_start3A_79 = tpu.memref_slice %arg2[%dma_start3A_78, %add3A_67] : memref<64x32768xf32, #tpu.memory_space<hbm>> -> memref<64x256xf32, #tpu.memory_space<hbm>>
        tpu.enqueue_dma source(%dma_start3A_79 : memref<64x256xf32, #tpu.memory_space<hbm>>) target(%dma_start3A_77 : memref<64x256xf32, #tpu.memory_space<vmem>>) target_semaphore(%arg9 : memref<!tpu.dma_semaphore, #tpu.memory_space<semaphore_mem>>)
      } else {
      }
      %dma_wait3A = arith.constant 0 : i32
      %dma_wait3A_45 = arith.constant 0 : i32
      %dma_wait3A_46 = tpu.memref_slice %arg5[%rem3A_39, %dma_wait3A, %dma_wait3A_45] : memref<2x64x256xf32, #tpu.memory_space<vmem>> -> memref<1x64x256xf32, #tpu.memory_space<vmem>>
      %dma_wait3A_47 = tpu.memref_squeeze %dma_wait3A_46 : memref<1x64x256xf32, #tpu.memory_space<vmem>> -> memref<64x256xf32, #tpu.memory_space<vmem>>
      %dma_wait3A_48 = arith.constant 0 : i32
      %dma_wait3A_49 = tpu.memref_slice %arg2[%dma_wait3A_48, %mul3A_2] : memref<64x32768xf32, #tpu.memory_space<hbm>> -> memref<64x256xf32, #tpu.memory_space<hbm>>
      %dma_wait3A_50 = arith.constant 0 : i32
      %dma_wait3A_51 = arith.constant 0 : i32
      %dma_wait3A_52 = tpu.memref_slice %arg5[%rem3A_39, %dma_wait3A_50, %dma_wait3A_51] : memref<2x64x256xf32, #tpu.memory_space<vmem>> -> memref<1x64x256xf32, #tpu.memory_space<vmem>>
      %dma_wait3A_53 = tpu.memref_squeeze %dma_wait3A_52 : memref<1x64x256xf32, #tpu.memory_space<vmem>> -> memref<64x256xf32, #tpu.memory_space<vmem>>
      %dma_wait3A_54 = arith.constant 0 : i32
      %dma_wait3A_55 = tpu.memref_slice %arg2[%dma_wait3A_54, %mul3A_2] : memref<64x32768xf32, #tpu.memory_space<hbm>> -> memref<64x256xf32, #tpu.memory_space<hbm>>
      tpu.wait_dma2 semaphore(%arg9 : memref<!tpu.dma_semaphore, #tpu.memory_space<semaphore_mem>>) src(%dma_wait3A_55 : memref<64x256xf32, #tpu.memory_space<hbm>>) dst(%dma_wait3A_53 : memref<64x256xf32, #tpu.memory_space<vmem>>)
      %parallel_loop3A_56 = arith.constant 0 : i32
      %parallel_loop3A_57 = arith.constant 16 : i32
      %parallel_loop3A_58 = arith.constant 1 : i32
      scf.for %parallel_loop3A_62 = %parallel_loop3A_56 to %parallel_loop3A_57 step %parallel_loop3A_58  : i32 {
        %parallel_loop3A_63 = arith.constant 1040 : i32
        %parallel_loop3A_64 = arith.muli %parallel_loop3A_62, %parallel_loop3A_63 : i32
        %parallel_loop3A_65 = vector.broadcast %parallel_loop3A_64 : i32 to vector<16xi32>
        %parallel_loop3A_66 = arith.addi %mul3A_16, %parallel_loop3A_65 : vector<16xi32>
        %parallel_loop3A_67 = arith.constant 16 : i32
        %parallel_loop3A_68 = arith.muli %parallel_loop3A_62, %parallel_loop3A_67 : i32
        %parallel_loop3A_69 = arith.constant 0 : i32
        %parallel_loop3A_70 = arith.index_cast %rem3A_39 : i32 to index
        %parallel_loop3A_71 = arith.index_cast %parallel_loop3A_69 : i32 to index
        %parallel_loop3A_72 = arith.index_cast %parallel_loop3A_68 : i32 to index
        %parallel_loop3A_73 = tpu.vector_load %arg5[%parallel_loop3A_70, %parallel_loop3A_71, %parallel_loop3A_72] {strides = array<i32>} : memref<2x64x256xf32, #tpu.memory_space<vmem>>, vector<16xf32>,
        %parallel_loop3A_74 = arith.constant 0 : i32
        %parallel_loop3A_75 = vector.broadcast %parallel_loop3A_74 : i32 to vector<16xi32>
        %parallel_loop3A_76 = arith.addi %parallel_loop3A_66, %parallel_loop3A_75 : vector<16xi32>
        tpu.vector_store_idx %arg6[%parallel_loop3A_76], %parallel_loop3A_73 : memref<16656xf32, #tpu.memory_space<vmem>>[vector<16xi32>], vector<16xf32>,
        %parallel_loop3A_77 = arith.constant 16 : i32
        %parallel_loop3A_78 = arith.muli %parallel_loop3A_62, %parallel_loop3A_77 : i32
        %parallel_loop3A_79 = arith.constant 1 : i32
        %parallel_loop3A_80 = arith.index_cast %rem3A_39 : i32 to index
        %parallel_loop3A_81 = arith.index_cast %parallel_loop3A_79 : i32 to index
        %parallel_loop3A_82 = arith.index_cast %parallel_loop3A_78 : i32 to index
        %parallel_loop3A_83 = tpu.vector_load %arg5[%parallel_loop3A_80, %parallel_loop3A_81, %parallel_loop3A_82] {strides = array<i32>} : memref<2x64x256xf32, #tpu.memory_space<vmem>>, vector<16xf32>,
        %parallel_loop3A_84 = arith.constant 1 : i32
        %parallel_loop3A_85 = vector.broadcast %parallel_loop3A_84 : i32 to vector<16xi32>
        %parallel_loop3A_86 = arith.addi %parallel_loop3A_66, %parallel_loop3A_85 : vector<16xi32>
        tpu.vector_store_idx %arg6[%parallel_loop3A_86], %parallel_loop3A_83 : memref<16656xf32, #tpu.memory_space<vmem>>[vector<16xi32>], vector<16xf32>,
        %parallel_loop3A_87 = arith.constant 16 : i32
        %parallel_loop3A_88 = arith.muli %parallel_loop3A_62, %parallel_loop3A_87 : i32
        %parallel_loop3A_89 = arith.constant 2 : i32
        %parallel_loop3A_90 = arith.index_cast %rem3A_39 : i32 to index
        %parallel_loop3A_91 = arith.index_cast %parallel_loop3A_89 : i32 to index
        %parallel_loop3A_92 = arith.index_cast %parallel_loop3A_88 : i32 to index
        %parallel_loop3A_93 = tpu.vector_load %arg5[%parallel_loop3A_90, %parallel_loop3A_91, %parallel_loop3A_92] {strides = array<i32>} : memref<2x64x256xf32, #tpu.memory_space<vmem>>, vector<16xf32>,
        %parallel_loop3A_94 = arith.constant 2 : i32
        %parallel_loop3A_95 = vector.broadcast %parallel_loop3A_94 : i32 to vector<16xi32>
        %parallel_loop3A_96 = arith.addi %parallel_loop3A_66, %parallel_loop3A_95 : vector<16xi32>
        tpu.vector_store_idx %arg6[%parallel_loop3A_96], %parallel_loop3A_93 : memref<16656xf32, #tpu.memory_space<vmem>>[vector<16xi32>], vector<16xf32>,
        %parallel_loop3A_97 = arith.constant 16 : i32
        %parallel_loop3A_98 = arith.muli %parallel_loop3A_62, %parallel_loop3A_97 : i32
        %parallel_loop3A_99 = arith.constant 3 : i32
        %parallel_loop3A_100 = arith.index_cast %rem3A_39 : i32 to index
        %parallel_loop3A_101 = arith.index_cast %parallel_loop3A_99 : i32 to index
        %parallel_loop3A_102 = arith.index_cast %parallel_loop3A_98 : i32 to index
        %parallel_loop3A_103 = tpu.vector_load %arg5[%parallel_loop3A_100, %parallel_loop3A_101, %parallel_loop3A_102] {strides = array<i32>} : memref<2x64x256xf32, #tpu.memory_space<vmem>>, vector<16xf32>,
        %parallel_loop3A_104 = arith.constant 3 : i32
        %parallel_loop3A_105 = vector.broadcast %parallel_loop3A_104 : i32 to vector<16xi32>
        %parallel_loop3A_106 = arith.addi %parallel_loop3A_66, %parallel_loop3A_105 : vector<16xi32>
        tpu.vector_store_idx %arg6[%parallel_loop3A_106], %parallel_loop3A_103 : memref<16656xf32, #tpu.memory_space<vmem>>[vector<16xi32>], vector<16xf32>,
        %parallel_loop3A_107 = arith.constant 16 : i32
        %parallel_loop3A_108 = arith.muli %parallel_loop3A_62, %parallel_loop3A_107 : i32
        %parallel_loop3A_109 = arith.constant 4 : i32
        %parallel_loop3A_110 = arith.index_cast %rem3A_39 : i32 to index
        %parallel_loop3A_111 = arith.index_cast %parallel_loop3A_109 : i32 to index
        %parallel_loop3A_112 = arith.index_cast %parallel_loop3A_108 : i32 to index
        %parallel_loop3A_113 = tpu.vector_load %arg5[%parallel_loop3A_110, %parallel_loop3A_111, %parallel_loop3A_112] {strides = array<i32>} : memref<2x64x256xf32, #tpu.memory_space<vmem>>, vector<16xf32>,
        %parallel_loop3A_114 = arith.constant 4 : i32
        %parallel_loop3A_115 = vector.broadcast %parallel_loop3A_114 : i32 to vector<16xi32>
        %parallel_loop3A_116 = arith.addi %parallel_loop3A_66, %parallel_loop3A_115 : vector<16xi32>
        tpu.vector_store_idx %arg6[%parallel_loop3A_116], %parallel_loop3A_113 : memref<16656xf32, #tpu.memory_space<vmem>>[vector<16xi32>], vector<16xf32>,
        %parallel_loop3A_117 = arith.constant 16 : i32
        %parallel_loop3A_118 = arith.muli %parallel_loop3A_62, %parallel_loop3A_117 : i32
        %parallel_loop3A_119 = arith.constant 5 : i32
        %parallel_loop3A_120 = arith.index_cast %rem3A_39 : i32 to index
        %parallel_loop3A_121 = arith.index_cast %parallel_loop3A_119 : i32 to index
        %parallel_loop3A_122 = arith.index_cast %parallel_loop3A_118 : i32 to index
        %parallel_loop3A_123 = tpu.vector_load %arg5[%parallel_loop3A_120, %parallel_loop3A_121, %parallel_loop3A_122] {strides = array<i32>} : memref<2x64x256xf32, #tpu.memory_space<vmem>>, vector<16xf32>,
        %parallel_loop3A_124 = arith.constant 5 : i32
        %parallel_loop3A_125 = vector.broadcast %parallel_loop3A_124 : i32 to vector<16xi32>
        %parallel_loop3A_126 = arith.addi %parallel_loop3A_66, %parallel_loop3A_125 : vector<16xi32>
        tpu.vector_store_idx %arg6[%parallel_loop3A_126], %parallel_loop3A_123 : memref<16656xf32, #tpu.memory_space<vmem>>[vector<16xi32>], vector<16xf32>,
        %parallel_loop3A_127 = arith.constant 16 : i32
        %parallel_loop3A_128 = arith.muli %parallel_loop3A_62, %parallel_loop3A_127 : i32
        %parallel_loop3A_129 = arith.constant 6 : i32
        %parallel_loop3A_130 = arith.index_cast %rem3A_39 : i32 to index
        %parallel_loop3A_131 = arith.index_cast %parallel_loop3A_129 : i32 to index
        %parallel_loop3A_132 = arith.index_cast %parallel_loop3A_128 : i32 to index
        %parallel_loop3A_133 = tpu.vector_load %arg5[%parallel_loop3A_130, %parallel_loop3A_131, %parallel_loop3A_132] {strides = array<i32>} : memref<2x64x256xf32, #tpu.memory_space<vmem>>, vector<16xf32>,
        %parallel_loop3A_134 = arith.constant 6 : i32
        %parallel_loop3A_135 = vector.broadcast %parallel_loop3A_134 : i32 to vector<16xi32>
        %parallel_loop3A_136 = arith.addi %parallel_loop3A_66, %parallel_loop3A_135 : vector<16xi32>
        tpu.vector_store_idx %arg6[%parallel_loop3A_136], %parallel_loop3A_133 : memref<16656xf32, #tpu.memory_space<vmem>>[vector<16xi32>], vector<16xf32>,
        %parallel_loop3A_137 = arith.constant 16 : i32
        %parallel_loop3A_138 = arith.muli %parallel_loop3A_62, %parallel_loop3A_137 : i32
        %parallel_loop3A_139 = arith.constant 7 : i32
        %parallel_loop3A_140 = arith.index_cast %rem3A_39 : i32 to index
        %parallel_loop3A_141 = arith.index_cast %parallel_loop3A_139 : i32 to index
        %parallel_loop3A_142 = arith.index_cast %parallel_loop3A_138 : i32 to index
        %parallel_loop3A_143 = tpu.vector_load %arg5[%parallel_loop3A_140, %parallel_loop3A_141, %parallel_loop3A_142] {strides = array<i32>} : memref<2x64x256xf32, #tpu.memory_space<vmem>>, vector<16xf32>,
        %parallel_loop3A_144 = arith.constant 7 : i32
        %parallel_loop3A_145 = vector.broadcast %parallel_loop3A_144 : i32 to vector<16xi32>
        %parallel_loop3A_146 = arith.addi %parallel_loop3A_66, %parallel_loop3A_145 : vector<16xi32>
        tpu.vector_store_idx %arg6[%parallel_loop3A_146], %parallel_loop3A_143 : memref<16656xf32, #tpu.memory_space<vmem>>[vector<16xi32>], vector<16xf32>,
        %parallel_loop3A_147 = arith.constant 16 : i32
        %parallel_loop3A_148 = arith.muli %parallel_loop3A_62, %parallel_loop3A_147 : i32
        %parallel_loop3A_149 = arith.constant 8 : i32
        %parallel_loop3A_150 = arith.index_cast %rem3A_39 : i32 to index
        %parallel_loop3A_151 = arith.index_cast %parallel_loop3A_149 : i32 to index
        %parallel_loop3A_152 = arith.index_cast %parallel_loop3A_148 : i32 to index
        %parallel_loop3A_153 = tpu.vector_load %arg5[%parallel_loop3A_150, %parallel_loop3A_151, %parallel_loop3A_152] {strides = array<i32>} : memref<2x64x256xf32, #tpu.memory_space<vmem>>, vector<16xf32>,
        %parallel_loop3A_154 = arith.constant 8 : i32
        %parallel_loop3A_155 = vector.broadcast %parallel_loop3A_154 : i32 to vector<16xi32>
        %parallel_loop3A_156 = arith.addi %parallel_loop3A_66, %parallel_loop3A_155 : vector<16xi32>
        tpu.vector_store_idx %arg6[%parallel_loop3A_156], %parallel_loop3A_153 : memref<16656xf32, #tpu.memory_space<vmem>>[vector<16xi32>], vector<16xf32>,
        %parallel_loop3A_157 = arith.constant 16 : i32
        %parallel_loop3A_158 = arith.muli %parallel_loop3A_62, %parallel_loop3A_157 : i32
        %parallel_loop3A_159 = arith.constant 9 : i32
        %parallel_loop3A_160 = arith.index_cast %rem3A_39 : i32 to index
        %parallel_loop3A_161 = arith.index_cast %parallel_loop3A_159 : i32 to index
        %parallel_loop3A_162 = arith.index_cast %parallel_loop3A_158 : i32 to index
        %parallel_loop3A_163 = tpu.vector_load %arg5[%parallel_loop3A_160, %parallel_loop3A_161, %parallel_loop3A_162] {strides = array<i32>} : memref<2x64x256xf32, #tpu.memory_space<vmem>>, vector<16xf32>,
        %parallel_loop3A_164 = arith.constant 9 : i32
        %parallel_loop3A_165 = vector.broadcast %parallel_loop3A_164 : i32 to vector<16xi32>
        %parallel_loop3A_166 = arith.addi %parallel_loop3A_66, %parallel_loop3A_165 : vector<16xi32>
        tpu.vector_store_idx %arg6[%parallel_loop3A_166], %parallel_loop3A_163 : memref<16656xf32, #tpu.memory_space<vmem>>[vector<16xi32>], vector<16xf32>,
        %parallel_loop3A_167 = arith.constant 16 : i32
        %parallel_loop3A_168 = arith.muli %parallel_loop3A_62, %parallel_loop3A_167 : i32
        %parallel_loop3A_169 = arith.constant 10 : i32
        %parallel_loop3A_170 = arith.index_cast %rem3A_39 : i32 to index
        %parallel_loop3A_171 = arith.index_cast %parallel_loop3A_169 : i32 to index
        %parallel_loop3A_172 = arith.index_cast %parallel_loop3A_168 : i32 to index
        %parallel_loop3A_173 = tpu.vector_load %arg5[%parallel_loop3A_170, %parallel_loop3A_171, %parallel_loop3A_172] {strides = array<i32>} : memref<2x64x256xf32, #tpu.memory_space<vmem>>, vector<16xf32>,
        %parallel_loop3A_174 = arith.constant 10 : i32
        %parallel_loop3A_175 = vector.broadcast %parallel_loop3A_174 : i32 to vector<16xi32>
        %parallel_loop3A_176 = arith.addi %parallel_loop3A_66, %parallel_loop3A_175 : vector<16xi32>
        tpu.vector_store_idx %arg6[%parallel_loop3A_176], %parallel_loop3A_173 : memref<16656xf32, #tpu.memory_space<vmem>>[vector<16xi32>], vector<16xf32>,
        %parallel_loop3A_177 = arith.constant 16 : i32
        %parallel_loop3A_178 = arith.muli %parallel_loop3A_62, %parallel_loop3A_177 : i32
        %parallel_loop3A_179 = arith.constant 11 : i32
        %parallel_loop3A_180 = arith.index_cast %rem3A_39 : i32 to index
        %parallel_loop3A_181 = arith.index_cast %parallel_loop3A_179 : i32 to index
        %parallel_loop3A_182 = arith.index_cast %parallel_loop3A_178 : i32 to index
        %parallel_loop3A_183 = tpu.vector_load %arg5[%parallel_loop3A_180, %parallel_loop3A_181, %parallel_loop3A_182] {strides = array<i32>} : memref<2x64x256xf32, #tpu.memory_space<vmem>>, vector<16xf32>,
        %parallel_loop3A_184 = arith.constant 11 : i32
        %parallel_loop3A_185 = vector.broadcast %parallel_loop3A_184 : i32 to vector<16xi32>
        %parallel_loop3A_186 = arith.addi %parallel_loop3A_66, %parallel_loop3A_185 : vector<16xi32>
        tpu.vector_store_idx %arg6[%parallel_loop3A_186], %parallel_loop3A_183 : memref<16656xf32, #tpu.memory_space<vmem>>[vector<16xi32>], vector<16xf32>,
        %parallel_loop3A_187 = arith.constant 16 : i32
        %parallel_loop3A_188 = arith.muli %parallel_loop3A_62, %parallel_loop3A_187 : i32
        %parallel_loop3A_189 = arith.constant 12 : i32
        %parallel_loop3A_190 = arith.index_cast %rem3A_39 : i32 to index
        %parallel_loop3A_191 = arith.index_cast %parallel_loop3A_189 : i32 to index
        %parallel_loop3A_192 = arith.index_cast %parallel_loop3A_188 : i32 to index
        %parallel_loop3A_193 = tpu.vector_load %arg5[%parallel_loop3A_190, %parallel_loop3A_191, %parallel_loop3A_192] {strides = array<i32>} : memref<2x64x256xf32, #tpu.memory_space<vmem>>, vector<16xf32>,
        %parallel_loop3A_194 = arith.constant 12 : i32
        %parallel_loop3A_195 = vector.broadcast %parallel_loop3A_194 : i32 to vector<16xi32>
        %parallel_loop3A_196 = arith.addi %parallel_loop3A_66, %parallel_loop3A_195 : vector<16xi32>
        tpu.vector_store_idx %arg6[%parallel_loop3A_196], %parallel_loop3A_193 : memref<16656xf32, #tpu.memory_space<vmem>>[vector<16xi32>], vector<16xf32>,
        %parallel_loop3A_197 = arith.constant 16 : i32
        %parallel_loop3A_198 = arith.muli %parallel_loop3A_62, %parallel_loop3A_197 : i32
        %parallel_loop3A_199 = arith.constant 13 : i32
        %parallel_loop3A_200 = arith.index_cast %rem3A_39 : i32 to index
        %parallel_loop3A_201 = arith.index_cast %parallel_loop3A_199 : i32 to index
        %parallel_loop3A_202 = arith.index_cast %parallel_loop3A_198 : i32 to index
        %parallel_loop3A_203 = tpu.vector_load %arg5[%parallel_loop3A_200, %parallel_loop3A_201, %parallel_loop3A_202] {strides = array<i32>} : memref<2x64x256xf32, #tpu.memory_space<vmem>>, vector<16xf32>,
        %parallel_loop3A_204 = arith.constant 13 : i32
        %parallel_loop3A_205 = vector.broadcast %parallel_loop3A_204 : i32 to vector<16xi32>
        %parallel_loop3A_206 = arith.addi %parallel_loop3A_66, %parallel_loop3A_205 : vector<16xi32>
        tpu.vector_store_idx %arg6[%parallel_loop3A_206], %parallel_loop3A_203 : memref<16656xf32, #tpu.memory_space<vmem>>[vector<16xi32>], vector<16xf32>,
        %parallel_loop3A_207 = arith.constant 16 : i32
        %parallel_loop3A_208 = arith.muli %parallel_loop3A_62, %parallel_loop3A_207 : i32
        %parallel_loop3A_209 = arith.constant 14 : i32
        %parallel_loop3A_210 = arith.index_cast %rem3A_39 : i32 to index
        %parallel_loop3A_211 = arith.index_cast %parallel_loop3A_209 : i32 to index
        %parallel_loop3A_212 = arith.index_cast %parallel_loop3A_208 : i32 to index
        %parallel_loop3A_213 = tpu.vector_load %arg5[%parallel_loop3A_210, %parallel_loop3A_211, %parallel_loop3A_212] {strides = array<i32>} : memref<2x64x256xf32, #tpu.memory_space<vmem>>, vector<16xf32>,
        %parallel_loop3A_214 = arith.constant 14 : i32
        %parallel_loop3A_215 = vector.broadcast %parallel_loop3A_214 : i32 to vector<16xi32>
        %parallel_loop3A_216 = arith.addi %parallel_loop3A_66, %parallel_loop3A_215 : vector<16xi32>
        tpu.vector_store_idx %arg6[%parallel_loop3A_216], %parallel_loop3A_213 : memref<16656xf32, #tpu.memory_space<vmem>>[vector<16xi32>], vector<16xf32>,
        %parallel_loop3A_217 = arith.constant 16 : i32
        %parallel_loop3A_218 = arith.muli %parallel_loop3A_62, %parallel_loop3A_217 : i32
        %parallel_loop3A_219 = arith.constant 15 : i32
        %parallel_loop3A_220 = arith.index_cast %rem3A_39 : i32 to index
        %parallel_loop3A_221 = arith.index_cast %parallel_loop3A_219 : i32 to index
        %parallel_loop3A_222 = arith.index_cast %parallel_loop3A_218 : i32 to index
        %parallel_loop3A_223 = tpu.vector_load %arg5[%parallel_loop3A_220, %parallel_loop3A_221, %parallel_loop3A_222] {strides = array<i32>} : memref<2x64x256xf32, #tpu.memory_space<vmem>>, vector<16xf32>,
        %parallel_loop3A_224 = arith.constant 15 : i32
        %parallel_loop3A_225 = vector.broadcast %parallel_loop3A_224 : i32 to vector<16xi32>
        %parallel_loop3A_226 = arith.addi %parallel_loop3A_66, %parallel_loop3A_225 : vector<16xi32>
        tpu.vector_store_idx %arg6[%parallel_loop3A_226], %parallel_loop3A_223 : memref<16656xf32, #tpu.memory_space<vmem>>[vector<16xi32>], vector<16xf32>,
        %parallel_loop3A_227 = arith.constant 16 : i32
        %parallel_loop3A_228 = arith.muli %parallel_loop3A_62, %parallel_loop3A_227 : i32
        %parallel_loop3A_229 = arith.constant 16 : i32
        %parallel_loop3A_230 = arith.index_cast %rem3A_39 : i32 to index
        %parallel_loop3A_231 = arith.index_cast %parallel_loop3A_229 : i32 to index
        %parallel_loop3A_232 = arith.index_cast %parallel_loop3A_228 : i32 to index
        %parallel_loop3A_233 = tpu.vector_load %arg5[%parallel_loop3A_230, %parallel_loop3A_231, %parallel_loop3A_232] {strides = array<i32>} : memref<2x64x256xf32, #tpu.memory_space<vmem>>, vector<16xf32>,
        %parallel_loop3A_234 = arith.constant 16 : i32
        %parallel_loop3A_235 = vector.broadcast %parallel_loop3A_234 : i32 to vector<16xi32>
        %parallel_loop3A_236 = arith.addi %parallel_loop3A_66, %parallel_loop3A_235 : vector<16xi32>
        tpu.vector_store_idx %arg6[%parallel_loop3A_236], %parallel_loop3A_233 : memref<16656xf32, #tpu.memory_space<vmem>>[vector<16xi32>], vector<16xf32>,
        %parallel_loop3A_237 = arith.constant 16 : i32
        %parallel_loop3A_238 = arith.muli %parallel_loop3A_62, %parallel_loop3A_237 : i32
        %parallel_loop3A_239 = arith.constant 17 : i32
        %parallel_loop3A_240 = arith.index_cast %rem3A_39 : i32 to index
        %parallel_loop3A_241 = arith.index_cast %parallel_loop3A_239 : i32 to index
        %parallel_loop3A_242 = arith.index_cast %parallel_loop3A_238 : i32 to index
        %parallel_loop3A_243 = tpu.vector_load %arg5[%parallel_loop3A_240, %parallel_loop3A_241, %parallel_loop3A_242] {strides = array<i32>} : memref<2x64x256xf32, #tpu.memory_space<vmem>>, vector<16xf32>,
        %parallel_loop3A_244 = arith.constant 17 : i32
        %parallel_loop3A_245 = vector.broadcast %parallel_loop3A_244 : i32 to vector<16xi32>
        %parallel_loop3A_246 = arith.addi %parallel_loop3A_66, %parallel_loop3A_245 : vector<16xi32>
        tpu.vector_store_idx %arg6[%parallel_loop3A_246], %parallel_loop3A_243 : memref<16656xf32, #tpu.memory_space<vmem>>[vector<16xi32>], vector<16xf32>,
        %parallel_loop3A_247 = arith.constant 16 : i32
        %parallel_loop3A_248 = arith.muli %parallel_loop3A_62, %parallel_loop3A_247 : i32
        %parallel_loop3A_249 = arith.constant 18 : i32
        %parallel_loop3A_250 = arith.index_cast %rem3A_39 : i32 to index
        %parallel_loop3A_251 = arith.index_cast %parallel_loop3A_249 : i32 to index
        %parallel_loop3A_252 = arith.index_cast %parallel_loop3A_248 : i32 to index
        %parallel_loop3A_253 = tpu.vector_load %arg5[%parallel_loop3A_250, %parallel_loop3A_251, %parallel_loop3A_252] {strides = array<i32>} : memref<2x64x256xf32, #tpu.memory_space<vmem>>, vector<16xf32>,
        %parallel_loop3A_254 = arith.constant 18 : i32
        %parallel_loop3A_255 = vector.broadcast %parallel_loop3A_254 : i32 to vector<16xi32>
        %parallel_loop3A_256 = arith.addi %parallel_loop3A_66, %parallel_loop3A_255 : vector<16xi32>
        tpu.vector_store_idx %arg6[%parallel_loop3A_256], %parallel_loop3A_253 : memref<16656xf32, #tpu.memory_space<vmem>>[vector<16xi32>], vector<16xf32>,
        %parallel_loop3A_257 = arith.constant 16 : i32
        %parallel_loop3A_258 = arith.muli %parallel_loop3A_62, %parallel_loop3A_257 : i32
        %parallel_loop3A_259 = arith.constant 19 : i32
        %parallel_loop3A_260 = arith.index_cast %rem3A_39 : i32 to index
        %parallel_loop3A_261 = arith.index_cast %parallel_loop3A_259 : i32 to index
        %parallel_loop3A_262 = arith.index_cast %parallel_loop3A_258 : i32 to index
        %parallel_loop3A_263 = tpu.vector_load %arg5[%parallel_loop3A_260, %parallel_loop3A_261, %parallel_loop3A_262] {strides = array<i32>} : memref<2x64x256xf32, #tpu.memory_space<vmem>>, vector<16xf32>,
        %parallel_loop3A_264 = arith.constant 19 : i32
        %parallel_loop3A_265 = vector.broadcast %parallel_loop3A_264 : i32 to vector<16xi32>
        %parallel_loop3A_266 = arith.addi %parallel_loop3A_66, %parallel_loop3A_265 : vector<16xi32>
        tpu.vector_store_idx %arg6[%parallel_loop3A_266], %parallel_loop3A_263 : memref<16656xf32, #tpu.memory_space<vmem>>[vector<16xi32>], vector<16xf32>,
        %parallel_loop3A_267 = arith.constant 16 : i32
        %parallel_loop3A_268 = arith.muli %parallel_loop3A_62, %parallel_loop3A_267 : i32
        %parallel_loop3A_269 = arith.constant 20 : i32
        %parallel_loop3A_270 = arith.index_cast %rem3A_39 : i32 to index
        %parallel_loop3A_271 = arith.index_cast %parallel_loop3A_269 : i32 to index
        %parallel_loop3A_272 = arith.index_cast %parallel_loop3A_268 : i32 to index
        %parallel_loop3A_273 = tpu.vector_load %arg5[%parallel_loop3A_270, %parallel_loop3A_271, %parallel_loop3A_272] {strides = array<i32>} : memref<2x64x256xf32, #tpu.memory_space<vmem>>, vector<16xf32>,
        %parallel_loop3A_274 = arith.constant 20 : i32
        %parallel_loop3A_275 = vector.broadcast %parallel_loop3A_274 : i32 to vector<16xi32>
        %parallel_loop3A_276 = arith.addi %parallel_loop3A_66, %parallel_loop3A_275 : vector<16xi32>
        tpu.vector_store_idx %arg6[%parallel_loop3A_276], %parallel_loop3A_273 : memref<16656xf32, #tpu.memory_space<vmem>>[vector<16xi32>], vector<16xf32>,
        %parallel_loop3A_277 = arith.constant 16 : i32
        %parallel_loop3A_278 = arith.muli %parallel_loop3A_62, %parallel_loop3A_277 : i32
        %parallel_loop3A_279 = arith.constant 21 : i32
        %parallel_loop3A_280 = arith.index_cast %rem3A_39 : i32 to index
        %parallel_loop3A_281 = arith.index_cast %parallel_loop3A_279 : i32 to index
        %parallel_loop3A_282 = arith.index_cast %parallel_loop3A_278 : i32 to index
        %parallel_loop3A_283 = tpu.vector_load %arg5[%parallel_loop3A_280, %parallel_loop3A_281, %parallel_loop3A_282] {strides = array<i32>} : memref<2x64x256xf32, #tpu.memory_space<vmem>>, vector<16xf32>,
        %parallel_loop3A_284 = arith.constant 21 : i32
        %parallel_loop3A_285 = vector.broadcast %parallel_loop3A_284 : i32 to vector<16xi32>
        %parallel_loop3A_286 = arith.addi %parallel_loop3A_66, %parallel_loop3A_285 : vector<16xi32>
        tpu.vector_store_idx %arg6[%parallel_loop3A_286], %parallel_loop3A_283 : memref<16656xf32, #tpu.memory_space<vmem>>[vector<16xi32>], vector<16xf32>,
        %parallel_loop3A_287 = arith.constant 16 : i32
        %parallel_loop3A_288 = arith.muli %parallel_loop3A_62, %parallel_loop3A_287 : i32
        %parallel_loop3A_289 = arith.constant 22 : i32
        %parallel_loop3A_290 = arith.index_cast %rem3A_39 : i32 to index
        %parallel_loop3A_291 = arith.index_cast %parallel_loop3A_289 : i32 to index
        %parallel_loop3A_292 = arith.index_cast %parallel_loop3A_288 : i32 to index
        %parallel_loop3A_293 = tpu.vector_load %arg5[%parallel_loop3A_290, %parallel_loop3A_291, %parallel_loop3A_292] {strides = array<i32>} : memref<2x64x256xf32, #tpu.memory_space<vmem>>, vector<16xf32>,
        %parallel_loop3A_294 = arith.constant 22 : i32
        %parallel_loop3A_295 = vector.broadcast %parallel_loop3A_294 : i32 to vector<16xi32>
        %parallel_loop3A_296 = arith.addi %parallel_loop3A_66, %parallel_loop3A_295 : vector<16xi32>
        tpu.vector_store_idx %arg6[%parallel_loop3A_296], %parallel_loop3A_293 : memref<16656xf32, #tpu.memory_space<vmem>>[vector<16xi32>], vector<16xf32>,
        %parallel_loop3A_297 = arith.constant 16 : i32
        %parallel_loop3A_298 = arith.muli %parallel_loop3A_62, %parallel_loop3A_297 : i32
        %parallel_loop3A_299 = arith.constant 23 : i32
        %parallel_loop3A_300 = arith.index_cast %rem3A_39 : i32 to index
        %parallel_loop3A_301 = arith.index_cast %parallel_loop3A_299 : i32 to index
        %parallel_loop3A_302 = arith.index_cast %parallel_loop3A_298 : i32 to index
        %parallel_loop3A_303 = tpu.vector_load %arg5[%parallel_loop3A_300, %parallel_loop3A_301, %parallel_loop3A_302] {strides = array<i32>} : memref<2x64x256xf32, #tpu.memory_space<vmem>>, vector<16xf32>,
        %parallel_loop3A_304 = arith.constant 23 : i32
        %parallel_loop3A_305 = vector.broadcast %parallel_loop3A_304 : i32 to vector<16xi32>
        %parallel_loop3A_306 = arith.addi %parallel_loop3A_66, %parallel_loop3A_305 : vector<16xi32>
        tpu.vector_store_idx %arg6[%parallel_loop3A_306], %parallel_loop3A_303 : memref<16656xf32, #tpu.memory_space<vmem>>[vector<16xi32>], vector<16xf32>,
        %parallel_loop3A_307 = arith.constant 16 : i32
        %parallel_loop3A_308 = arith.muli %parallel_loop3A_62, %parallel_loop3A_307 : i32
        %parallel_loop3A_309 = arith.constant 24 : i32
        %parallel_loop3A_310 = arith.index_cast %rem3A_39 : i32 to index
        %parallel_loop3A_311 = arith.index_cast %parallel_loop3A_309 : i32 to index
        %parallel_loop3A_312 = arith.index_cast %parallel_loop3A_308 : i32 to index
        %parallel_loop3A_313 = tpu.vector_load %arg5[%parallel_loop3A_310, %parallel_loop3A_311, %parallel_loop3A_312] {strides = array<i32>} : memref<2x64x256xf32, #tpu.memory_space<vmem>>, vector<16xf32>,
        %parallel_loop3A_314 = arith.constant 24 : i32
        %parallel_loop3A_315 = vector.broadcast %parallel_loop3A_314 : i32 to vector<16xi32>
        %parallel_loop3A_316 = arith.addi %parallel_loop3A_66, %parallel_loop3A_315 : vector<16xi32>
        tpu.vector_store_idx %arg6[%parallel_loop3A_316], %parallel_loop3A_313 : memref<16656xf32, #tpu.memory_space<vmem>>[vector<16xi32>], vector<16xf32>,
        %parallel_loop3A_317 = arith.constant 16 : i32
        %parallel_loop3A_318 = arith.muli %parallel_loop3A_62, %parallel_loop3A_317 : i32
        %parallel_loop3A_319 = arith.constant 25 : i32
        %parallel_loop3A_320 = arith.index_cast %rem3A_39 : i32 to index
        %parallel_loop3A_321 = arith.index_cast %parallel_loop3A_319 : i32 to index
        %parallel_loop3A_322 = arith.index_cast %parallel_loop3A_318 : i32 to index
        %parallel_loop3A_323 = tpu.vector_load %arg5[%parallel_loop3A_320, %parallel_loop3A_321, %parallel_loop3A_322] {strides = array<i32>} : memref<2x64x256xf32, #tpu.memory_space<vmem>>, vector<16xf32>,
        %parallel_loop3A_324 = arith.constant 25 : i32
        %parallel_loop3A_325 = vector.broadcast %parallel_loop3A_324 : i32 to vector<16xi32>
        %parallel_loop3A_326 = arith.addi %parallel_loop3A_66, %parallel_loop3A_325 : vector<16xi32>
        tpu.vector_store_idx %arg6[%parallel_loop3A_326], %parallel_loop3A_323 : memref<16656xf32, #tpu.memory_space<vmem>>[vector<16xi32>], vector<16xf32>,
        %parallel_loop3A_327 = arith.constant 16 : i32
        %parallel_loop3A_328 = arith.muli %parallel_loop3A_62, %parallel_loop3A_327 : i32
        %parallel_loop3A_329 = arith.constant 26 : i32
        %parallel_loop3A_330 = arith.index_cast %rem3A_39 : i32 to index
        %parallel_loop3A_331 = arith.index_cast %parallel_loop3A_329 : i32 to index
        %parallel_loop3A_332 = arith.index_cast %parallel_loop3A_328 : i32 to index
        %parallel_loop3A_333 = tpu.vector_load %arg5[%parallel_loop3A_330, %parallel_loop3A_331, %parallel_loop3A_332] {strides = array<i32>} : memref<2x64x256xf32, #tpu.memory_space<vmem>>, vector<16xf32>,
        %parallel_loop3A_334 = arith.constant 26 : i32
        %parallel_loop3A_335 = vector.broadcast %parallel_loop3A_334 : i32 to vector<16xi32>
        %parallel_loop3A_336 = arith.addi %parallel_loop3A_66, %parallel_loop3A_335 : vector<16xi32>
        tpu.vector_store_idx %arg6[%parallel_loop3A_336], %parallel_loop3A_333 : memref<16656xf32, #tpu.memory_space<vmem>>[vector<16xi32>], vector<16xf32>,
        %parallel_loop3A_337 = arith.constant 16 : i32
        %parallel_loop3A_338 = arith.muli %parallel_loop3A_62, %parallel_loop3A_337 : i32
        %parallel_loop3A_339 = arith.constant 27 : i32
        %parallel_loop3A_340 = arith.index_cast %rem3A_39 : i32 to index
        %parallel_loop3A_341 = arith.index_cast %parallel_loop3A_339 : i32 to index
        %parallel_loop3A_342 = arith.index_cast %parallel_loop3A_338 : i32 to index
        %parallel_loop3A_343 = tpu.vector_load %arg5[%parallel_loop3A_340, %parallel_loop3A_341, %parallel_loop3A_342] {strides = array<i32>} : memref<2x64x256xf32, #tpu.memory_space<vmem>>, vector<16xf32>,
        %parallel_loop3A_344 = arith.constant 27 : i32
        %parallel_loop3A_345 = vector.broadcast %parallel_loop3A_344 : i32 to vector<16xi32>
        %parallel_loop3A_346 = arith.addi %parallel_loop3A_66, %parallel_loop3A_345 : vector<16xi32>
        tpu.vector_store_idx %arg6[%parallel_loop3A_346], %parallel_loop3A_343 : memref<16656xf32, #tpu.memory_space<vmem>>[vector<16xi32>], vector<16xf32>,
        %parallel_loop3A_347 = arith.constant 16 : i32
        %parallel_loop3A_348 = arith.muli %parallel_loop3A_62, %parallel_loop3A_347 : i32
        %parallel_loop3A_349 = arith.constant 28 : i32
        %parallel_loop3A_350 = arith.index_cast %rem3A_39 : i32 to index
        %parallel_loop3A_351 = arith.index_cast %parallel_loop3A_349 : i32 to index
        %parallel_loop3A_352 = arith.index_cast %parallel_loop3A_348 : i32 to index
        %parallel_loop3A_353 = tpu.vector_load %arg5[%parallel_loop3A_350, %parallel_loop3A_351, %parallel_loop3A_352] {strides = array<i32>} : memref<2x64x256xf32, #tpu.memory_space<vmem>>, vector<16xf32>,
        %parallel_loop3A_354 = arith.constant 28 : i32
        %parallel_loop3A_355 = vector.broadcast %parallel_loop3A_354 : i32 to vector<16xi32>
        %parallel_loop3A_356 = arith.addi %parallel_loop3A_66, %parallel_loop3A_355 : vector<16xi32>
        tpu.vector_store_idx %arg6[%parallel_loop3A_356], %parallel_loop3A_353 : memref<16656xf32, #tpu.memory_space<vmem>>[vector<16xi32>], vector<16xf32>,
        %parallel_loop3A_357 = arith.constant 16 : i32
        %parallel_loop3A_358 = arith.muli %parallel_loop3A_62, %parallel_loop3A_357 : i32
        %parallel_loop3A_359 = arith.constant 29 : i32
        %parallel_loop3A_360 = arith.index_cast %rem3A_39 : i32 to index
        %parallel_loop3A_361 = arith.index_cast %parallel_loop3A_359 : i32 to index
        %parallel_loop3A_362 = arith.index_cast %parallel_loop3A_358 : i32 to index
        %parallel_loop3A_363 = tpu.vector_load %arg5[%parallel_loop3A_360, %parallel_loop3A_361, %parallel_loop3A_362] {strides = array<i32>} : memref<2x64x256xf32, #tpu.memory_space<vmem>>, vector<16xf32>,
        %parallel_loop3A_364 = arith.constant 29 : i32
        %parallel_loop3A_365 = vector.broadcast %parallel_loop3A_364 : i32 to vector<16xi32>
        %parallel_loop3A_366 = arith.addi %parallel_loop3A_66, %parallel_loop3A_365 : vector<16xi32>
        tpu.vector_store_idx %arg6[%parallel_loop3A_366], %parallel_loop3A_363 : memref<16656xf32, #tpu.memory_space<vmem>>[vector<16xi32>], vector<16xf32>,
        %parallel_loop3A_367 = arith.constant 16 : i32
        %parallel_loop3A_368 = arith.muli %parallel_loop3A_62, %parallel_loop3A_367 : i32
        %parallel_loop3A_369 = arith.constant 30 : i32
        %parallel_loop3A_370 = arith.index_cast %rem3A_39 : i32 to index
        %parallel_loop3A_371 = arith.index_cast %parallel_loop3A_369 : i32 to index
        %parallel_loop3A_372 = arith.index_cast %parallel_loop3A_368 : i32 to index
        %parallel_loop3A_373 = tpu.vector_load %arg5[%parallel_loop3A_370, %parallel_loop3A_371, %parallel_loop3A_372] {strides = array<i32>} : memref<2x64x256xf32, #tpu.memory_space<vmem>>, vector<16xf32>,
        %parallel_loop3A_374 = arith.constant 30 : i32
        %parallel_loop3A_375 = vector.broadcast %parallel_loop3A_374 : i32 to vector<16xi32>
        %parallel_loop3A_376 = arith.addi %parallel_loop3A_66, %parallel_loop3A_375 : vector<16xi32>
        tpu.vector_store_idx %arg6[%parallel_loop3A_376], %parallel_loop3A_373 : memref<16656xf32, #tpu.memory_space<vmem>>[vector<16xi32>], vector<16xf32>,
        %parallel_loop3A_377 = arith.constant 16 : i32
        %parallel_loop3A_378 = arith.muli %parallel_loop3A_62, %parallel_loop3A_377 : i32
        %parallel_loop3A_379 = arith.constant 31 : i32
        %parallel_loop3A_380 = arith.index_cast %rem3A_39 : i32 to index
        %parallel_loop3A_381 = arith.index_cast %parallel_loop3A_379 : i32 to index
        %parallel_loop3A_382 = arith.index_cast %parallel_loop3A_378 : i32 to index
        %parallel_loop3A_383 = tpu.vector_load %arg5[%parallel_loop3A_380, %parallel_loop3A_381, %parallel_loop3A_382] {strides = array<i32>} : memref<2x64x256xf32, #tpu.memory_space<vmem>>, vector<16xf32>,
        %parallel_loop3A_384 = arith.constant 31 : i32
        %parallel_loop3A_385 = vector.broadcast %parallel_loop3A_384 : i32 to vector<16xi32>
        %parallel_loop3A_386 = arith.addi %parallel_loop3A_66, %parallel_loop3A_385 : vector<16xi32>
        tpu.vector_store_idx %arg6[%parallel_loop3A_386], %parallel_loop3A_383 : memref<16656xf32, #tpu.memory_space<vmem>>[vector<16xi32>], vector<16xf32>,
        %parallel_loop3A_387 = arith.constant 16 : i32
        %parallel_loop3A_388 = arith.muli %parallel_loop3A_62, %parallel_loop3A_387 : i32
        %parallel_loop3A_389 = arith.constant 32 : i32
        %parallel_loop3A_390 = arith.index_cast %rem3A_39 : i32 to index
        %parallel_loop3A_391 = arith.index_cast %parallel_loop3A_389 : i32 to index
        %parallel_loop3A_392 = arith.index_cast %parallel_loop3A_388 : i32 to index
        %parallel_loop3A_393 = tpu.vector_load %arg5[%parallel_loop3A_390, %parallel_loop3A_391, %parallel_loop3A_392] {strides = array<i32>} : memref<2x64x256xf32, #tpu.memory_space<vmem>>, vector<16xf32>,
        %parallel_loop3A_394 = arith.constant 32 : i32
        %parallel_loop3A_395 = vector.broadcast %parallel_loop3A_394 : i32 to vector<16xi32>
        %parallel_loop3A_396 = arith.addi %parallel_loop3A_66, %parallel_loop3A_395 : vector<16xi32>
        tpu.vector_store_idx %arg6[%parallel_loop3A_396], %parallel_loop3A_393 : memref<16656xf32, #tpu.memory_space<vmem>>[vector<16xi32>], vector<16xf32>,
        %parallel_loop3A_397 = arith.constant 16 : i32
        %parallel_loop3A_398 = arith.muli %parallel_loop3A_62, %parallel_loop3A_397 : i32
        %parallel_loop3A_399 = arith.constant 33 : i32
        %parallel_loop3A_400 = arith.index_cast %rem3A_39 : i32 to index
        %parallel_loop3A_401 = arith.index_cast %parallel_loop3A_399 : i32 to index
        %parallel_loop3A_402 = arith.index_cast %parallel_loop3A_398 : i32 to index
        %parallel_loop3A_403 = tpu.vector_load %arg5[%parallel_loop3A_400, %parallel_loop3A_401, %parallel_loop3A_402] {strides = array<i32>} : memref<2x64x256xf32, #tpu.memory_space<vmem>>, vector<16xf32>,
        %parallel_loop3A_404 = arith.constant 33 : i32
        %parallel_loop3A_405 = vector.broadcast %parallel_loop3A_404 : i32 to vector<16xi32>
        %parallel_loop3A_406 = arith.addi %parallel_loop3A_66, %parallel_loop3A_405 : vector<16xi32>
        tpu.vector_store_idx %arg6[%parallel_loop3A_406], %parallel_loop3A_403 : memref<16656xf32, #tpu.memory_space<vmem>>[vector<16xi32>], vector<16xf32>,
        %parallel_loop3A_407 = arith.constant 16 : i32
        %parallel_loop3A_408 = arith.muli %parallel_loop3A_62, %parallel_loop3A_407 : i32
        %parallel_loop3A_409 = arith.constant 34 : i32
        %parallel_loop3A_410 = arith.index_cast %rem3A_39 : i32 to index
        %parallel_loop3A_411 = arith.index_cast %parallel_loop3A_409 : i32 to index
        %parallel_loop3A_412 = arith.index_cast %parallel_loop3A_408 : i32 to index
        %parallel_loop3A_413 = tpu.vector_load %arg5[%parallel_loop3A_410, %parallel_loop3A_411, %parallel_loop3A_412] {strides = array<i32>} : memref<2x64x256xf32, #tpu.memory_space<vmem>>, vector<16xf32>,
        %parallel_loop3A_414 = arith.constant 34 : i32
        %parallel_loop3A_415 = vector.broadcast %parallel_loop3A_414 : i32 to vector<16xi32>
        %parallel_loop3A_416 = arith.addi %parallel_loop3A_66, %parallel_loop3A_415 : vector<16xi32>
        tpu.vector_store_idx %arg6[%parallel_loop3A_416], %parallel_loop3A_413 : memref<16656xf32, #tpu.memory_space<vmem>>[vector<16xi32>], vector<16xf32>,
        %parallel_loop3A_417 = arith.constant 16 : i32
        %parallel_loop3A_418 = arith.muli %parallel_loop3A_62, %parallel_loop3A_417 : i32
        %parallel_loop3A_419 = arith.constant 35 : i32
        %parallel_loop3A_420 = arith.index_cast %rem3A_39 : i32 to index
        %parallel_loop3A_421 = arith.index_cast %parallel_loop3A_419 : i32 to index
        %parallel_loop3A_422 = arith.index_cast %parallel_loop3A_418 : i32 to index
        %parallel_loop3A_423 = tpu.vector_load %arg5[%parallel_loop3A_420, %parallel_loop3A_421, %parallel_loop3A_422] {strides = array<i32>} : memref<2x64x256xf32, #tpu.memory_space<vmem>>, vector<16xf32>,
        %parallel_loop3A_424 = arith.constant 35 : i32
        %parallel_loop3A_425 = vector.broadcast %parallel_loop3A_424 : i32 to vector<16xi32>
        %parallel_loop3A_426 = arith.addi %parallel_loop3A_66, %parallel_loop3A_425 : vector<16xi32>
        tpu.vector_store_idx %arg6[%parallel_loop3A_426], %parallel_loop3A_423 : memref<16656xf32, #tpu.memory_space<vmem>>[vector<16xi32>], vector<16xf32>,
        %parallel_loop3A_427 = arith.constant 16 : i32
        %parallel_loop3A_428 = arith.muli %parallel_loop3A_62, %parallel_loop3A_427 : i32
        %parallel_loop3A_429 = arith.constant 36 : i32
        %parallel_loop3A_430 = arith.index_cast %rem3A_39 : i32 to index
        %parallel_loop3A_431 = arith.index_cast %parallel_loop3A_429 : i32 to index
        %parallel_loop3A_432 = arith.index_cast %parallel_loop3A_428 : i32 to index
        %parallel_loop3A_433 = tpu.vector_load %arg5[%parallel_loop3A_430, %parallel_loop3A_431, %parallel_loop3A_432] {strides = array<i32>} : memref<2x64x256xf32, #tpu.memory_space<vmem>>, vector<16xf32>,
        %parallel_loop3A_434 = arith.constant 36 : i32
        %parallel_loop3A_435 = vector.broadcast %parallel_loop3A_434 : i32 to vector<16xi32>
        %parallel_loop3A_436 = arith.addi %parallel_loop3A_66, %parallel_loop3A_435 : vector<16xi32>
        tpu.vector_store_idx %arg6[%parallel_loop3A_436], %parallel_loop3A_433 : memref<16656xf32, #tpu.memory_space<vmem>>[vector<16xi32>], vector<16xf32>,
        %parallel_loop3A_437 = arith.constant 16 : i32
        %parallel_loop3A_438 = arith.muli %parallel_loop3A_62, %parallel_loop3A_437 : i32
        %parallel_loop3A_439 = arith.constant 37 : i32
        %parallel_loop3A_440 = arith.index_cast %rem3A_39 : i32 to index
        %parallel_loop3A_441 = arith.index_cast %parallel_loop3A_439 : i32 to index
        %parallel_loop3A_442 = arith.index_cast %parallel_loop3A_438 : i32 to index
        %parallel_loop3A_443 = tpu.vector_load %arg5[%parallel_loop3A_440, %parallel_loop3A_441, %parallel_loop3A_442] {strides = array<i32>} : memref<2x64x256xf32, #tpu.memory_space<vmem>>, vector<16xf32>,
        %parallel_loop3A_444 = arith.constant 37 : i32
        %parallel_loop3A_445 = vector.broadcast %parallel_loop3A_444 : i32 to vector<16xi32>
        %parallel_loop3A_446 = arith.addi %parallel_loop3A_66, %parallel_loop3A_445 : vector<16xi32>
        tpu.vector_store_idx %arg6[%parallel_loop3A_446], %parallel_loop3A_443 : memref<16656xf32, #tpu.memory_space<vmem>>[vector<16xi32>], vector<16xf32>,
        %parallel_loop3A_447 = arith.constant 16 : i32
        %parallel_loop3A_448 = arith.muli %parallel_loop3A_62, %parallel_loop3A_447 : i32
        %parallel_loop3A_449 = arith.constant 38 : i32
        %parallel_loop3A_450 = arith.index_cast %rem3A_39 : i32 to index
        %parallel_loop3A_451 = arith.index_cast %parallel_loop3A_449 : i32 to index
        %parallel_loop3A_452 = arith.index_cast %parallel_loop3A_448 : i32 to index
        %parallel_loop3A_453 = tpu.vector_load %arg5[%parallel_loop3A_450, %parallel_loop3A_451, %parallel_loop3A_452] {strides = array<i32>} : memref<2x64x256xf32, #tpu.memory_space<vmem>>, vector<16xf32>,
        %parallel_loop3A_454 = arith.constant 38 : i32
        %parallel_loop3A_455 = vector.broadcast %parallel_loop3A_454 : i32 to vector<16xi32>
        %parallel_loop3A_456 = arith.addi %parallel_loop3A_66, %parallel_loop3A_455 : vector<16xi32>
        tpu.vector_store_idx %arg6[%parallel_loop3A_456], %parallel_loop3A_453 : memref<16656xf32, #tpu.memory_space<vmem>>[vector<16xi32>], vector<16xf32>,
        %parallel_loop3A_457 = arith.constant 16 : i32
        %parallel_loop3A_458 = arith.muli %parallel_loop3A_62, %parallel_loop3A_457 : i32
        %parallel_loop3A_459 = arith.constant 39 : i32
        %parallel_loop3A_460 = arith.index_cast %rem3A_39 : i32 to index
        %parallel_loop3A_461 = arith.index_cast %parallel_loop3A_459 : i32 to index
        %parallel_loop3A_462 = arith.index_cast %parallel_loop3A_458 : i32 to index
        %parallel_loop3A_463 = tpu.vector_load %arg5[%parallel_loop3A_460, %parallel_loop3A_461, %parallel_loop3A_462] {strides = array<i32>} : memref<2x64x256xf32, #tpu.memory_space<vmem>>, vector<16xf32>,
        %parallel_loop3A_464 = arith.constant 39 : i32
        %parallel_loop3A_465 = vector.broadcast %parallel_loop3A_464 : i32 to vector<16xi32>
        %parallel_loop3A_466 = arith.addi %parallel_loop3A_66, %parallel_loop3A_465 : vector<16xi32>
        tpu.vector_store_idx %arg6[%parallel_loop3A_466], %parallel_loop3A_463 : memref<16656xf32, #tpu.memory_space<vmem>>[vector<16xi32>], vector<16xf32>,
        %parallel_loop3A_467 = arith.constant 16 : i32
        %parallel_loop3A_468 = arith.muli %parallel_loop3A_62, %parallel_loop3A_467 : i32
        %parallel_loop3A_469 = arith.constant 40 : i32
        %parallel_loop3A_470 = arith.index_cast %rem3A_39 : i32 to index
        %parallel_loop3A_471 = arith.index_cast %parallel_loop3A_469 : i32 to index
        %parallel_loop3A_472 = arith.index_cast %parallel_loop3A_468 : i32 to index
        %parallel_loop3A_473 = tpu.vector_load %arg5[%parallel_loop3A_470, %parallel_loop3A_471, %parallel_loop3A_472] {strides = array<i32>} : memref<2x64x256xf32, #tpu.memory_space<vmem>>, vector<16xf32>,
        %parallel_loop3A_474 = arith.constant 40 : i32
        %parallel_loop3A_475 = vector.broadcast %parallel_loop3A_474 : i32 to vector<16xi32>
        %parallel_loop3A_476 = arith.addi %parallel_loop3A_66, %parallel_loop3A_475 : vector<16xi32>
        tpu.vector_store_idx %arg6[%parallel_loop3A_476], %parallel_loop3A_473 : memref<16656xf32, #tpu.memory_space<vmem>>[vector<16xi32>], vector<16xf32>,
        %parallel_loop3A_477 = arith.constant 16 : i32
        %parallel_loop3A_478 = arith.muli %parallel_loop3A_62, %parallel_loop3A_477 : i32
        %parallel_loop3A_479 = arith.constant 41 : i32
        %parallel_loop3A_480 = arith.index_cast %rem3A_39 : i32 to index
        %parallel_loop3A_481 = arith.index_cast %parallel_loop3A_479 : i32 to index
        %parallel_loop3A_482 = arith.index_cast %parallel_loop3A_478 : i32 to index
        %parallel_loop3A_483 = tpu.vector_load %arg5[%parallel_loop3A_480, %parallel_loop3A_481, %parallel_loop3A_482] {strides = array<i32>} : memref<2x64x256xf32, #tpu.memory_space<vmem>>, vector<16xf32>,
        %parallel_loop3A_484 = arith.constant 41 : i32
        %parallel_loop3A_485 = vector.broadcast %parallel_loop3A_484 : i32 to vector<16xi32>
        %parallel_loop3A_486 = arith.addi %parallel_loop3A_66, %parallel_loop3A_485 : vector<16xi32>
        tpu.vector_store_idx %arg6[%parallel_loop3A_486], %parallel_loop3A_483 : memref<16656xf32, #tpu.memory_space<vmem>>[vector<16xi32>], vector<16xf32>,
        %parallel_loop3A_487 = arith.constant 16 : i32
        %parallel_loop3A_488 = arith.muli %parallel_loop3A_62, %parallel_loop3A_487 : i32
        %parallel_loop3A_489 = arith.constant 42 : i32
        %parallel_loop3A_490 = arith.index_cast %rem3A_39 : i32 to index
        %parallel_loop3A_491 = arith.index_cast %parallel_loop3A_489 : i32 to index
        %parallel_loop3A_492 = arith.index_cast %parallel_loop3A_488 : i32 to index
        %parallel_loop3A_493 = tpu.vector_load %arg5[%parallel_loop3A_490, %parallel_loop3A_491, %parallel_loop3A_492] {strides = array<i32>} : memref<2x64x256xf32, #tpu.memory_space<vmem>>, vector<16xf32>,
        %parallel_loop3A_494 = arith.constant 42 : i32
        %parallel_loop3A_495 = vector.broadcast %parallel_loop3A_494 : i32 to vector<16xi32>
        %parallel_loop3A_496 = arith.addi %parallel_loop3A_66, %parallel_loop3A_495 : vector<16xi32>
        tpu.vector_store_idx %arg6[%parallel_loop3A_496], %parallel_loop3A_493 : memref<16656xf32, #tpu.memory_space<vmem>>[vector<16xi32>], vector<16xf32>,
        %parallel_loop3A_497 = arith.constant 16 : i32
        %parallel_loop3A_498 = arith.muli %parallel_loop3A_62, %parallel_loop3A_497 : i32
        %parallel_loop3A_499 = arith.constant 43 : i32
        %parallel_loop3A_500 = arith.index_cast %rem3A_39 : i32 to index
        %parallel_loop3A_501 = arith.index_cast %parallel_loop3A_499 : i32 to index
        %parallel_loop3A_502 = arith.index_cast %parallel_loop3A_498 : i32 to index
        %parallel_loop3A_503 = tpu.vector_load %arg5[%parallel_loop3A_500, %parallel_loop3A_501, %parallel_loop3A_502] {strides = array<i32>} : memref<2x64x256xf32, #tpu.memory_space<vmem>>, vector<16xf32>,
        %parallel_loop3A_504 = arith.constant 43 : i32
        %parallel_loop3A_505 = vector.broadcast %parallel_loop3A_504 : i32 to vector<16xi32>
        %parallel_loop3A_506 = arith.addi %parallel_loop3A_66, %parallel_loop3A_505 : vector<16xi32>
        tpu.vector_store_idx %arg6[%parallel_loop3A_506], %parallel_loop3A_503 : memref<16656xf32, #tpu.memory_space<vmem>>[vector<16xi32>], vector<16xf32>,
        %parallel_loop3A_507 = arith.constant 16 : i32
        %parallel_loop3A_508 = arith.muli %parallel_loop3A_62, %parallel_loop3A_507 : i32
        %parallel_loop3A_509 = arith.constant 44 : i32
        %parallel_loop3A_510 = arith.index_cast %rem3A_39 : i32 to index
        %parallel_loop3A_511 = arith.index_cast %parallel_loop3A_509 : i32 to index
        %parallel_loop3A_512 = arith.index_cast %parallel_loop3A_508 : i32 to index
        %parallel_loop3A_513 = tpu.vector_load %arg5[%parallel_loop3A_510, %parallel_loop3A_511, %parallel_loop3A_512] {strides = array<i32>} : memref<2x64x256xf32, #tpu.memory_space<vmem>>, vector<16xf32>,
        %parallel_loop3A_514 = arith.constant 44 : i32
        %parallel_loop3A_515 = vector.broadcast %parallel_loop3A_514 : i32 to vector<16xi32>
        %parallel_loop3A_516 = arith.addi %parallel_loop3A_66, %parallel_loop3A_515 : vector<16xi32>
        tpu.vector_store_idx %arg6[%parallel_loop3A_516], %parallel_loop3A_513 : memref<16656xf32, #tpu.memory_space<vmem>>[vector<16xi32>], vector<16xf32>,
        %parallel_loop3A_517 = arith.constant 16 : i32
        %parallel_loop3A_518 = arith.muli %parallel_loop3A_62, %parallel_loop3A_517 : i32
        %parallel_loop3A_519 = arith.constant 45 : i32
        %parallel_loop3A_520 = arith.index_cast %rem3A_39 : i32 to index
        %parallel_loop3A_521 = arith.index_cast %parallel_loop3A_519 : i32 to index
        %parallel_loop3A_522 = arith.index_cast %parallel_loop3A_518 : i32 to index
        %parallel_loop3A_523 = tpu.vector_load %arg5[%parallel_loop3A_520, %parallel_loop3A_521, %parallel_loop3A_522] {strides = array<i32>} : memref<2x64x256xf32, #tpu.memory_space<vmem>>, vector<16xf32>,
        %parallel_loop3A_524 = arith.constant 45 : i32
        %parallel_loop3A_525 = vector.broadcast %parallel_loop3A_524 : i32 to vector<16xi32>
        %parallel_loop3A_526 = arith.addi %parallel_loop3A_66, %parallel_loop3A_525 : vector<16xi32>
        tpu.vector_store_idx %arg6[%parallel_loop3A_526], %parallel_loop3A_523 : memref<16656xf32, #tpu.memory_space<vmem>>[vector<16xi32>], vector<16xf32>,
        %parallel_loop3A_527 = arith.constant 16 : i32
        %parallel_loop3A_528 = arith.muli %parallel_loop3A_62, %parallel_loop3A_527 : i32
        %parallel_loop3A_529 = arith.constant 46 : i32
        %parallel_loop3A_530 = arith.index_cast %rem3A_39 : i32 to index
        %parallel_loop3A_531 = arith.index_cast %parallel_loop3A_529 : i32 to index
        %parallel_loop3A_532 = arith.index_cast %parallel_loop3A_528 : i32 to index
        %parallel_loop3A_533 = tpu.vector_load %arg5[%parallel_loop3A_530, %parallel_loop3A_531, %parallel_loop3A_532] {strides = array<i32>} : memref<2x64x256xf32, #tpu.memory_space<vmem>>, vector<16xf32>,
        %parallel_loop3A_534 = arith.constant 46 : i32
        %parallel_loop3A_535 = vector.broadcast %parallel_loop3A_534 : i32 to vector<16xi32>
        %parallel_loop3A_536 = arith.addi %parallel_loop3A_66, %parallel_loop3A_535 : vector<16xi32>
        tpu.vector_store_idx %arg6[%parallel_loop3A_536], %parallel_loop3A_533 : memref<16656xf32, #tpu.memory_space<vmem>>[vector<16xi32>], vector<16xf32>,
        %parallel_loop3A_537 = arith.constant 16 : i32
        %parallel_loop3A_538 = arith.muli %parallel_loop3A_62, %parallel_loop3A_537 : i32
        %parallel_loop3A_539 = arith.constant 47 : i32
        %parallel_loop3A_540 = arith.index_cast %rem3A_39 : i32 to index
        %parallel_loop3A_541 = arith.index_cast %parallel_loop3A_539 : i32 to index
        %parallel_loop3A_542 = arith.index_cast %parallel_loop3A_538 : i32 to index
        %parallel_loop3A_543 = tpu.vector_load %arg5[%parallel_loop3A_540, %parallel_loop3A_541, %parallel_loop3A_542] {strides = array<i32>} : memref<2x64x256xf32, #tpu.memory_space<vmem>>, vector<16xf32>,
        %parallel_loop3A_544 = arith.constant 47 : i32
        %parallel_loop3A_545 = vector.broadcast %parallel_loop3A_544 : i32 to vector<16xi32>
        %parallel_loop3A_546 = arith.addi %parallel_loop3A_66, %parallel_loop3A_545 : vector<16xi32>
        tpu.vector_store_idx %arg6[%parallel_loop3A_546], %parallel_loop3A_543 : memref<16656xf32, #tpu.memory_space<vmem>>[vector<16xi32>], vector<16xf32>,
        %parallel_loop3A_547 = arith.constant 16 : i32
        %parallel_loop3A_548 = arith.muli %parallel_loop3A_62, %parallel_loop3A_547 : i32
        %parallel_loop3A_549 = arith.constant 48 : i32
        %parallel_loop3A_550 = arith.index_cast %rem3A_39 : i32 to index
        %parallel_loop3A_551 = arith.index_cast %parallel_loop3A_549 : i32 to index
        %parallel_loop3A_552 = arith.index_cast %parallel_loop3A_548 : i32 to index
        %parallel_loop3A_553 = tpu.vector_load %arg5[%parallel_loop3A_550, %parallel_loop3A_551, %parallel_loop3A_552] {strides = array<i32>} : memref<2x64x256xf32, #tpu.memory_space<vmem>>, vector<16xf32>,
        %parallel_loop3A_554 = arith.constant 48 : i32
        %parallel_loop3A_555 = vector.broadcast %parallel_loop3A_554 : i32 to vector<16xi32>
        %parallel_loop3A_556 = arith.addi %parallel_loop3A_66, %parallel_loop3A_555 : vector<16xi32>
        tpu.vector_store_idx %arg6[%parallel_loop3A_556], %parallel_loop3A_553 : memref<16656xf32, #tpu.memory_space<vmem>>[vector<16xi32>], vector<16xf32>,
        %parallel_loop3A_557 = arith.constant 16 : i32
        %parallel_loop3A_558 = arith.muli %parallel_loop3A_62, %parallel_loop3A_557 : i32
        %parallel_loop3A_559 = arith.constant 49 : i32
        %parallel_loop3A_560 = arith.index_cast %rem3A_39 : i32 to index
        %parallel_loop3A_561 = arith.index_cast %parallel_loop3A_559 : i32 to index
        %parallel_loop3A_562 = arith.index_cast %parallel_loop3A_558 : i32 to index
        %parallel_loop3A_563 = tpu.vector_load %arg5[%parallel_loop3A_560, %parallel_loop3A_561, %parallel_loop3A_562] {strides = array<i32>} : memref<2x64x256xf32, #tpu.memory_space<vmem>>, vector<16xf32>,
        %parallel_loop3A_564 = arith.constant 49 : i32
        %parallel_loop3A_565 = vector.broadcast %parallel_loop3A_564 : i32 to vector<16xi32>
        %parallel_loop3A_566 = arith.addi %parallel_loop3A_66, %parallel_loop3A_565 : vector<16xi32>
        tpu.vector_store_idx %arg6[%parallel_loop3A_566], %parallel_loop3A_563 : memref<16656xf32, #tpu.memory_space<vmem>>[vector<16xi32>], vector<16xf32>,
        %parallel_loop3A_567 = arith.constant 16 : i32
        %parallel_loop3A_568 = arith.muli %parallel_loop3A_62, %parallel_loop3A_567 : i32
        %parallel_loop3A_569 = arith.constant 50 : i32
        %parallel_loop3A_570 = arith.index_cast %rem3A_39 : i32 to index
        %parallel_loop3A_571 = arith.index_cast %parallel_loop3A_569 : i32 to index
        %parallel_loop3A_572 = arith.index_cast %parallel_loop3A_568 : i32 to index
        %parallel_loop3A_573 = tpu.vector_load %arg5[%parallel_loop3A_570, %parallel_loop3A_571, %parallel_loop3A_572] {strides = array<i32>} : memref<2x64x256xf32, #tpu.memory_space<vmem>>, vector<16xf32>,
        %parallel_loop3A_574 = arith.constant 50 : i32
        %parallel_loop3A_575 = vector.broadcast %parallel_loop3A_574 : i32 to vector<16xi32>
        %parallel_loop3A_576 = arith.addi %parallel_loop3A_66, %parallel_loop3A_575 : vector<16xi32>
        tpu.vector_store_idx %arg6[%parallel_loop3A_576], %parallel_loop3A_573 : memref<16656xf32, #tpu.memory_space<vmem>>[vector<16xi32>], vector<16xf32>,
        %parallel_loop3A_577 = arith.constant 16 : i32
        %parallel_loop3A_578 = arith.muli %parallel_loop3A_62, %parallel_loop3A_577 : i32
        %parallel_loop3A_579 = arith.constant 51 : i32
        %parallel_loop3A_580 = arith.index_cast %rem3A_39 : i32 to index
        %parallel_loop3A_581 = arith.index_cast %parallel_loop3A_579 : i32 to index
        %parallel_loop3A_582 = arith.index_cast %parallel_loop3A_578 : i32 to index
        %parallel_loop3A_583 = tpu.vector_load %arg5[%parallel_loop3A_580, %parallel_loop3A_581, %parallel_loop3A_582] {strides = array<i32>} : memref<2x64x256xf32, #tpu.memory_space<vmem>>, vector<16xf32>,
        %parallel_loop3A_584 = arith.constant 51 : i32
        %parallel_loop3A_585 = vector.broadcast %parallel_loop3A_584 : i32 to vector<16xi32>
        %parallel_loop3A_586 = arith.addi %parallel_loop3A_66, %parallel_loop3A_585 : vector<16xi32>
        tpu.vector_store_idx %arg6[%parallel_loop3A_586], %parallel_loop3A_583 : memref<16656xf32, #tpu.memory_space<vmem>>[vector<16xi32>], vector<16xf32>,
        %parallel_loop3A_587 = arith.constant 16 : i32
        %parallel_loop3A_588 = arith.muli %parallel_loop3A_62, %parallel_loop3A_587 : i32
        %parallel_loop3A_589 = arith.constant 52 : i32
        %parallel_loop3A_590 = arith.index_cast %rem3A_39 : i32 to index
        %parallel_loop3A_591 = arith.index_cast %parallel_loop3A_589 : i32 to index
        %parallel_loop3A_592 = arith.index_cast %parallel_loop3A_588 : i32 to index
        %parallel_loop3A_593 = tpu.vector_load %arg5[%parallel_loop3A_590, %parallel_loop3A_591, %parallel_loop3A_592] {strides = array<i32>} : memref<2x64x256xf32, #tpu.memory_space<vmem>>, vector<16xf32>,
        %parallel_loop3A_594 = arith.constant 52 : i32
        %parallel_loop3A_595 = vector.broadcast %parallel_loop3A_594 : i32 to vector<16xi32>
        %parallel_loop3A_596 = arith.addi %parallel_loop3A_66, %parallel_loop3A_595 : vector<16xi32>
        tpu.vector_store_idx %arg6[%parallel_loop3A_596], %parallel_loop3A_593 : memref<16656xf32, #tpu.memory_space<vmem>>[vector<16xi32>], vector<16xf32>,
        %parallel_loop3A_597 = arith.constant 16 : i32
        %parallel_loop3A_598 = arith.muli %parallel_loop3A_62, %parallel_loop3A_597 : i32
        %parallel_loop3A_599 = arith.constant 53 : i32
        %parallel_loop3A_600 = arith.index_cast %rem3A_39 : i32 to index
        %parallel_loop3A_601 = arith.index_cast %parallel_loop3A_599 : i32 to index
        %parallel_loop3A_602 = arith.index_cast %parallel_loop3A_598 : i32 to index
        %parallel_loop3A_603 = tpu.vector_load %arg5[%parallel_loop3A_600, %parallel_loop3A_601, %parallel_loop3A_602] {strides = array<i32>} : memref<2x64x256xf32, #tpu.memory_space<vmem>>, vector<16xf32>,
        %parallel_loop3A_604 = arith.constant 53 : i32
        %parallel_loop3A_605 = vector.broadcast %parallel_loop3A_604 : i32 to vector<16xi32>
        %parallel_loop3A_606 = arith.addi %parallel_loop3A_66, %parallel_loop3A_605 : vector<16xi32>
        tpu.vector_store_idx %arg6[%parallel_loop3A_606], %parallel_loop3A_603 : memref<16656xf32, #tpu.memory_space<vmem>>[vector<16xi32>], vector<16xf32>,
        %parallel_loop3A_607 = arith.constant 16 : i32
        %parallel_loop3A_608 = arith.muli %parallel_loop3A_62, %parallel_loop3A_607 : i32
        %parallel_loop3A_609 = arith.constant 54 : i32
        %parallel_loop3A_610 = arith.index_cast %rem3A_39 : i32 to index
        %parallel_loop3A_611 = arith.index_cast %parallel_loop3A_609 : i32 to index
        %parallel_loop3A_612 = arith.index_cast %parallel_loop3A_608 : i32 to index
        %parallel_loop3A_613 = tpu.vector_load %arg5[%parallel_loop3A_610, %parallel_loop3A_611, %parallel_loop3A_612] {strides = array<i32>} : memref<2x64x256xf32, #tpu.memory_space<vmem>>, vector<16xf32>,
        %parallel_loop3A_614 = arith.constant 54 : i32
        %parallel_loop3A_615 = vector.broadcast %parallel_loop3A_614 : i32 to vector<16xi32>
        %parallel_loop3A_616 = arith.addi %parallel_loop3A_66, %parallel_loop3A_615 : vector<16xi32>
        tpu.vector_store_idx %arg6[%parallel_loop3A_616], %parallel_loop3A_613 : memref<16656xf32, #tpu.memory_space<vmem>>[vector<16xi32>], vector<16xf32>,
        %parallel_loop3A_617 = arith.constant 16 : i32
        %parallel_loop3A_618 = arith.muli %parallel_loop3A_62, %parallel_loop3A_617 : i32
        %parallel_loop3A_619 = arith.constant 55 : i32
        %parallel_loop3A_620 = arith.index_cast %rem3A_39 : i32 to index
        %parallel_loop3A_621 = arith.index_cast %parallel_loop3A_619 : i32 to index
        %parallel_loop3A_622 = arith.index_cast %parallel_loop3A_618 : i32 to index
        %parallel_loop3A_623 = tpu.vector_load %arg5[%parallel_loop3A_620, %parallel_loop3A_621, %parallel_loop3A_622] {strides = array<i32>} : memref<2x64x256xf32, #tpu.memory_space<vmem>>, vector<16xf32>,
        %parallel_loop3A_624 = arith.constant 55 : i32
        %parallel_loop3A_625 = vector.broadcast %parallel_loop3A_624 : i32 to vector<16xi32>
        %parallel_loop3A_626 = arith.addi %parallel_loop3A_66, %parallel_loop3A_625 : vector<16xi32>
        tpu.vector_store_idx %arg6[%parallel_loop3A_626], %parallel_loop3A_623 : memref<16656xf32, #tpu.memory_space<vmem>>[vector<16xi32>], vector<16xf32>,
        %parallel_loop3A_627 = arith.constant 16 : i32
        %parallel_loop3A_628 = arith.muli %parallel_loop3A_62, %parallel_loop3A_627 : i32
        %parallel_loop3A_629 = arith.constant 56 : i32
        %parallel_loop3A_630 = arith.index_cast %rem3A_39 : i32 to index
        %parallel_loop3A_631 = arith.index_cast %parallel_loop3A_629 : i32 to index
        %parallel_loop3A_632 = arith.index_cast %parallel_loop3A_628 : i32 to index
        %parallel_loop3A_633 = tpu.vector_load %arg5[%parallel_loop3A_630, %parallel_loop3A_631, %parallel_loop3A_632] {strides = array<i32>} : memref<2x64x256xf32, #tpu.memory_space<vmem>>, vector<16xf32>,
        %parallel_loop3A_634 = arith.constant 56 : i32
        %parallel_loop3A_635 = vector.broadcast %parallel_loop3A_634 : i32 to vector<16xi32>
        %parallel_loop3A_636 = arith.addi %parallel_loop3A_66, %parallel_loop3A_635 : vector<16xi32>
        tpu.vector_store_idx %arg6[%parallel_loop3A_636], %parallel_loop3A_633 : memref<16656xf32, #tpu.memory_space<vmem>>[vector<16xi32>], vector<16xf32>,
        %parallel_loop3A_637 = arith.constant 16 : i32
        %parallel_loop3A_638 = arith.muli %parallel_loop3A_62, %parallel_loop3A_637 : i32
        %parallel_loop3A_639 = arith.constant 57 : i32
        %parallel_loop3A_640 = arith.index_cast %rem3A_39 : i32 to index
        %parallel_loop3A_641 = arith.index_cast %parallel_loop3A_639 : i32 to index
        %parallel_loop3A_642 = arith.index_cast %parallel_loop3A_638 : i32 to index
        %parallel_loop3A_643 = tpu.vector_load %arg5[%parallel_loop3A_640, %parallel_loop3A_641, %parallel_loop3A_642] {strides = array<i32>} : memref<2x64x256xf32, #tpu.memory_space<vmem>>, vector<16xf32>,
        %parallel_loop3A_644 = arith.constant 57 : i32
        %parallel_loop3A_645 = vector.broadcast %parallel_loop3A_644 : i32 to vector<16xi32>
        %parallel_loop3A_646 = arith.addi %parallel_loop3A_66, %parallel_loop3A_645 : vector<16xi32>
        tpu.vector_store_idx %arg6[%parallel_loop3A_646], %parallel_loop3A_643 : memref<16656xf32, #tpu.memory_space<vmem>>[vector<16xi32>], vector<16xf32>,
        %parallel_loop3A_647 = arith.constant 16 : i32
        %parallel_loop3A_648 = arith.muli %parallel_loop3A_62, %parallel_loop3A_647 : i32
        %parallel_loop3A_649 = arith.constant 58 : i32
        %parallel_loop3A_650 = arith.index_cast %rem3A_39 : i32 to index
        %parallel_loop3A_651 = arith.index_cast %parallel_loop3A_649 : i32 to index
        %parallel_loop3A_652 = arith.index_cast %parallel_loop3A_648 : i32 to index
        %parallel_loop3A_653 = tpu.vector_load %arg5[%parallel_loop3A_650, %parallel_loop3A_651, %parallel_loop3A_652] {strides = array<i32>} : memref<2x64x256xf32, #tpu.memory_space<vmem>>, vector<16xf32>,
        %parallel_loop3A_654 = arith.constant 58 : i32
        %parallel_loop3A_655 = vector.broadcast %parallel_loop3A_654 : i32 to vector<16xi32>
        %parallel_loop3A_656 = arith.addi %parallel_loop3A_66, %parallel_loop3A_655 : vector<16xi32>
        tpu.vector_store_idx %arg6[%parallel_loop3A_656], %parallel_loop3A_653 : memref<16656xf32, #tpu.memory_space<vmem>>[vector<16xi32>], vector<16xf32>,
        %parallel_loop3A_657 = arith.constant 16 : i32
        %parallel_loop3A_658 = arith.muli %parallel_loop3A_62, %parallel_loop3A_657 : i32
        %parallel_loop3A_659 = arith.constant 59 : i32
        %parallel_loop3A_660 = arith.index_cast %rem3A_39 : i32 to index
        %parallel_loop3A_661 = arith.index_cast %parallel_loop3A_659 : i32 to index
        %parallel_loop3A_662 = arith.index_cast %parallel_loop3A_658 : i32 to index
        %parallel_loop3A_663 = tpu.vector_load %arg5[%parallel_loop3A_660, %parallel_loop3A_661, %parallel_loop3A_662] {strides = array<i32>} : memref<2x64x256xf32, #tpu.memory_space<vmem>>, vector<16xf32>,
        %parallel_loop3A_664 = arith.constant 59 : i32
        %parallel_loop3A_665 = vector.broadcast %parallel_loop3A_664 : i32 to vector<16xi32>
        %parallel_loop3A_666 = arith.addi %parallel_loop3A_66, %parallel_loop3A_665 : vector<16xi32>
        tpu.vector_store_idx %arg6[%parallel_loop3A_666], %parallel_loop3A_663 : memref<16656xf32, #tpu.memory_space<vmem>>[vector<16xi32>], vector<16xf32>,
        %parallel_loop3A_667 = arith.constant 16 : i32
        %parallel_loop3A_668 = arith.muli %parallel_loop3A_62, %parallel_loop3A_667 : i32
        %parallel_loop3A_669 = arith.constant 60 : i32
        %parallel_loop3A_670 = arith.index_cast %rem3A_39 : i32 to index
        %parallel_loop3A_671 = arith.index_cast %parallel_loop3A_669 : i32 to index
        %parallel_loop3A_672 = arith.index_cast %parallel_loop3A_668 : i32 to index
        %parallel_loop3A_673 = tpu.vector_load %arg5[%parallel_loop3A_670, %parallel_loop3A_671, %parallel_loop3A_672] {strides = array<i32>} : memref<2x64x256xf32, #tpu.memory_space<vmem>>, vector<16xf32>,
        %parallel_loop3A_674 = arith.constant 60 : i32
        %parallel_loop3A_675 = vector.broadcast %parallel_loop3A_674 : i32 to vector<16xi32>
        %parallel_loop3A_676 = arith.addi %parallel_loop3A_66, %parallel_loop3A_675 : vector<16xi32>
        tpu.vector_store_idx %arg6[%parallel_loop3A_676], %parallel_loop3A_673 : memref<16656xf32, #tpu.memory_space<vmem>>[vector<16xi32>], vector<16xf32>,
        %parallel_loop3A_677 = arith.constant 16 : i32
        %parallel_loop3A_678 = arith.muli %parallel_loop3A_62, %parallel_loop3A_677 : i32
        %parallel_loop3A_679 = arith.constant 61 : i32
        %parallel_loop3A_680 = arith.index_cast %rem3A_39 : i32 to index
        %parallel_loop3A_681 = arith.index_cast %parallel_loop3A_679 : i32 to index
        %parallel_loop3A_682 = arith.index_cast %parallel_loop3A_678 : i32 to index
        %parallel_loop3A_683 = tpu.vector_load %arg5[%parallel_loop3A_680, %parallel_loop3A_681, %parallel_loop3A_682] {strides = array<i32>} : memref<2x64x256xf32, #tpu.memory_space<vmem>>, vector<16xf32>,
        %parallel_loop3A_684 = arith.constant 61 : i32
        %parallel_loop3A_685 = vector.broadcast %parallel_loop3A_684 : i32 to vector<16xi32>
        %parallel_loop3A_686 = arith.addi %parallel_loop3A_66, %parallel_loop3A_685 : vector<16xi32>
        tpu.vector_store_idx %arg6[%parallel_loop3A_686], %parallel_loop3A_683 : memref<16656xf32, #tpu.memory_space<vmem>>[vector<16xi32>], vector<16xf32>,
        %parallel_loop3A_687 = arith.constant 16 : i32
        %parallel_loop3A_688 = arith.muli %parallel_loop3A_62, %parallel_loop3A_687 : i32
        %parallel_loop3A_689 = arith.constant 62 : i32
        %parallel_loop3A_690 = arith.index_cast %rem3A_39 : i32 to index
        %parallel_loop3A_691 = arith.index_cast %parallel_loop3A_689 : i32 to index
        %parallel_loop3A_692 = arith.index_cast %parallel_loop3A_688 : i32 to index
        %parallel_loop3A_693 = tpu.vector_load %arg5[%parallel_loop3A_690, %parallel_loop3A_691, %parallel_loop3A_692] {strides = array<i32>} : memref<2x64x256xf32, #tpu.memory_space<vmem>>, vector<16xf32>,
        %parallel_loop3A_694 = arith.constant 62 : i32
        %parallel_loop3A_695 = vector.broadcast %parallel_loop3A_694 : i32 to vector<16xi32>
        %parallel_loop3A_696 = arith.addi %parallel_loop3A_66, %parallel_loop3A_695 : vector<16xi32>
        tpu.vector_store_idx %arg6[%parallel_loop3A_696], %parallel_loop3A_693 : memref<16656xf32, #tpu.memory_space<vmem>>[vector<16xi32>], vector<16xf32>,
        %parallel_loop3A_697 = arith.constant 16 : i32
        %parallel_loop3A_698 = arith.muli %parallel_loop3A_62, %parallel_loop3A_697 : i32
        %parallel_loop3A_699 = arith.constant 63 : i32
        %parallel_loop3A_700 = arith.index_cast %rem3A_39 : i32 to index
        %parallel_loop3A_701 = arith.index_cast %parallel_loop3A_699 : i32 to index
        %parallel_loop3A_702 = arith.index_cast %parallel_loop3A_698 : i32 to index
        %parallel_loop3A_703 = tpu.vector_load %arg5[%parallel_loop3A_700, %parallel_loop3A_701, %parallel_loop3A_702] {strides = array<i32>} : memref<2x64x256xf32, #tpu.memory_space<vmem>>, vector<16xf32>,
        %parallel_loop3A_704 = arith.constant 63 : i32
        %parallel_loop3A_705 = vector.broadcast %parallel_loop3A_704 : i32 to vector<16xi32>
        %parallel_loop3A_706 = arith.addi %parallel_loop3A_66, %parallel_loop3A_705 : vector<16xi32>
        tpu.vector_store_idx %arg6[%parallel_loop3A_706], %parallel_loop3A_703 : memref<16656xf32, #tpu.memory_space<vmem>>[vector<16xi32>], vector<16xf32>,
      } {sc.loop_unroll_factor = 1 : i64, sc.parallel_access}
      %parallel_loop3A_59 = arith.constant 0 : i32
      %parallel_loop3A_60 = arith.constant 256 : i32
      %parallel_loop3A_61 = arith.constant 1 : i32
      scf.for %parallel_loop3A_62 = %parallel_loop3A_59 to %parallel_loop3A_60 step %parallel_loop3A_61  : i32 {
        %parallel_loop3A_63 = arith.addi %mul3A_41, %parallel_loop3A_62 : i32
        %parallel_loop3A_64 = vector.broadcast %parallel_loop3A_63 : i32 to vector<16xi32>
        %parallel_loop3A_65 = arith.constant 65 : i32
        %parallel_loop3A_66 = arith.muli %parallel_loop3A_62, %parallel_loop3A_65 : i32
        %parallel_loop3A_67 = vector.broadcast %parallel_loop3A_66 : i32 to vector<16xi32>
        %parallel_loop3A_68 = arith.addi %parallel_loop3A_67, %iota3A : vector<16xi32>
        %parallel_loop3A_69 = tpu.vector_load_idx %arg6[%parallel_loop3A_68] : memref<16656xf32, #tpu.memory_space<vmem>>[vector<16xi32>], vector<16xf32>,
        %parallel_loop3A_70 = arith.addi %parallel_loop3A_67, %add3A_7 : vector<16xi32>
        %parallel_loop3A_71 = tpu.vector_load_idx %arg6[%parallel_loop3A_70] : memref<16656xf32, #tpu.memory_space<vmem>>[vector<16xi32>], vector<16xf32>,
        %parallel_loop3A_72 = arith.addi %parallel_loop3A_67, %add3A_10 : vector<16xi32>
        %parallel_loop3A_73 = tpu.vector_load_idx %arg6[%parallel_loop3A_72] : memref<16656xf32, #tpu.memory_space<vmem>>[vector<16xi32>], vector<16xf32>,
        %parallel_loop3A_74 = arith.addi %parallel_loop3A_67, %add3A_13 : vector<16xi32>
        %parallel_loop3A_75 = tpu.vector_load_idx %arg6[%parallel_loop3A_74] : memref<16656xf32, #tpu.memory_space<vmem>>[vector<16xi32>], vector<16xf32>,
        %parallel_loop3A_76 = arith.constant dense<true> : vector<16xi1>
        %parallel_loop3A_77, %parallel_loop3A_78, %parallel_loop3A_79 = tpu.sort %parallel_loop3A_69, %iota3A masked %parallel_loop3A_76 {descending = true} : (vector<16xf32>, vector<16xi32>, vector<16xi1>) -> (vector<16xi1>, vector<16xf32>, vector<16xi32>)
        %parallel_loop3A_80 = arith.constant dense<true> : vector<16xi1>
        %parallel_loop3A_81, %parallel_loop3A_82, %parallel_loop3A_83 = tpu.sort %parallel_loop3A_71, %add3A_7 masked %parallel_loop3A_80 : (vector<16xf32>, vector<16xi32>, vector<16xi1>) -> (vector<16xi1>, vector<16xf32>, vector<16xi32>)
        %parallel_loop3A_84 = arith.constant dense<true> : vector<16xi1>
        %parallel_loop3A_85, %parallel_loop3A_86, %parallel_loop3A_87 = tpu.sort %parallel_loop3A_73, %add3A_10 masked %parallel_loop3A_84 {descending = true} : (vector<16xf32>, vector<16xi32>, vector<16xi1>) -> (vector<16xi1>, vector<16xf32>, vector<16xi32>)
        %parallel_loop3A_88 = arith.constant dense<true> : vector<16xi1>
        %parallel_loop3A_89, %parallel_loop3A_90, %parallel_loop3A_91 = tpu.sort %parallel_loop3A_75, %add3A_13 masked %parallel_loop3A_88 : (vector<16xf32>, vector<16xi32>, vector<16xi1>) -> (vector<16xi1>, vector<16xf32>, vector<16xi32>)
        %parallel_loop3A_92 = arith.select %lt3A_4, %parallel_loop3A_78, %parallel_loop3A_82 : vector<16xi1>, vector<16xf32>
        %parallel_loop3A_93 = arith.select %lt3A_4, %parallel_loop3A_79, %parallel_loop3A_83 : vector<16xi1>, vector<16xi32>
        %parallel_loop3A_94 = arith.select %lt3A_4, %parallel_loop3A_86, %parallel_loop3A_90 : vector<16xi1>, vector<16xf32>
        %parallel_loop3A_95 = arith.select %lt3A_4, %parallel_loop3A_87, %parallel_loop3A_91 : vector<16xi1>, vector<16xi32>
        %parallel_loop3A_96 = arith.constant dense<true> : vector<16xi1>
        %parallel_loop3A_97, %parallel_loop3A_98, %parallel_loop3A_99 = tpu.sort %parallel_loop3A_92, %parallel_loop3A_93 masked %parallel_loop3A_96 {descending = true} : (vector<16xf32>, vector<16xi32>, vector<16xi1>) -> (vector<16xi1>, vector<16xf32>, vector<16xi32>)
        %parallel_loop3A_100 = arith.constant dense<true> : vector<16xi1>
        %parallel_loop3A_101, %parallel_loop3A_102, %parallel_loop3A_103 = tpu.sort %parallel_loop3A_94, %parallel_loop3A_95 masked %parallel_loop3A_100 : (vector<16xf32>, vector<16xi32>, vector<16xi1>) -> (vector<16xi1>, vector<16xf32>, vector<16xi32>)
        %parallel_loop3A_104 = arith.select %lt3A_4, %parallel_loop3A_98, %parallel_loop3A_102 : vector<16xi1>, vector<16xf32>
        %parallel_loop3A_105 = arith.select %lt3A_4, %parallel_loop3A_99, %parallel_loop3A_103 : vector<16xi1>, vector<16xi32>
        %parallel_loop3A_106 = arith.constant dense<true> : vector<16xi1>
        %parallel_loop3A_107, %parallel_loop3A_108, %parallel_loop3A_109 = tpu.sort %parallel_loop3A_104, %parallel_loop3A_105 masked %parallel_loop3A_106 {descending = true} : (vector<16xf32>, vector<16xi32>, vector<16xi1>) -> (vector<16xi1>, vector<16xf32>, vector<16xi32>)
        tpu.vector_store_idx %arg7[%iota3A, %parallel_loop3A_64], %parallel_loop3A_108 masked %lt3A_4 : memref<8x1024xf32, #tpu.memory_space<vmem>>[vector<16xi32>, vector<16xi32>], vector<16xf32>, vector<16xi1>
        tpu.vector_store_idx %arg8[%iota3A, %parallel_loop3A_64], %parallel_loop3A_109 masked %lt3A_4 : memref<8x1024xi32, #tpu.memory_space<vmem>>[vector<16xi32>, vector<16xi32>], vector<16xi32>, vector<16xi1>
      } {sc.loop_unroll_factor = 8 : i64, sc.parallel_access}
    }
    %scan3A_35 = arith.constant 4 : i32
    %parallel_loop3A = arith.constant 0 : i32
    %parallel_loop3A_36 = arith.constant 64 : i32
    %parallel_loop3A_37 = arith.constant 1 : i32
    scf.for %parallel_loop3A_38 = %parallel_loop3A to %parallel_loop3A_36 step %parallel_loop3A_37  : i32 {
      %parallel_loop3A_39 = arith.constant 16 : i32
      %parallel_loop3A_40 = arith.muli %parallel_loop3A_38, %parallel_loop3A_39 : i32
      %parallel_loop3A_41 = arith.constant 0 : i32
      %parallel_loop3A_42 = arith.index_cast %parallel_loop3A_41 : i32 to index
      %parallel_loop3A_43 = arith.index_cast %parallel_loop3A_40 : i32 to index
      %parallel_loop3A_44 = tpu.vector_load %arg7[%parallel_loop3A_42, %parallel_loop3A_43] {strides = array<i32>} : memref<8x1024xf32, #tpu.memory_space<vmem>>, vector<16xf32>,
      %parallel_loop3A_45 = math.exp %parallel_loop3A_44 : vector<16xf32>
      %parallel_loop3A_46 = arith.constant 1 : i32
      %parallel_loop3A_47 = arith.index_cast %parallel_loop3A_46 : i32 to index
      %parallel_loop3A_48 = arith.index_cast %parallel_loop3A_40 : i32 to index
      %parallel_loop3A_49 = tpu.vector_load %arg7[%parallel_loop3A_47, %parallel_loop3A_48] {strides = array<i32>} : memref<8x1024xf32, #tpu.memory_space<vmem>>, vector<16xf32>,
      %parallel_loop3A_50 = math.exp %parallel_loop3A_49 : vector<16xf32>
      %parallel_loop3A_51 = arith.constant 2 : i32
      %parallel_loop3A_52 = arith.index_cast %parallel_loop3A_51 : i32 to index
      %parallel_loop3A_53 = arith.index_cast %parallel_loop3A_40 : i32 to index
      %parallel_loop3A_54 = tpu.vector_load %arg7[%parallel_loop3A_52, %parallel_loop3A_53] {strides = array<i32>} : memref<8x1024xf32, #tpu.memory_space<vmem>>, vector<16xf32>,
      %parallel_loop3A_55 = math.exp %parallel_loop3A_54 : vector<16xf32>
      %parallel_loop3A_56 = arith.constant 3 : i32
      %parallel_loop3A_57 = arith.index_cast %parallel_loop3A_56 : i32 to index
      %parallel_loop3A_58 = arith.index_cast %parallel_loop3A_40 : i32 to index
      %parallel_loop3A_59 = tpu.vector_load %arg7[%parallel_loop3A_57, %parallel_loop3A_58] {strides = array<i32>} : memref<8x1024xf32, #tpu.memory_space<vmem>>, vector<16xf32>,
      %parallel_loop3A_60 = math.exp %parallel_loop3A_59 : vector<16xf32>
      %parallel_loop3A_61 = arith.constant 4 : i32
      %parallel_loop3A_62 = arith.index_cast %parallel_loop3A_61 : i32 to index
      %parallel_loop3A_63 = arith.index_cast %parallel_loop3A_40 : i32 to index
      %parallel_loop3A_64 = tpu.vector_load %arg7[%parallel_loop3A_62, %parallel_loop3A_63] {strides = array<i32>} : memref<8x1024xf32, #tpu.memory_space<vmem>>, vector<16xf32>,
      %parallel_loop3A_65 = math.exp %parallel_loop3A_64 : vector<16xf32>
      %parallel_loop3A_66 = arith.constant 5 : i32
      %parallel_loop3A_67 = arith.index_cast %parallel_loop3A_66 : i32 to index
      %parallel_loop3A_68 = arith.index_cast %parallel_loop3A_40 : i32 to index
      %parallel_loop3A_69 = tpu.vector_load %arg7[%parallel_loop3A_67, %parallel_loop3A_68] {strides = array<i32>} : memref<8x1024xf32, #tpu.memory_space<vmem>>, vector<16xf32>,
      %parallel_loop3A_70 = math.exp %parallel_loop3A_69 : vector<16xf32>
      %parallel_loop3A_71 = arith.constant 6 : i32
      %parallel_loop3A_72 = arith.index_cast %parallel_loop3A_71 : i32 to index
      %parallel_loop3A_73 = arith.index_cast %parallel_loop3A_40 : i32 to index
      %parallel_loop3A_74 = tpu.vector_load %arg7[%parallel_loop3A_72, %parallel_loop3A_73] {strides = array<i32>} : memref<8x1024xf32, #tpu.memory_space<vmem>>, vector<16xf32>,
      %parallel_loop3A_75 = math.exp %parallel_loop3A_74 : vector<16xf32>
      %parallel_loop3A_76 = arith.constant 7 : i32
      %parallel_loop3A_77 = arith.index_cast %parallel_loop3A_76 : i32 to index
      %parallel_loop3A_78 = arith.index_cast %parallel_loop3A_40 : i32 to index
      %parallel_loop3A_79 = tpu.vector_load %arg7[%parallel_loop3A_77, %parallel_loop3A_78] {strides = array<i32>} : memref<8x1024xf32, #tpu.memory_space<vmem>>, vector<16xf32>,
      %parallel_loop3A_80 = math.exp %parallel_loop3A_79 : vector<16xf32>
      %parallel_loop3A_81 = arith.addf %parallel_loop3A_45, %parallel_loop3A_50 : vector<16xf32>
      %parallel_loop3A_82 = arith.addf %parallel_loop3A_81, %parallel_loop3A_55 : vector<16xf32>
      %parallel_loop3A_83 = arith.addf %parallel_loop3A_82, %parallel_loop3A_60 : vector<16xf32>
      %parallel_loop3A_84 = arith.addf %parallel_loop3A_83, %parallel_loop3A_65 : vector<16xf32>
      %parallel_loop3A_85 = arith.addf %parallel_loop3A_84, %parallel_loop3A_70 : vector<16xf32>
      %parallel_loop3A_86 = arith.addf %parallel_loop3A_85, %parallel_loop3A_75 : vector<16xf32>
      %parallel_loop3A_87 = arith.addf %parallel_loop3A_86, %parallel_loop3A_80 : vector<16xf32>
      %parallel_loop3A_88 = arith.constant 1.000000e+00 : f32
      %parallel_loop3A_89 = vector.broadcast %parallel_loop3A_88 : f32 to vector<16xf32>
      %parallel_loop3A_90 = arith.divf %parallel_loop3A_89, %parallel_loop3A_87 : vector<16xf32>
      %parallel_loop3A_91 = arith.mulf %parallel_loop3A_45, %parallel_loop3A_90 : vector<16xf32>
      %parallel_loop3A_92 = arith.constant 0 : i32
      %parallel_loop3A_93 = arith.index_cast %parallel_loop3A_92 : i32 to index
      %parallel_loop3A_94 = arith.index_cast %parallel_loop3A_40 : i32 to index
      %parallel_loop3A_95 = tpu.vector_load %arg7[%parallel_loop3A_93, %parallel_loop3A_94] {strides = array<i32>} : memref<8x1024xf32, #tpu.memory_space<vmem>>, vector<16xf32>,
      tpu.vector_store %arg7[%parallel_loop3A_93, %parallel_loop3A_94], %parallel_loop3A_91 {strides = array<i32>} : memref<8x1024xf32, #tpu.memory_space<vmem>>, vector<16xf32>,
      %parallel_loop3A_96 = arith.mulf %parallel_loop3A_50, %parallel_loop3A_90 : vector<16xf32>
      %parallel_loop3A_97 = arith.constant 1 : i32
      %parallel_loop3A_98 = arith.index_cast %parallel_loop3A_97 : i32 to index
      %parallel_loop3A_99 = arith.index_cast %parallel_loop3A_40 : i32 to index
      %parallel_loop3A_100 = tpu.vector_load %arg7[%parallel_loop3A_98, %parallel_loop3A_99] {strides = array<i32>} : memref<8x1024xf32, #tpu.memory_space<vmem>>, vector<16xf32>,
      tpu.vector_store %arg7[%parallel_loop3A_98, %parallel_loop3A_99], %parallel_loop3A_96 {strides = array<i32>} : memref<8x1024xf32, #tpu.memory_space<vmem>>, vector<16xf32>,
      %parallel_loop3A_101 = arith.mulf %parallel_loop3A_55, %parallel_loop3A_90 : vector<16xf32>
      %parallel_loop3A_102 = arith.constant 2 : i32
      %parallel_loop3A_103 = arith.index_cast %parallel_loop3A_102 : i32 to index
      %parallel_loop3A_104 = arith.index_cast %parallel_loop3A_40 : i32 to index
      %parallel_loop3A_105 = tpu.vector_load %arg7[%parallel_loop3A_103, %parallel_loop3A_104] {strides = array<i32>} : memref<8x1024xf32, #tpu.memory_space<vmem>>, vector<16xf32>,
      tpu.vector_store %arg7[%parallel_loop3A_103, %parallel_loop3A_104], %parallel_loop3A_101 {strides = array<i32>} : memref<8x1024xf32, #tpu.memory_space<vmem>>, vector<16xf32>,
      %parallel_loop3A_106 = arith.mulf %parallel_loop3A_60, %parallel_loop3A_90 : vector<16xf32>
      %parallel_loop3A_107 = arith.constant 3 : i32
      %parallel_loop3A_108 = arith.index_cast %parallel_loop3A_107 : i32 to index
      %parallel_loop3A_109 = arith.index_cast %parallel_loop3A_40 : i32 to index
      %parallel_loop3A_110 = tpu.vector_load %arg7[%parallel_loop3A_108, %parallel_loop3A_109] {strides = array<i32>} : memref<8x1024xf32, #tpu.memory_space<vmem>>, vector<16xf32>,
      tpu.vector_store %arg7[%parallel_loop3A_108, %parallel_loop3A_109], %parallel_loop3A_106 {strides = array<i32>} : memref<8x1024xf32, #tpu.memory_space<vmem>>, vector<16xf32>,
      %parallel_loop3A_111 = arith.mulf %parallel_loop3A_65, %parallel_loop3A_90 : vector<16xf32>
      %parallel_loop3A_112 = arith.constant 4 : i32
      %parallel_loop3A_113 = arith.index_cast %parallel_loop3A_112 : i32 to index
      %parallel_loop3A_114 = arith.index_cast %parallel_loop3A_40 : i32 to index
      %parallel_loop3A_115 = tpu.vector_load %arg7[%parallel_loop3A_113, %parallel_loop3A_114] {strides = array<i32>} : memref<8x1024xf32, #tpu.memory_space<vmem>>, vector<16xf32>,
      tpu.vector_store %arg7[%parallel_loop3A_113, %parallel_loop3A_114], %parallel_loop3A_111 {strides = array<i32>} : memref<8x1024xf32, #tpu.memory_space<vmem>>, vector<16xf32>,
      %parallel_loop3A_116 = arith.mulf %parallel_loop3A_70, %parallel_loop3A_90 : vector<16xf32>
      %parallel_loop3A_117 = arith.constant 5 : i32
      %parallel_loop3A_118 = arith.index_cast %parallel_loop3A_117 : i32 to index
      %parallel_loop3A_119 = arith.index_cast %parallel_loop3A_40 : i32 to index
      %parallel_loop3A_120 = tpu.vector_load %arg7[%parallel_loop3A_118, %parallel_loop3A_119] {strides = array<i32>} : memref<8x1024xf32, #tpu.memory_space<vmem>>, vector<16xf32>,
      tpu.vector_store %arg7[%parallel_loop3A_118, %parallel_loop3A_119], %parallel_loop3A_116 {strides = array<i32>} : memref<8x1024xf32, #tpu.memory_space<vmem>>, vector<16xf32>,
      %parallel_loop3A_121 = arith.mulf %parallel_loop3A_75, %parallel_loop3A_90 : vector<16xf32>
      %parallel_loop3A_122 = arith.constant 6 : i32
      %parallel_loop3A_123 = arith.index_cast %parallel_loop3A_122 : i32 to index
      %parallel_loop3A_124 = arith.index_cast %parallel_loop3A_40 : i32 to index
      %parallel_loop3A_125 = tpu.vector_load %arg7[%parallel_loop3A_123, %parallel_loop3A_124] {strides = array<i32>} : memref<8x1024xf32, #tpu.memory_space<vmem>>, vector<16xf32>,
      tpu.vector_store %arg7[%parallel_loop3A_123, %parallel_loop3A_124], %parallel_loop3A_121 {strides = array<i32>} : memref<8x1024xf32, #tpu.memory_space<vmem>>, vector<16xf32>,
      %parallel_loop3A_126 = arith.mulf %parallel_loop3A_80, %parallel_loop3A_90 : vector<16xf32>
      %parallel_loop3A_127 = arith.constant 7 : i32
      %parallel_loop3A_128 = arith.index_cast %parallel_loop3A_127 : i32 to index
      %parallel_loop3A_129 = arith.index_cast %parallel_loop3A_40 : i32 to index
      %parallel_loop3A_130 = tpu.vector_load %arg7[%parallel_loop3A_128, %parallel_loop3A_129] {strides = array<i32>} : memref<8x1024xf32, #tpu.memory_space<vmem>>, vector<16xf32>,
      tpu.vector_store %arg7[%parallel_loop3A_128, %parallel_loop3A_129], %parallel_loop3A_126 {strides = array<i32>} : memref<8x1024xf32, #tpu.memory_space<vmem>>, vector<16xf32>,
    } {sc.loop_unroll_factor = 2 : i64, sc.parallel_access}
    "tpu.region"() ({
      %run_scoped3A = tpu.sem_alloc : memref<!tpu.dma_semaphore, #tpu.memory_space<semaphore_mem>>
      %dma_start3A_38 = arith.constant 0 : i32
      %dma_start3A_39 = tpu.memref_slice %arg3[%dma_start3A_38, %mul3A_2] : memref<8x32768xf32, #tpu.memory_space<hbm>> -> memref<8x1024xf32, #tpu.memory_space<hbm>>
      %dma_start3A_40 = arith.constant 0 : i32
      %dma_start3A_41 = tpu.memref_slice %arg3[%dma_start3A_40, %mul3A_2] : memref<8x32768xf32, #tpu.memory_space<hbm>> -> memref<8x1024xf32, #tpu.memory_space<hbm>>
      tpu.enqueue_dma source(%arg7 : memref<8x1024xf32, #tpu.memory_space<vmem>>) target(%dma_start3A_41 : memref<8x1024xf32, #tpu.memory_space<hbm>>) target_semaphore(%run_scoped3A : memref<!tpu.dma_semaphore, #tpu.memory_space<semaphore_mem>>)
      %dma_wait3A = arith.constant 0 : i32
      %dma_wait3A_42 = tpu.memref_slice %arg3[%dma_wait3A, %mul3A_2] : memref<8x32768xf32, #tpu.memory_space<hbm>> -> memref<8x1024xf32, #tpu.memory_space<hbm>>
      %dma_wait3A_43 = arith.constant 0 : i32
      %dma_wait3A_44 = tpu.memref_slice %arg3[%dma_wait3A_43, %mul3A_2] : memref<8x32768xf32, #tpu.memory_space<hbm>> -> memref<8x1024xf32, #tpu.memory_space<hbm>>
      tpu.wait_dma2 semaphore(%run_scoped3A : memref<!tpu.dma_semaphore, #tpu.memory_space<semaphore_mem>>) src(%arg7 : memref<8x1024xf32, #tpu.memory_space<vmem>>) dst(%dma_wait3A_44 : memref<8x1024xf32, #tpu.memory_space<hbm>>)
      tpu.yield
    }) : () -> ()
    "tpu.region"() ({
      %run_scoped3A = tpu.sem_alloc : memref<!tpu.dma_semaphore, #tpu.memory_space<semaphore_mem>>
      %dma_start3A_38 = arith.constant 0 : i32
      %dma_start3A_39 = tpu.memref_slice %arg4[%dma_start3A_38, %mul3A_2] : memref<8x32768xi32, #tpu.memory_space<hbm>> -> memref<8x1024xi32, #tpu.memory_space<hbm>>
      %dma_start3A_40 = arith.constant 0 : i32
      %dma_start3A_41 = tpu.memref_slice %arg4[%dma_start3A_40, %mul3A_2] : memref<8x32768xi32, #tpu.memory_space<hbm>> -> memref<8x1024xi32, #tpu.memory_space<hbm>>
      tpu.enqueue_dma source(%arg8 : memref<8x1024xi32, #tpu.memory_space<vmem>>) target(%dma_start3A_41 : memref<8x1024xi32, #tpu.memory_space<hbm>>) target_semaphore(%run_scoped3A : memref<!tpu.dma_semaphore, #tpu.memory_space<semaphore_mem>>)
      %dma_wait3A = arith.constant 0 : i32
      %dma_wait3A_42 = tpu.memref_slice %arg4[%dma_wait3A, %mul3A_2] : memref<8x32768xi32, #tpu.memory_space<hbm>> -> memref<8x1024xi32, #tpu.memory_space<hbm>>
      %dma_wait3A_43 = arith.constant 0 : i32
      %dma_wait3A_44 = tpu.memref_slice %arg4[%dma_wait3A_43, %mul3A_2] : memref<8x32768xi32, #tpu.memory_space<hbm>> -> memref<8x1024xi32, #tpu.memory_space<hbm>>
      tpu.wait_dma2 semaphore(%run_scoped3A : memref<!tpu.dma_semaphore, #tpu.memory_space<semaphore_mem>>) src(%arg8 : memref<8x1024xi32, #tpu.memory_space<vmem>>) dst(%dma_wait3A_44 : memref<8x1024xi32, #tpu.memory_space<hbm>>)
      tpu.yield
    }) : () -> ()
    return
  }
}

</mosaic_0001>

<sc_bundles>
// kernel: kernel.3.cloned.1.call-start
scs
__scs_entry_jumppad:
0x0: {  	(pc) =	sbr.rel $0x88, $3  }
0x1: {  	(tag) =	ssettag $0x0;
	lr =	simm.s32 $0x1  }
0x2: {  	[smem:$0x3FA0] =	sst lr;
	_ =	strace $0xD0000000  }
0x3: {  	_ = 	snop  }
0x4: {  	_ = 	snop  }
0x5: {  	_ = 	snop  }
0x6: {  	_ = 	snop  }
0x7: {  	_ = 	snop  }
__scs_overlays_trampoline_lowered:
0x8: {  	[smem:$0x3FAF] =	sst s0  }
0x9: {  	[smem:$0x3FB0] =	sst s1  }
0xa: {  	[smem:$0x3FB1] =	sst s2  }
0xb: {  	[smem:$0x3FB2] =	sst s3  }
0xc: {  	[smem:$0x3FB3] =	sst s4  }
0xd: {  	[smem:$0x3FB4] =	sst s5  }
0xe: {  	[smem:$0x3FB5] =	sst s6  }
0xf: {  	[smem:$0x3FB6] =	sst s7  }
0x10: {  	[smem:$0x3FB7] =	sst s8  }
0x11: {  	[smem:$0x3FB8] =	sst s9;
	s0 =	simm.s32 @!p0 $0x0  }
0x12: {  	s1 =	sld [smem:$0x3F9E];
	s0 =	simm.s32 @p0 $0x1  }
0x13: {  	[smem:$0x3FB9] =	sst s0;
	s0 =	simm.s32 @!p1 $0x0  }
0x14: {  	s2 =	sld [smem:$0x3F9D];
	s0 =	simm.s32 @p1 $0x1  }
0x15: {  	[smem:$0x3FBA] =	sst s0;
	s0 =	simm.s32 @!p2 $0x0  }
0x16: {  	s3 =	sld [smem:$0x3FDB];
	s0 =	simm.s32 @p2 $0x1  }
0x17: {  	s4 =	simm.s32 $0x1BF5;
	[smem:$0x3FBC] =	sst s0  }
0x18: {  	s0 =	sld [smem:$0x3F9F];
	_ =	swait.ge [sflag:s4], $0x0  }
0x19: {  	s7 =	sld [smem:$0x3FA0]  }
0x1a: {  	s8 =	sadd.s32 $0xFFFFE003, lr  }
0x1b: {  	s9 =	sadd.s32 $0xFFFFFEF7, lr;
	s5 =	simm.s32 $0xFFFFFFFF;
	p2 =	slt.u32 s8, $0xFFFFF086  }
0x1c: {  	p1 =	slt.u32 s9, $0xF7A;
	s5 =	simm.s32 @!p2 $0x0  }
0x1d: {  	s5 =	simm.s32 @p1 $0x1;
	p0 =	seq.s32 s7, s2  }
0x1e: {  	s7 =	smul.u32 @!p0 $0xF7A, s2;
	p2 =	seq.s32 @!p0 s5, $0x0  }
0x1f: {  	s9 =	smul.u32 $0xF7A, s1;
	s8 =	simm.s32 @!p0 $0x1BF5;
	p2 =	por !p2, p0  }
0x20: {  	[sflag:s8] =	ssyncset.s32 @!p0 $0xFFFFF086;
	s6 =	sadd.s32 @!p0 s3, s7;
	s7 =	simm.s32 @!p0 $0x108  }
0x21: {  	s3 =	sadd.s32 s3, s9;
	s6 =	sadd.s32 @!p0 $0x88, s6;
	s7 =	simm.s32 @p2 $0x1082  }
0x22: {  	[simem:s7], [sflag:s8] =	dma.local @!p0 [hbm:s6], $0xF7A  }
0x23: {  	s9 =	sor.u32 $0xD0000000, s2;
	s6 =	simm.s32 $0x108;
	_ =	swait.ge @!p0 [sflag:s8], $0x0  }
0x24: {  	s3 =	sadd.s32 $0x88, s3;
	s6 =	simm.s32 @!p1 $0x1082;
	[sflag:s4] =	ssyncset.s32 $0xFFFFF086  }
0x25: {  	[simem:s6], [sflag:s4] =	dma.local [hbm:s3], $0xF7A  }
0x26: {  	[smem:$0x3FA0] =	sst s1;
	(tag) =	ssettag s2;
	_ =	strace s9  }
0x27: {  	s1 =	sld [smem:$0x3FB0]  }
0x28: {  	s2 =	sld [smem:$0x3FB1]  }
0x29: {  	s4 =	sld [smem:$0x3FB3]  }
0x2a: {  	p0 =	seq.s32 s5, $0x0;
	s5 =	sld [smem:$0x3FB4]  }
0x2b: {  	s6 =	sld [smem:$0x3FB5]  }
0x2c: {  	s7 =	sld [smem:$0x3FB6]  }
0x2d: {  	s3 =	simm.s32 $0x108;
	s8 =	sld [smem:$0x3FB7]  }
0x2e: {  	s3 =	simm.s32 @!p0 $0x1082;
	s9 =	sld [smem:$0x3FB8]  }
0x2f: {  	lr =	sadd.s32 s0, s3;
	s0 =	sld [smem:$0x3FAF]  }
0x30: {  	s3 =	sld [smem:$0x3FB2]  }
0x31: {  	[smem:$0x3FBB] =	sst s10  }
0x32: {  	s10 =	sld [smem:$0x3FB9];
	_ =	sdelay $0x3  }
0x33: {  	p0 =	seq.s32 s10, $0x1;
	s10 =	sld [smem:$0x3FBB];
	_ =	sdelay $0x3  }
0x34: {  	[smem:$0x3FBB] =	sst s10  }
0x35: {  	s10 =	sld [smem:$0x3FBA];
	_ =	sdelay $0x3  }
0x36: {  	p1 =	seq.s32 s10, $0x1;
	s10 =	sld [smem:$0x3FBB];
	_ =	sdelay $0x3  }
0x37: {  	[smem:$0x3FBB] =	sst s10  }
0x38: {  	s10 =	sld [smem:$0x3FBC]  }
0x39: {  	_ = 	snop;
	(pc) =	sbr.ind lr, $3  }
0x3a: {  	_ = 	snop  }
0x3b: {  	_ = 	snop  }
0x3c: {  	p2 =	seq.s32 s10, $0x1;
	s10 =	sld [smem:$0x3FBB]  }
0x3d: {  	_ =	shalt  }
0x3e: {  	_ =	shalt  }
0x3f: {  	_ =	shalt  }
0x40: {  	_ =	shalt  }
0x41: {  	_ =	shalt  }
0x42: {  	_ =	shalt  }
0x43: {  	_ =	shalt  }
0x44: {  	_ =	shalt  }
0x45: {  	_ =	shalt  }
0x46: {  	_ =	shalt  }
0x47: {  	_ =	shalt  }
0x48: {  	_ =	shalt  }
0x49: {  	_ =	shalt  }
0x4a: {  	_ =	shalt  }
0x4b: {  	_ =	shalt  }
0x4c: {  	_ =	shalt  }
0x4d: {  	_ =	shalt  }
0x4e: {  	_ =	shalt  }
0x4f: {  	_ =	shalt  }
0x50: {  	_ =	shalt  }
0x51: {  	_ =	shalt  }
0x52: {  	_ =	shalt  }
0x53: {  	_ =	shalt  }
0x54: {  	_ =	shalt  }
0x55: {  	_ =	shalt  }
0x56: {  	_ =	shalt  }
0x57: {  	_ =	shalt  }
0x58: {  	_ =	shalt  }
0x59: {  	_ =	shalt  }
0x5a: {  	_ =	shalt  }
0x5b: {  	_ =	shalt  }
0x5c: {  	_ =	shalt  }
0x5d: {  	_ =	shalt  }
0x5e: {  	_ =	shalt  }
0x5f: {  	_ =	shalt  }
0x60: {  	_ =	shalt  }
0x61: {  	_ =	shalt  }
0x62: {  	_ =	shalt  }
0x63: {  	_ =	shalt  }
0x64: {  	_ =	shalt  }
0x65: {  	_ =	shalt  }
0x66: {  	_ =	shalt  }
0x67: {  	_ =	shalt  }
0x68: {  	_ =	shalt  }
0x69: {  	_ =	shalt  }
0x6a: {  	_ =	shalt  }
0x6b: {  	_ =	shalt  }
0x6c: {  	_ =	shalt  }
0x6d: {  	_ =	shalt  }
0x6e: {  	_ =	shalt  }
0x6f: {  	_ =	shalt  }
0x70: {  	_ =	shalt  }
0x71: {  	_ =	shalt  }
0x72: {  	_ =	shalt  }
0x73: {  	_ =	shalt  }
0x74: {  	_ =	shalt  }
0x75: {  	_ =	shalt  }
0x76: {  	_ =	shalt  }
0x77: {  	_ =	shalt  }
0x78: {  	_ =	shalt  }
0x79: {  	_ =	shalt  }
0x7a: {  	_ =	shalt  }
0x7b: {  	_ =	shalt  }
0x7c: {  	_ =	shalt  }
0x7d: {  	_ =	shalt  }
0x7e: {  	_ =	shalt  }
0x7f: {  	_ =	shalt  }
0x80: {  	_ =	shalt  }
0x81: {  	_ =	shalt  }
0x82: {  	_ =	shalt  }
0x83: {  	_ =	shalt  }
0x84: {  	_ =	shalt  }
0x85: {  	_ =	shalt  }
0x86: {  	_ =	shalt  }
0x87: {  	_ =	shalt  }
.Lfunc_end0:
.L_simem_size_0:
called_computation_lowered:
.L_overlay_start_0:
0x88: {  	s2 =	sld [smem:$0x3FD9]  }
0x89: {  	s3 =	sld [smem:$0x3FFE];
	_ =	sdelay $0x1  }
0x8a: {  	s1 =	srdreg.scid  }
0x8b: {  	s0 =	sand.u32 $0x1, s1  }
0x8c: {  	s15 =	sshll.u32 s0, $0xA;
	s2 =	sadd.s32 s3, s2  }
0x8d: {  	s2 =	sadd.s32 s2, s15  }
0x8e: {  	[smem:$0x3FC7] =	sst s2  }
0x8f: {  	_ = 	snop  }
0x90: {  	s2 =	sld [smem:$0x3FD0];
	_ =	sdelay $0x2  }
0x91: {  	s4 =	simm.s32 $0xA;
	s5 =	simm.s32 $0x10;
	s16 =	sld [smem:$0x3FC9]  }
0x92: {  	[smem:s5], [sflag:s4] =	dma.local [hbm:s2], $0x1  }
0x93: {  	_ =	swait.eq [sflag:s4], $0x1  }
0x94: {  	[sflag:s4] =	ssyncset.done $0x0  }
0x95: {  	s17 =	sld [smem:$0x10];
	[sflag:s4] =	ssyncadd.s32 $0xFFFFFFFF  }
0x96: {  	s18 =	sld [smem:$0x11];
	(tm) =	ssettm $0x1  }
0x97: {  	s19 =	sld [smem:$0x3FFB];
	_ =	sdelay $0x3  }
0x98: {  	_ =	strace s19  }
0x99: {  	s5 =	sld [smem:$0x3FFC];
	_ =	sdelay $0x3  }
0x9a: {  	_ =	strace s5  }
0x9b: {  	s5 =	sld [smem:$0x3FFD];
	_ =	sdelay $0x3  }
0x9c: {  	_ =	strace s5  }
0x9d: {  	_ =	strace $0x8FFFFFFF  }
0x9e: {  	s20 =	sld [smem:$0x3FDB];
	_ =	sdelay $0x1  }
0x9f: {  	s6 =	simm.s32 $_scs_section_size  }
0xa0: {  	s7 =	simm.s32 $_size__tile_overlayer_lowered;
	s8 =	simm.s32 $_tile_overlayer_lowered  }
0xa1: {  	s23 =	simm.s32 $0x1BFF;
	s22 =	sshll.u32 s8, $0x1;
	s5 =	sadd.s32 s6, s20  }
0xa2: {  	s9 =	simm.s32 $0x0;
	s21 =	sshll.u32 s7, $0x1;
	s7 =	sadd.s32 s22, s5  }
0xa3: {  	[timem:s9], [sflag:s23] =	dma.local [hbm:s7], s21  }
0xa4: {  	_ =	swait.ge [sflag:s23], s21  }
0xa5: {  	s6 =	ssub.s32 $0x0, s21;
	[sflag:s23] =	ssyncset.done $0x0  }
0xa6: {  	[sflag:s23] =	ssyncadd.s32 s6;
	_ =	sdelay $0x1  }
0xa7: {  	s24 =	simm.s32 $0x1B8B  }
0xa8: {  	_ =	swait.ge [sflag:s24], $0x1  }
0xa9: {  	[sflag:s24] =	ssyncset.done $0x0  }
0xaa: {  	s25 =	simm.s32 $0x1B8E;
	[sflag:s24] =	ssyncadd.s32 $0xFFFFFFFF  }
0xab: {  	s26 =	simm.s32 $execute0_lowered;
	[smem:$0x3FD2] =	sst s25  }
0xac: {  	s6 =	sshll.u32 s26, $0x1;
	_ =	strace $0x80000046;
	[dreg:$0x1] =	wrdreg $0xFFFFFFFF  }
0xad: {  	s28 =	simm.s32 $_size_execute0_lowered;
	s5 =	sadd.s32 s5, s6;
	[dreg:$0x0] =	wrdreg $0x0  }
0xae: {  	s6 =	sshll.u32 s28, $0x1;
	[dreg:$0x2] =	wrdreg s5  }
0xaf: {  	[dreg:$0x3] =	wrdreg s6  }
0xb0: {  	[dreg:$0x4] =	wrdreg $0xC0  }
0xb1: {  	_ =	task [dreg:s9], $0x5FFFF  }
0xb2: {  	[dreg:$0x1] =	wrdreg $0xFFFFFFFF  }
0xb3: {  	[dreg:$0x0] =	wrdreg $0x60  }
0xb4: {  	[dreg:$0x2] =	wrdreg s16  }
0xb5: {  	[dreg:$0x3] =	wrdreg s17  }
0xb6: {  	[dreg:$0x4] =	wrdreg s18  }
0xb7: {  	[dreg:$0x5] =	wrdreg $0x9  }
0xb8: {  	_ =	task.clear_ibuf [dreg:s9], $0x6FFFF;
	_ =	strace $0x90000046  }
0xb9: {  	s29 =	simm.s32 $0x9;
	_ =	strace $0x80000048  }
0xba: {  	_ =	swait.ge [sflag:s29], $0x1  }
0xbb: {  	[sflag:s29] =	ssyncadd.s32 $0xFFFFFFFF  }
0xbc: {  	_ =	strace $0x90000048  }
0xbd: {  	_ =	sfence  }
0xbe: {  	s30 =	sld [smem:$0x0];
	_ =	sdelay $0x2  }
0xbf: {  	s31 =	sshll.u32 s1, $0xD;
	s1 =	sshrl.u32 s1, $0x2  }
0xc0: {  	s3 =	sand.u32 $0x4000, s31;
	s1 =	sadd.s32 s1, s30  }
0xc1: {  	s0 =	sor.u32 s3, s0;
	s1 =	sshll.u32 s1, $0x11  }
0xc2: {  	s0 =	sor.u32 s1, s0  }
0xc3: {  	s0 =	sadd.s32 $0x8F2B, s0  }
0xc4: {  	[sflag:s0] =	ssyncadd.remote.s32 $0x1  }
0xc5: {  	_ =	sfence.sel $0xFFFF  }
0xc6: {  	[dreg:$0x0] =	wrdreg $0xFFFFFFFF;
	(pc) =	sbr.abs _section_cstart, $3  }
0xc7: {  	[dreg:$0x1] =	wrdreg $0xFFFFFFFF  }
0xc8: {  	_ =	task.clear_ibuf [dreg:s9], $0x2FFFF;
	_ =	strace $0x9FFFFFFF  }
0xc9: {  	(tm) =	ssettm $0x7FFFFFFF  }
tec
execute0_lowered:
.L_overlay_start_1:
0x0: {  	(tag) =	ssettag $0x1  }
0x1: {  	v0 =	vlaneseq.u32  }
0x2: {  	v27 =	vmul.u32 $0x41, v0;
	_ =	sdelay $0x1  }
0x3: {  	v1 =	vadd.s32 $0x13, v27  }
0x4: {  	v2 =	vadd.s32 $0x31, v27;
	[tilespmem:$0x1FC00] =	vst v1  }
0x5: {  	v1 =	vadd.s32 $0x14, v27;
	[tilespmem:$0x1FDD0] =	vst v2  }
0x6: {  	v2 =	vadd.s32 $0x32, v27;
	[tilespmem:$0x1FC10] =	vst v1  }
0x7: {  	v1 =	vadd.s32 $0x15, v27;
	[tilespmem:$0x1FDE0] =	vst v2  }
0x8: {  	v2 =	vadd.s32 $0x33, v27;
	[tilespmem:$0x1FC20] =	vst v1  }
0x9: {  	v1 =	vadd.s32 $0x16, v27;
	[tilespmem:$0x1FDF0] =	vst v2  }
0xa: {  	v2 =	vadd.s32 $0x34, v27;
	[tilespmem:$0x1FC30] =	vst v1  }
0xb: {  	v1 =	vadd.s32 $0x17, v27;
	[tilespmem:$0x1FE00] =	vst v2  }
0xc: {  	v2 =	vadd.s32 $0x35, v27;
	[tilespmem:$0x1FC40] =	vst v1  }
0xd: {  	v1 =	vadd.s32 $0x18, v27;
	[tilespmem:$0x1FE10] =	vst v2  }
0xe: {  	v2 =	vadd.s32 $0x36, v27;
	[tilespmem:$0x1FC50] =	vst v1  }
0xf: {  	v1 =	vadd.s32 $0x19, v27;
	[tilespmem:$0x1FE20] =	vst v2  }
0x10: {  	v2 =	vadd.s32 $0x37, v27;
	[tilespmem:$0x1FC60] =	vst v1  }
0x11: {  	v1 =	vadd.s32 $0x1A, v27;
	[tilespmem:$0x1FE30] =	vst v2  }
0x12: {  	v2 =	vadd.s32 $0x38, v27;
	[tilespmem:$0x1FC70] =	vst v1  }
0x13: {  	v1 =	vadd.s32 $0x1B, v27;
	[tilespmem:$0x1FE40] =	vst v2  }
0x14: {  	v2 =	vadd.s32 $0x39, v27;
	[tilespmem:$0x1FC80] =	vst v1  }
0x15: {  	v1 =	vadd.s32 $0x1C, v27;
	[tilespmem:$0x1FE50] =	vst v2  }
0x16: {  	v2 =	vadd.s32 $0x3A, v27;
	[tilespmem:$0x1FC90] =	vst v1  }
0x17: {  	v1 =	vadd.s32 $0x1D, v27;
	[tilespmem:$0x1FE60] =	vst v2  }
0x18: {  	[tilespmem:$0x1FCA0] =	vst v1;
	v1 =	vadd.s32 $0x1E, v27  }
0x19: {  	[tilespmem:$0x1FCB0] =	vst v1;
	v1 =	vadd.s32 $0x1F, v27  }
0x1a: {  	[tilespmem:$0x1FCC0] =	vst v1;
	v1 =	vadd.s32 $0x20, v27  }
0x1b: {  	[tilespmem:$0x1FCD0] =	vst v1;
	v1 =	vadd.s32 $0x21, v27  }
0x1c: {  	[tilespmem:$0x1FCE0] =	vst v1;
	v1 =	vadd.s32 $0x22, v27  }
0x1d: {  	[tilespmem:$0x1FCF0] =	vst v1;
	v1 =	vadd.s32 $0x24, v27  }
0x1e: {  	[tilespmem:$0x1FD00] =	vst v1;
	v1 =	vadd.s32 $0x25, v27  }
0x1f: {  	[tilespmem:$0x1FD10] =	vst v1;
	v1 =	vadd.s32 $0x26, v27  }
0x20: {  	[tilespmem:$0x1FD20] =	vst v1;
	v1 =	vadd.s32 $0x27, v27  }
0x21: {  	[tilespmem:$0x1FD30] =	vst v1;
	v1 =	vadd.s32 $0x28, v27  }
0x22: {  	[tilespmem:$0x1FD40] =	vst v1;
	v1 =	vadd.s32 $0x29, v27  }
0x23: {  	[tilespmem:$0x1FD50] =	vst v1;
	v1 =	vadd.s32 $0x2A, v27  }
0x24: {  	[tilespmem:$0x1FD60] =	vst v1;
	v1 =	vadd.s32 $0x2B, v27  }
0x25: {  	[tilespmem:$0x1FD70] =	vst v1;
	v1 =	vadd.s32 $0x2C, v27  }
0x26: {  	[tilespmem:$0x1FD80] =	vst v1;
	v1 =	vadd.s32 $0x2D, v27  }
0x27: {  	[tilespmem:$0x1FD90] =	vst v1;
	v1 =	vadd.s32 $0x2E, v27  }
0x28: {  	s0 =	rddreg [dreg:$0x0];
	[tilespmem:$0x1FDA0] =	vst v1;
	v1 =	vadd.s32 $0x2F, v27  }
0x29: {  	s1 =	rddreg [dreg:$0x1];
	s2 =	simm.s32 $0x0;
	[tilespmem:$0x1FDB0] =	vst v1;
	v1 =	vadd.s32 $0x30, v27  }
0x2a: {  	[smem:$0x7FF] =	sst s2;
	v2 =	vadd.s32 $0x3B, v27;
	[tilespmem:$0x1FDC0] =	vst v1  }
0x2b: {  	s6 =	rddreg [dreg:$0x2];
	_ =	strace $0x80000047;
	[tilespmem:$0x1FE70] =	vst v2  }
0x2c: {  	v26 =	vadd.s32 $0x1, v27;
	[tilespmem:$0x1FEC0] =	vst v27  }
0x2d: {  	v25 =	vadd.s32 $0x2, v27;
	[tilespmem:$0x1FED0] =	vst v26  }
0x2e: {  	v24 =	vadd.s32 $0x3, v27;
	[tilespmem:$0x1FEE0] =	vst v25  }
0x2f: {  	v23 =	vadd.s32 $0x4, v27;
	[tilespmem:$0x1FEF0] =	vst v24  }
0x30: {  	v45 =	vadd.s32 $0x5, v27;
	[tilespmem:$0x1FF00] =	vst v23  }
0x31: {  	v31 =	vadd.s32 $0x6, v27;
	[tilespmem:$0x1FF10] =	vst v45  }
0x32: {  	vm0 =	vcmask $0x300;
	v44 =	vadd.s32 $0x7, v27;
	v1 =	vimm.s32 $0x2380;
	[tilespmem:$0x1FF20] =	vst v31  }
0x33: {  	v14 =	vadd.s32 $0x8, v27;
	v1 =	vsel vm0, $0x0, v1;
	vm0 =	vcmask $0x704;
	[tilespmem:$0x1FF30] =	vst v44  }
0x34: {  	v13 =	vadd.s32 $0x9, v27;
	[tilespmem:$0x1FF40] =	vst v14;
	v1 =	vsel vm0, $0x80, v1;
	vm0 =	vcmask $0xB08  }
0x35: {  	v54 =	vadd.s32 $0xA, v27;
	[tilespmem:$0x1FF50] =	vst v13;
	v1 =	vsel vm0, $0x100, v1;
	vm0 =	vcmask $0xF0C  }
0x36: {  	v43 =	vadd.s32 $0xB, v27;
	[tilespmem:$0x1FF60] =	vst v54;
	v1 =	vsel vm0, $0x180, v1;
	vm0 =	vcmask $0x1310  }
0x37: {  	v40 =	vadd.s32 $0xC, v27;
	[tilespmem:$0x1FF70] =	vst v43;
	v1 =	vsel vm0, $0x200, v1;
	vm0 =	vcmask $0x1714  }
0x38: {  	v41 =	vadd.s32 $0xD, v27;
	[tilespmem:$0x1FF80] =	vst v40;
	v1 =	vsel vm0, $0x280, v1;
	vm0 =	vcmask $0x1B18  }
0x39: {  	v58 =	vadd.s32 $0xE, v27;
	[tilespmem:$0x1FF90] =	vst v41;
	v1 =	vsel vm0, $0x300, v1;
	vm0 =	vcmask $0x1F1C  }
0x3a: {  	v60 =	vadd.s32 $0xF, v27;
	[tilespmem:$0x1FFA0] =	vst v58;
	v1 =	vsel vm0, $0x380, v1;
	vm0 =	vcmask $0x2320  }
0x3b: {  	v48 =	vadd.s32 $0x10, v27;
	[tilespmem:$0x1FFB0] =	vst v60;
	v1 =	vsel vm0, $0x2000, v1;
	vm0 =	vcmask $0x2724  }
0x3c: {  	v42 =	vadd.s32 $0x11, v27;
	[tilespmem:$0x1FFC0] =	vst v48;
	v1 =	vsel vm0, $0x2080, v1;
	vm0 =	vcmask $0x2B28  }
0x3d: {  	s3 =	srdreg.scid;
	s5 =	stileid.u32;
	s10 =	simm.s32 $0x1;
	v61 =	vadd.s32 $0x12, v27;
	[tilespmem:$0x1FFD0] =	vst v42;
	v1 =	vsel vm0, $0x2100, v1;
	vm0 =	vcmask $0x2F2C  }
0x3e: {  	s11 =	simm.s32 $0x8000;
	s12 =	simm.s32 $0xC180;
	s3 =	sand.u32 $0x1, s3;
	v11 =	vadd.s32 $0x23, v27;
	[tilespmem:$0x1FFE0] =	vst v61;
	v1 =	vsel vm0, $0x2180, v1;
	vm0 =	vcmask $0x3330  }
0x3f: {  	vm1 =	vcmask $0x3734;
	s13 =	simm.s32 $0xE180;
	s14 =	simm.s32 $0x2;
	s4 =	ssub.s32 $0x2, s3;
	v2 =	vadd.s32 $0x3C, v27;
	[tilespmem:$0x1FFF0] =	vst v11;
	v1 =	vsel vm0, $0x2200, v1  }
0x40: {  	s5 =	sshll.u32 s5, $0xB;
	s3 =	sshll.u32 s3, $0xA;
	s7 =	sshrl.u32 s4, $0x1;
	[tilespmem:$0x1FE80] =	vst v2;
	v2 =	vadd.s32 $0x3D, v27;
	v1 =	vsel vm1, $0x2280, v1;
	vm1 =	vcmask $0x3B38  }
0x41: {  	s15 =	simm.s32 $0x0;
	s8 =	sor.u32 s3, s5;
	s7 =	ssub.s32 s4, s7;
	[tilespmem:$0x1FE90] =	vst v2;
	v63 =	vsel vm1, $0x2300, v1;
	v1 =	vadd.s32 $0x3E, v27  }
0x42: {  	s3 =	sadd.s32 s0, s8;
	s31 =	sadd.s32 s1, s8;
	s6 =	sadd.s32 s6, s8;
	[tilespmem:$0x1FEA0] =	vst v1;
	v1 =	vadd.s32 $0x3F, v27  }
0x43: {  	s4 =	sadd.s32 $0x100, s3;
	s7 =	smax.u32 s7, $0x1;
	[dreg:$0x4] =	wrdreg s31;
	vm0 =	vmmov $0xff;
	[tilespmem:$0x1FEB0] =	vst v1  }
.LBB2_1:
0x44: {  	s0 =	simm.s32 $0x800  }
0x45: {  	s1 =	simm.s32 $0x40000;
	s16 =	simm.s32 $0x0;
	s17 =	simm.s32 $0x0  }
0x46: {  	[tilespmem:s2], [sflag:$0x1] =	stream.strided.gather [hbm4b:s3+s0], $0x4000, s1, s0, $0x38;
	[tilespmem:$0x10180] =	vst v63  }
.LBB2_2:
0x47: {  	p0 =	seq.s32 s17, $0x3  }
0x48: {  	s31 =	simm.s32 $0x0;
	s0 =	sshll.u32 @!p0 s17, $0xE  }
0x49: {  	s8 =	simm.s32 @!p0 $0x800;
	s29 =	sand.u32 @!p0 $0x4000, s0;
	s0 =	sshll.u32 s17, $0x8  }
0x4a: {  	s9 =	simm.s32 @!p0 $0x40000;
	s1 =	sxor.u32 @!p0 $0x4000, s29;
	s0 =	sadd.s32 @!p0 s0, s4  }
0x4b: {  	[tilespmem:s1], [sflag:$0x1] =	stream.strided.gather @!p0 [hbm4b:s0+s8], $0x4000, s9, s8, $0x38;
	[tilespmem:$0x10180] =	vst v63  }
0x4c: {  	s5 =	sand.u32 $0x400, s31;
	s29 =	simm.s32 @p0 $0x4000;
	_ =	swait.ge [sflag:s10], $0x4000  }
0x4d: {  	s8 =	sand.u32 $0x70, s31;
	s0 =	sadd.s32 s5, s29;
	[sflag:s10] =	ssyncset.done $0x0  }
0x4e: {  	s30 =	sadd.s32 s8, s0;
	[sflag:s10] =	ssyncadd.s32 $0xFFFFC000  }
0x4f: {  	v3 =	vadd.s32 s31, v27;
	v4 =	vld [tilespmem:s30+$0x0];
	_ =	sdelay $0x4  }
0x50: {  	[tilespmem:v3+s11+$0x0] =	vst.idx.msk $0xffff, v4  }
0x51: {  	v4 =	vadd.s32 s31, v26;
	v3 =	vld [tilespmem:s30+$0x80];
	_ =	sdelay $0x4  }
0x52: {  	[tilespmem:v4+s11+$0x0] =	vst.idx.msk $0xffff, v3  }
0x53: {  	v4 =	vadd.s32 s31, v25;
	v3 =	vld [tilespmem:s30+$0x100];
	_ =	sdelay $0x4  }
0x54: {  	[tilespmem:v4+s11+$0x0] =	vst.idx.msk $0xffff, v3  }
0x55: {  	v4 =	vadd.s32 s31, v24;
	v3 =	vld [tilespmem:s30+$0x180];
	_ =	sdelay $0x4  }
0x56: {  	[tilespmem:v4+s11+$0x0] =	vst.idx.msk $0xffff, v3  }
0x57: {  	v4 =	vadd.s32 s31, v23;
	v3 =	vld [tilespmem:s30+$0x200];
	_ =	sdelay $0x4  }
0x58: {  	[tilespmem:v4+s11+$0x0] =	vst.idx.msk $0xffff, v3  }
0x59: {  	v4 =	vadd.s32 s31, v45;
	v3 =	vld [tilespmem:s30+$0x280];
	_ =	sdelay $0x4  }
0x5a: {  	[tilespmem:v4+s11+$0x0] =	vst.idx.msk $0xffff, v3  }
0x5b: {  	v4 =	vadd.s32 s31, v31;
	v3 =	vld [tilespmem:s30+$0x300];
	_ =	sdelay $0x4  }
0x5c: {  	[tilespmem:v4+s11+$0x0] =	vst.idx.msk $0xffff, v3  }
0x5d: {  	v4 =	vadd.s32 s31, v44;
	v3 =	vld [tilespmem:s30+$0x380];
	_ =	sdelay $0x4  }
0x5e: {  	[tilespmem:v4+s11+$0x0] =	vst.idx.msk $0xffff, v3  }
0x5f: {  	v4 =	vadd.s32 s31, v14;
	v3 =	vld [tilespmem:s30+$0x800];
	_ =	sdelay $0x4  }
0x60: {  	[tilespmem:v4+s11+$0x0] =	vst.idx.msk $0xffff, v3  }
0x61: {  	v4 =	vadd.s32 s31, v13;
	v3 =	vld [tilespmem:s30+$0x880];
	_ =	sdelay $0x4  }
0x62: {  	[tilespmem:v4+s11+$0x0] =	vst.idx.msk $0xffff, v3  }
0x63: {  	v4 =	vadd.s32 s31, v54;
	v3 =	vld [tilespmem:s30+$0x900]  }
0x64: {  	s9 =	simm.s32 $0x80  }
0x65: {  	s18 =	simm.s32 $0x10;
	s0 =	sand.u32 $0x400, s9  }
0x66: {  	s1 =	sand.u32 $0x70, s18;
	s0 =	sadd.s32 s0, s29  }
0x67: {  	s25 =	simm.s32 $0x410;
	s24 =	sadd.s32 s1, s0  }
0x68: {  	v5 =	vadd.s32 s25, v27;
	v6 =	vld [tilespmem:s24+$0x0];
	[tilespmem:v4+s11+$0x0] =	vst.idx.msk $0xffff, v3  }
0x69: {  	v4 =	vadd.s32 s31, v43;
	v3 =	vld [tilespmem:s30+$0x980];
	_ =	sdelay $0x3  }
0x6a: {  	[tilespmem:v5+s11+$0x0] =	vst.idx.msk $0xffff, v6  }
0x6b: {  	v6 =	vadd.s32 s25, v26;
	v5 =	vld [tilespmem:s24+$0x80];
	[tilespmem:v4+s11+$0x0] =	vst.idx.msk $0xffff, v3  }
0x6c: {  	v4 =	vadd.s32 s31, v40;
	v3 =	vld [tilespmem:s30+$0xA00];
	_ =	sdelay $0x3  }
0x6d: {  	[tilespmem:v6+s11+$0x0] =	vst.idx.msk $0xffff, v5  }
0x6e: {  	v6 =	vadd.s32 s25, v25;
	v5 =	vld [tilespmem:s24+$0x100];
	[tilespmem:v4+s11+$0x0] =	vst.idx.msk $0xffff, v3  }
0x6f: {  	v4 =	vadd.s32 s31, v41;
	v3 =	vld [tilespmem:s30+$0xA80];
	_ =	sdelay $0x3  }
0x70: {  	[tilespmem:v6+s11+$0x0] =	vst.idx.msk $0xffff, v5  }
0x71: {  	v6 =	vadd.s32 s25, v24;
	v5 =	vld [tilespmem:s24+$0x180];
	[tilespmem:v4+s11+$0x0] =	vst.idx.msk $0xffff, v3  }
0x72: {  	v4 =	vadd.s32 s31, v58;
	v3 =	vld [tilespmem:s30+$0xB00];
	_ =	sdelay $0x3  }
0x73: {  	[tilespmem:v6+s11+$0x0] =	vst.idx.msk $0xffff, v5  }
0x74: {  	v6 =	vadd.s32 s25, v23;
	v5 =	vld [tilespmem:s24+$0x200];
	[tilespmem:v4+s11+$0x0] =	vst.idx.msk $0xffff, v3  }
0x75: {  	v4 =	vadd.s32 s31, v60;
	v3 =	vld [tilespmem:s30+$0xB80];
	_ =	sdelay $0x3  }
0x76: {  	[tilespmem:v6+s11+$0x0] =	vst.idx.msk $0xffff, v5  }
0x77: {  	v6 =	vadd.s32 s25, v45;
	v5 =	vld [tilespmem:s24+$0x280];
	[tilespmem:v4+s11+$0x0] =	vst.idx.msk $0xffff, v3  }
0x78: {  	v4 =	vadd.s32 s31, v48;
	v3 =	vld [tilespmem:s30+$0x1000];
	_ =	sdelay $0x3  }
0x79: {  	[tilespmem:v6+s11+$0x0] =	vst.idx.msk $0xffff, v5  }
0x7a: {  	v6 =	vadd.s32 s25, v31;
	v5 =	vld [tilespmem:s24+$0x300];
	[tilespmem:v4+s11+$0x0] =	vst.idx.msk $0xffff, v3  }
0x7b: {  	v4 =	vadd.s32 s31, v42;
	v3 =	vld [tilespmem:s30+$0x1080];
	_ =	sdelay $0x3  }
0x7c: {  	[tilespmem:v6+s11+$0x0] =	vst.idx.msk $0xffff, v5  }
0x7d: {  	v6 =	vadd.s32 s25, v44;
	v5 =	vld [tilespmem:s24+$0x380];
	[tilespmem:v4+s11+$0x0] =	vst.idx.msk $0xffff, v3  }
0x7e: {  	v4 =	vadd.s32 s31, v61;
	v3 =	vld [tilespmem:s30+$0x1100];
	_ =	sdelay $0x3  }
0x7f: {  	[tilespmem:v6+s11+$0x0] =	vst.idx.msk $0xffff, v5  }
0x80: {  	[tilespmem:v4+s11+$0x0] =	vst.idx.msk $0xffff, v3  }
0x81: {  	v62 =	vld [tilespmem:$0x1FC00];
	_ =	sdelay $0x3  }
0x82: {  	v6 =	vadd.s32 s25, v14;
	v5 =	vld [tilespmem:s24+$0x800]  }
0x83: {  	v3 =	vld [tilespmem:s30+$0x1180];
	v4 =	vadd.s32 s31, v62;
	_ =	sdelay $0x3  }
0x84: {  	[tilespmem:v6+s11+$0x0] =	vst.idx.msk $0xffff, v5  }
0x85: {  	[tilespmem:v4+s11+$0x0] =	vst.idx.msk $0xffff, v3  }
0x86: {  	v2 =	vld [tilespmem:$0x1FC10];
	_ =	sdelay $0x3  }
0x87: {  	v6 =	vadd.s32 s25, v13;
	v5 =	vld [tilespmem:s24+$0x880]  }
0x88: {  	v3 =	vld [tilespmem:s30+$0x1200];
	v4 =	vadd.s32 s31, v2;
	_ =	sdelay $0x3  }
0x89: {  	[tilespmem:v6+s11+$0x0] =	vst.idx.msk $0xffff, v5  }
0x8a: {  	[tilespmem:v4+s11+$0x0] =	vst.idx.msk $0xffff, v3  }
0x8b: {  	v36 =	vld [tilespmem:$0x1FC20];
	_ =	sdelay $0x3  }
0x8c: {  	v6 =	vadd.s32 s25, v54;
	v5 =	vld [tilespmem:s24+$0x900]  }
0x8d: {  	v3 =	vld [tilespmem:s30+$0x1280];
	v4 =	vadd.s32 s31, v36;
	_ =	sdelay $0x3  }
0x8e: {  	[tilespmem:v6+s11+$0x0] =	vst.idx.msk $0xffff, v5  }
0x8f: {  	s19 =	simm.s32 $0x100;
	[tilespmem:v4+s11+$0x0] =	vst.idx.msk $0xffff, v3  }
0x90: {  	s20 =	simm.s32 $0x20;
	s0 =	sand.u32 $0x400, s19;
	v30 =	vld [tilespmem:$0x1FC30]  }
0x91: {  	s1 =	sand.u32 $0x70, s20;
	s0 =	sadd.s32 s0, s29  }
0x92: {  	s19 =	simm.s32 $0x820;
	s18 =	sadd.s32 s1, s0  }
0x93: {  	v7 =	vadd.s32 s19, v27;
	v8 =	vld [tilespmem:s18+$0x0]  }
0x94: {  	v6 =	vadd.s32 s25, v43;
	v5 =	vld [tilespmem:s24+$0x980]  }
0x95: {  	v3 =	vld [tilespmem:s30+$0x1300];
	v4 =	vadd.s32 s31, v30;
	_ =	sdelay $0x2  }
0x96: {  	[tilespmem:v7+s11+$0x0] =	vst.idx.msk $0xffff, v8  }
0x97: {  	[tilespmem:v6+s11+$0x0] =	vst.idx.msk $0xffff, v5  }
0x98: {  	[tilespmem:v4+s11+$0x0] =	vst.idx.msk $0xffff, v3  }
0x99: {  	v32 =	vld [tilespmem:$0x1FC40];
	_ =	sdelay $0x2  }
0x9a: {  	v8 =	vadd.s32 s19, v26;
	v7 =	vld [tilespmem:s18+$0x80]  }
0x9b: {  	v6 =	vadd.s32 s25, v40;
	v5 =	vld [tilespmem:s24+$0xA00]  }
0x9c: {  	v3 =	vld [tilespmem:s30+$0x1380];
	v4 =	vadd.s32 s31, v32;
	_ =	sdelay $0x2  }
0x9d: {  	[tilespmem:v8+s11+$0x0] =	vst.idx.msk $0xffff, v7  }
0x9e: {  	[tilespmem:v6+s11+$0x0] =	vst.idx.msk $0xffff, v5  }
0x9f: {  	[tilespmem:v4+s11+$0x0] =	vst.idx.msk $0xffff, v3  }
0xa0: {  	v33 =	vld [tilespmem:$0x1FC50];
	_ =	sdelay $0x2  }
0xa1: {  	v8 =	vadd.s32 s19, v25;
	v7 =	vld [tilespmem:s18+$0x100]  }
0xa2: {  	v6 =	vadd.s32 s25, v41;
	v5 =	vld [tilespmem:s24+$0xA80]  }
0xa3: {  	v3 =	vld [tilespmem:s30+$0x1800];
	v4 =	vadd.s32 s31, v33;
	_ =	sdelay $0x2  }
0xa4: {  	[tilespmem:v8+s11+$0x0] =	vst.idx.msk $0xffff, v7  }
0xa5: {  	[tilespmem:v6+s11+$0x0] =	vst.idx.msk $0xffff, v5  }
0xa6: {  	[tilespmem:v4+s11+$0x0] =	vst.idx.msk $0xffff, v3  }
0xa7: {  	v56 =	vld [tilespmem:$0x1FC60];
	_ =	sdelay $0x2  }
0xa8: {  	v8 =	vadd.s32 s19, v24;
	v7 =	vld [tilespmem:s18+$0x180]  }
0xa9: {  	v6 =	vadd.s32 s25, v58;
	v5 =	vld [tilespmem:s24+$0xB00]  }
0xaa: {  	v3 =	vld [tilespmem:s30+$0x1880];
	v4 =	vadd.s32 s31, v56;
	_ =	sdelay $0x2  }
0xab: {  	[tilespmem:v8+s11+$0x0] =	vst.idx.msk $0xffff, v7  }
0xac: {  	[tilespmem:v6+s11+$0x0] =	vst.idx.msk $0xffff, v5  }
0xad: {  	[tilespmem:v4+s11+$0x0] =	vst.idx.msk $0xffff, v3  }
0xae: {  	v53 =	vld [tilespmem:$0x1FC70];
	_ =	sdelay $0x2  }
0xaf: {  	v8 =	vadd.s32 s19, v23;
	v7 =	vld [tilespmem:s18+$0x200]  }
0xb0: {  	v6 =	vadd.s32 s25, v60;
	v5 =	vld [tilespmem:s24+$0xB80]  }
0xb1: {  	v3 =	vld [tilespmem:s30+$0x1900];
	v4 =	vadd.s32 s31, v53;
	_ =	sdelay $0x2  }
0xb2: {  	[tilespmem:v8+s11+$0x0] =	vst.idx.msk $0xffff, v7  }
0xb3: {  	[tilespmem:v6+s11+$0x0] =	vst.idx.msk $0xffff, v5  }
0xb4: {  	[tilespmem:v4+s11+$0x0] =	vst.idx.msk $0xffff, v3  }
0xb5: {  	v38 =	vld [tilespmem:$0x1FC80];
	_ =	sdelay $0x2  }
0xb6: {  	v8 =	vadd.s32 s19, v45;
	v7 =	vld [tilespmem:s18+$0x280]  }
0xb7: {  	v6 =	vadd.s32 s25, v48;
	v5 =	vld [tilespmem:s24+$0x1000]  }
0xb8: {  	v3 =	vld [tilespmem:s30+$0x1980];
	v4 =	vadd.s32 s31, v38;
	_ =	sdelay $0x2  }
0xb9: {  	[tilespmem:v8+s11+$0x0] =	vst.idx.msk $0xffff, v7  }
0xba: {  	[tilespmem:v6+s11+$0x0] =	vst.idx.msk $0xffff, v5  }
0xbb: {  	[tilespmem:v4+s11+$0x0] =	vst.idx.msk $0xffff, v3  }
0xbc: {  	v59 =	vld [tilespmem:$0x1FC90];
	_ =	sdelay $0x2  }
0xbd: {  	v8 =	vadd.s32 s19, v31;
	v7 =	vld [tilespmem:s18+$0x300]  }
0xbe: {  	v6 =	vadd.s32 s25, v42;
	v5 =	vld [tilespmem:s24+$0x1080]  }
0xbf: {  	v3 =	vld [tilespmem:s30+$0x1A00];
	v4 =	vadd.s32 s31, v59;
	_ =	sdelay $0x2  }
0xc0: {  	[tilespmem:v8+s11+$0x0] =	vst.idx.msk $0xffff, v7  }
0xc1: {  	[tilespmem:v6+s11+$0x0] =	vst.idx.msk $0xffff, v5  }
0xc2: {  	[tilespmem:v4+s11+$0x0] =	vst.idx.msk $0xffff, v3  }
0xc3: {  	v46 =	vmov v41;
	v41 =	vld [tilespmem:$0x1FCA0];
	_ =	sdelay $0x2  }
0xc4: {  	v8 =	vadd.s32 s19, v44;
	v7 =	vld [tilespmem:s18+$0x380]  }
0xc5: {  	v6 =	vadd.s32 s25, v61;
	v5 =	vld [tilespmem:s24+$0x1100]  }
0xc6: {  	v3 =	vld [tilespmem:s30+$0x1A80];
	v4 =	vadd.s32 s31, v41;
	_ =	sdelay $0x2  }
0xc7: {  	[tilespmem:v8+s11+$0x0] =	vst.idx.msk $0xffff, v7  }
0xc8: {  	[tilespmem:v6+s11+$0x0] =	vst.idx.msk $0xffff, v5  }
0xc9: {  	[tilespmem:v4+s11+$0x0] =	vst.idx.msk $0xffff, v3  }
0xca: {  	v29 =	vld [tilespmem:$0x1FCB0];
	_ =	sdelay $0x2  }
0xcb: {  	v8 =	vadd.s32 s19, v14;
	v7 =	vld [tilespmem:s18+$0x800]  }
0xcc: {  	v6 =	vadd.s32 s25, v62;
	v5 =	vld [tilespmem:s24+$0x1180]  }
0xcd: {  	v3 =	vld [tilespmem:s30+$0x1B00];
	v4 =	vadd.s32 s31, v29;
	_ =	sdelay $0x2  }
0xce: {  	[tilespmem:v8+s11+$0x0] =	vst.idx.msk $0xffff, v7  }
0xcf: {  	[tilespmem:v6+s11+$0x0] =	vst.idx.msk $0xffff, v5  }
0xd0: {  	[tilespmem:v4+s11+$0x0] =	vst.idx.msk $0xffff, v3  }
0xd1: {  	v35 =	vld [tilespmem:$0x1FCC0];
	_ =	sdelay $0x2  }
0xd2: {  	v8 =	vadd.s32 s19, v13;
	v7 =	vld [tilespmem:s18+$0x880]  }
0xd3: {  	v6 =	vadd.s32 s25, v2;
	v5 =	vld [tilespmem:s24+$0x1200]  }
0xd4: {  	v3 =	vld [tilespmem:s30+$0x1B80];
	v4 =	vadd.s32 s31, v35;
	_ =	sdelay $0x2  }
0xd5: {  	[tilespmem:v8+s11+$0x0] =	vst.idx.msk $0xffff, v7  }
0xd6: {  	[tilespmem:v6+s11+$0x0] =	vst.idx.msk $0xffff, v5  }
0xd7: {  	[tilespmem:v4+s11+$0x0] =	vst.idx.msk $0xffff, v3  }
0xd8: {  	s21 =	simm.s32 $0x180;
	v1 =	vld [tilespmem:$0x1FCD0]  }
0xd9: {  	s22 =	simm.s32 $0x30;
	s0 =	sand.u32 $0x400, s21  }
0xda: {  	s1 =	sand.u32 $0x70, s22;
	s0 =	sadd.s32 s0, s29;
	v8 =	vadd.s32 s19, v54;
	v7 =	vld [tilespmem:s18+$0x900]  }
0xdb: {  	s20 =	simm.s32 $0xC30;
	s21 =	sadd.s32 s1, s0;
	v6 =	vadd.s32 s25, v36;
	v5 =	vld [tilespmem:s24+$0x1280]  }
0xdc: {  	v3 =	vadd.s32 s20, v27;
	v4 =	vld [tilespmem:s21+$0x0]  }
0xdd: {  	v9 =	vld [tilespmem:s30+$0x2000];
	v10 =	vadd.s32 s31, v1;
	_ =	sdelay $0x1  }
0xde: {  	[tilespmem:v8+s11+$0x0] =	vst.idx.msk $0xffff, v7  }
0xdf: {  	[tilespmem:v6+s11+$0x0] =	vst.idx.msk $0xffff, v5  }
0xe0: {  	[tilespmem:v3+s11+$0x0] =	vst.idx.msk $0xffff, v4  }
0xe1: {  	[tilespmem:v10+s11+$0x0] =	vst.idx.msk $0xffff, v9  }
0xe2: {  	v15 =	vmov v2;
	v2 =	vld [tilespmem:$0x1FCE0];
	_ =	sdelay $0x1  }
0xe3: {  	v8 =	vadd.s32 s19, v43;
	v7 =	vld [tilespmem:s18+$0x980]  }
0xe4: {  	v6 =	vadd.s32 s25, v30;
	v5 =	vld [tilespmem:s24+$0x1300]  }
0xe5: {  	v4 =	vadd.s32 s20, v26;
	v3 =	vld [tilespmem:s21+$0x80]  }
0xe6: {  	v9 =	vld [tilespmem:s30+$0x2080];
	v10 =	vadd.s32 s31, v2;
	_ =	sdelay $0x1  }
0xe7: {  	[tilespmem:v8+s11+$0x0] =	vst.idx.msk $0xffff, v7  }
0xe8: {  	[tilespmem:v6+s11+$0x0] =	vst.idx.msk $0xffff, v5  }
0xe9: {  	[tilespmem:v4+s11+$0x0] =	vst.idx.msk $0xffff, v3  }
0xea: {  	[tilespmem:v10+s11+$0x0] =	vst.idx.msk $0xffff, v9  }
0xeb: {  	v37 =	vld [tilespmem:$0x1FCF0];
	_ =	sdelay $0x1  }
0xec: {  	v8 =	vadd.s32 s19, v40;
	v7 =	vld [tilespmem:s18+$0xA00]  }
0xed: {  	v6 =	vadd.s32 s25, v32;
	v5 =	vld [tilespmem:s24+$0x1380]  }
0xee: {  	v4 =	vadd.s32 s20, v25;
	v3 =	vld [tilespmem:s21+$0x100]  }
0xef: {  	v9 =	vld [tilespmem:s30+$0x2100];
	v10 =	vadd.s32 s31, v37;
	_ =	sdelay $0x1  }
0xf0: {  	[tilespmem:v8+s11+$0x0] =	vst.idx.msk $0xffff, v7  }
0xf1: {  	v8 =	vadd.s32 s19, v46;
	[tilespmem:v6+s11+$0x0] =	vst.idx.msk $0xffff, v5;
	v7 =	vld [tilespmem:s18+$0xA80]  }
0xf2: {  	v6 =	vadd.s32 s25, v33;
	[tilespmem:v4+s11+$0x0] =	vst.idx.msk $0xffff, v3;
	v5 =	vld [tilespmem:s24+$0x1800]  }
0xf3: {  	v4 =	vadd.s32 s20, v24;
	v3 =	vld [tilespmem:s21+$0x180];
	[tilespmem:v10+s11+$0x0] =	vst.idx.msk $0xffff, v9  }
0xf4: {  	v10 =	vadd.s32 s31, v11;
	v9 =	vld [tilespmem:s30+$0x2180];
	_ =	sdelay $0x1  }
0xf5: {  	[tilespmem:v8+s11+$0x0] =	vst.idx.msk $0xffff, v7  }
0xf6: {  	[tilespmem:v6+s11+$0x0] =	vst.idx.msk $0xffff, v5  }
0xf7: {  	[tilespmem:v4+s11+$0x0] =	vst.idx.msk $0xffff, v3  }
0xf8: {  	[tilespmem:v10+s11+$0x0] =	vst.idx.msk $0xffff, v9  }
0xf9: {  	v18 =	vld [tilespmem:$0x1FD00];
	_ =	sdelay $0x1  }
0xfa: {  	v8 =	vadd.s32 s19, v58;
	v7 =	vld [tilespmem:s18+$0xB00]  }
0xfb: {  	v6 =	vadd.s32 s25, v56;
	v5 =	vld [tilespmem:s24+$0x1880]  }
0xfc: {  	v4 =	vadd.s32 s20, v23;
	v3 =	vld [tilespmem:s21+$0x200]  }
0xfd: {  	v9 =	vld [tilespmem:s30+$0x2200];
	v10 =	vadd.s32 s31, v18;
	_ =	sdelay $0x1  }
0xfe: {  	[tilespmem:v8+s11+$0x0] =	vst.idx.msk $0xffff, v7  }
0xff: {  	[tilespmem:v6+s11+$0x0] =	vst.idx.msk $0xffff, v5  }
0x100: {  	[tilespmem:v4+s11+$0x0] =	vst.idx.msk $0xffff, v3  }
0x101: {  	[tilespmem:v10+s11+$0x0] =	vst.idx.msk $0xffff, v9  }
0x102: {  	v19 =	vld [tilespmem:$0x1FD10];
	_ =	sdelay $0x1  }
0x103: {  	v8 =	vadd.s32 s19, v60;
	v7 =	vld [tilespmem:s18+$0xB80]  }
0x104: {  	v6 =	vadd.s32 s25, v53;
	v5 =	vld [tilespmem:s24+$0x1900]  }
0x105: {  	v4 =	vadd.s32 s20, v45;
	v3 =	vld [tilespmem:s21+$0x280]  }
0x106: {  	v9 =	vld [tilespmem:s30+$0x2280];
	v10 =	vadd.s32 s31, v19;
	_ =	sdelay $0x1  }
0x107: {  	[tilespmem:v8+s11+$0x0] =	vst.idx.msk $0xffff, v7  }
0x108: {  	[tilespmem:v6+s11+$0x0] =	vst.idx.msk $0xffff, v5  }
0x109: {  	[tilespmem:v4+s11+$0x0] =	vst.idx.msk $0xffff, v3  }
0x10a: {  	[tilespmem:v10+s11+$0x0] =	vst.idx.msk $0xffff, v9  }
0x10b: {  	v20 =	vld [tilespmem:$0x1FD20];
	_ =	sdelay $0x1  }
0x10c: {  	v8 =	vadd.s32 s19, v48;
	v7 =	vld [tilespmem:s18+$0x1000]  }
0x10d: {  	v6 =	vadd.s32 s25, v38;
	v5 =	vld [tilespmem:s24+$0x1980]  }
0x10e: {  	v4 =	vadd.s32 s20, v31;
	v3 =	vld [tilespmem:s21+$0x300]  }
0x10f: {  	v9 =	vld [tilespmem:s30+$0x2300];
	v10 =	vadd.s32 s31, v20;
	_ =	sdelay $0x1  }
0x110: {  	[tilespmem:v8+s11+$0x0] =	vst.idx.msk $0xffff, v7  }
0x111: {  	[tilespmem:v6+s11+$0x0] =	vst.idx.msk $0xffff, v5  }
0x112: {  	[tilespmem:v4+s11+$0x0] =	vst.idx.msk $0xffff, v3  }
0x113: {  	[tilespmem:v10+s11+$0x0] =	vst.idx.msk $0xffff, v9  }
0x114: {  	v21 =	vld [tilespmem:$0x1FD30];
	_ =	sdelay $0x1  }
0x115: {  	v8 =	vadd.s32 s19, v42;
	v7 =	vld [tilespmem:s18+$0x1080]  }
0x116: {  	v6 =	vadd.s32 s25, v59;
	v5 =	vld [tilespmem:s24+$0x1A00]  }
0x117: {  	v4 =	vadd.s32 s20, v44;
	v3 =	vld [tilespmem:s21+$0x380]  }
0x118: {  	v9 =	vld [tilespmem:s30+$0x2380];
	v10 =	vadd.s32 s31, v21;
	_ =	sdelay $0x1  }
0x119: {  	[tilespmem:v8+s11+$0x0] =	vst.idx.msk $0xffff, v7  }
0x11a: {  	[tilespmem:v6+s11+$0x0] =	vst.idx.msk $0xffff, v5  }
0x11b: {  	[tilespmem:v4+s11+$0x0] =	vst.idx.msk $0xffff, v3  }
0x11c: {  	[tilespmem:v10+s11+$0x0] =	vst.idx.msk $0xffff, v9  }
0x11d: {  	v22 =	vld [tilespmem:$0x1FD40];
	_ =	sdelay $0x1  }
0x11e: {  	v8 =	vadd.s32 s19, v61;
	v7 =	vld [tilespmem:s18+$0x1100]  }
0x11f: {  	v6 =	vadd.s32 s25, v41;
	v5 =	vld [tilespmem:s24+$0x1A80]  }
0x120: {  	v4 =	vadd.s32 s20, v14;
	v3 =	vld [tilespmem:s21+$0x800]  }
0x121: {  	v9 =	vld [tilespmem:s30+$0x2800];
	v10 =	vadd.s32 s31, v22;
	_ =	sdelay $0x1  }
0x122: {  	[tilespmem:v8+s11+$0x0] =	vst.idx.msk $0xffff, v7  }
0x123: {  	[tilespmem:v6+s11+$0x0] =	vst.idx.msk $0xffff, v5  }
0x124: {  	[tilespmem:v4+s11+$0x0] =	vst.idx.msk $0xffff, v3  }
0x125: {  	[tilespmem:v10+s11+$0x0] =	vst.idx.msk $0xffff, v9  }
0x126: {  	v52 =	vld [tilespmem:$0x1FD50];
	_ =	sdelay $0x1  }
0x127: {  	v8 =	vadd.s32 s19, v62;
	v7 =	vld [tilespmem:s18+$0x1180]  }
0x128: {  	v6 =	vadd.s32 s25, v29;
	v5 =	vld [tilespmem:s24+$0x1B00]  }
0x129: {  	v4 =	vadd.s32 s20, v13;
	v3 =	vld [tilespmem:s21+$0x880]  }
0x12a: {  	v9 =	vld [tilespmem:s30+$0x2880];
	v10 =	vadd.s32 s31, v52;
	_ =	sdelay $0x1  }
0x12b: {  	[tilespmem:v8+s11+$0x0] =	vst.idx.msk $0xffff, v7  }
0x12c: {  	[tilespmem:v6+s11+$0x0] =	vst.idx.msk $0xffff, v5  }
0x12d: {  	[tilespmem:v4+s11+$0x0] =	vst.idx.msk $0xffff, v3  }
0x12e: {  	[tilespmem:v10+s11+$0x0] =	vst.idx.msk $0xffff, v9  }
0x12f: {  	v50 =	vld [tilespmem:$0x1FD60];
	_ =	sdelay $0x1  }
0x130: {  	v8 =	vadd.s32 s19, v15;
	v7 =	vld [tilespmem:s18+$0x1200]  }
0x131: {  	v6 =	vadd.s32 s25, v35;
	v5 =	vld [tilespmem:s24+$0x1B80]  }
0x132: {  	v4 =	vadd.s32 s20, v54;
	v3 =	vld [tilespmem:s21+$0x900]  }
0x133: {  	v9 =	vld [tilespmem:s30+$0x2900];
	v10 =	vadd.s32 s31, v50;
	_ =	sdelay $0x1  }
0x134: {  	[tilespmem:v8+s11+$0x0] =	vst.idx.msk $0xffff, v7  }
0x135: {  	[tilespmem:v6+s11+$0x0] =	vst.idx.msk $0xffff, v5  }
0x136: {  	s23 =	simm.s32 $0x200;
	[tilespmem:v4+s11+$0x0] =	vst.idx.msk $0xffff, v3  }
0x137: {  	s26 =	simm.s32 $0x40;
	s0 =	sand.u32 $0x400, s23;
	[tilespmem:v10+s11+$0x0] =	vst.idx.msk $0xffff, v9  }
0x138: {  	s1 =	sand.u32 $0x70, s26;
	s0 =	sadd.s32 s0, s29;
	v49 =	vld [tilespmem:$0x1FD70]  }
0x139: {  	s22 =	simm.s32 $0x1040;
	s23 =	sadd.s32 s1, s0;
	v8 =	vadd.s32 s19, v36;
	v7 =	vld [tilespmem:s18+$0x1280]  }
0x13a: {  	v5 =	vadd.s32 s22, v27;
	v6 =	vld [tilespmem:s23+$0x0]  }
0x13b: {  	v4 =	vadd.s32 s25, v1;
	v3 =	vld [tilespmem:s24+$0x2000]  }
0x13c: {  	v51 =	vmov v45;
	v12 =	vadd.s32 s20, v43;
	v45 =	vmov v11;
	v11 =	vld [tilespmem:s21+$0x980]  }
0x13d: {  	v9 =	vld [tilespmem:s30+$0x2980];
	v10 =	vadd.s32 s31, v49  }
0x13e: {  	[tilespmem:v8+s11+$0x0] =	vst.idx.msk $0xffff, v7  }
0x13f: {  	[tilespmem:v5+s11+$0x0] =	vst.idx.msk $0xffff, v6  }
0x140: {  	[tilespmem:v4+s11+$0x0] =	vst.idx.msk $0xffff, v3  }
0x141: {  	[tilespmem:v12+s11+$0x0] =	vst.idx.msk $0xffff, v11  }
0x142: {  	[tilespmem:v10+s11+$0x0] =	vst.idx.msk $0xffff, v9  }
0x143: {  	v55 =	vld [tilespmem:$0x1FD80]  }
0x144: {  	v8 =	vadd.s32 s19, v30;
	v7 =	vld [tilespmem:s18+$0x1300]  }
0x145: {  	v6 =	vadd.s32 s22, v26;
	v5 =	vld [tilespmem:s23+$0x80]  }
0x146: {  	v4 =	vadd.s32 s25, v2;
	v3 =	vld [tilespmem:s24+$0x2080]  }
0x147: {  	v12 =	vadd.s32 s20, v40;
	v11 =	vld [tilespmem:s21+$0xA00]  }
0x148: {  	v9 =	vld [tilespmem:s30+$0x2A00];
	v10 =	vadd.s32 s31, v55  }
0x149: {  	[tilespmem:v8+s11+$0x0] =	vst.idx.msk $0xffff, v7  }
0x14a: {  	[tilespmem:v6+s11+$0x0] =	vst.idx.msk $0xffff, v5  }
0x14b: {  	[tilespmem:v4+s11+$0x0] =	vst.idx.msk $0xffff, v3  }
0x14c: {  	[tilespmem:v12+s11+$0x0] =	vst.idx.msk $0xffff, v11  }
0x14d: {  	[tilespmem:v10+s11+$0x0] =	vst.idx.msk $0xffff, v9  }
0x14e: {  	v57 =	vld [tilespmem:$0x1FD90]  }
0x14f: {  	v8 =	vadd.s32 s19, v32;
	v7 =	vld [tilespmem:s18+$0x1380]  }
0x150: {  	v6 =	vadd.s32 s22, v25;
	v5 =	vld [tilespmem:s23+$0x100]  }
0x151: {  	v4 =	vadd.s32 s25, v37;
	v3 =	vld [tilespmem:s24+$0x2100]  }
0x152: {  	v12 =	vadd.s32 s20, v46;
	v11 =	vld [tilespmem:s21+$0xA80]  }
0x153: {  	v9 =	vld [tilespmem:s30+$0x2A80];
	v10 =	vadd.s32 s31, v57  }
0x154: {  	[tilespmem:v8+s11+$0x0] =	vst.idx.msk $0xffff, v7  }
0x155: {  	[tilespmem:v6+s11+$0x0] =	vst.idx.msk $0xffff, v5  }
0x156: {  	[tilespmem:v4+s11+$0x0] =	vst.idx.msk $0xffff, v3  }
0x157: {  	[tilespmem:v12+s11+$0x0] =	vst.idx.msk $0xffff, v11  }
0x158: {  	[tilespmem:v10+s11+$0x0] =	vst.idx.msk $0xffff, v9  }
0x159: {  	v39 =	vmov v58;
	v12 =	vadd.s32 s20, v58;
	v58 =	vld [tilespmem:$0x1FDA0]  }
0x15a: {  	v8 =	vadd.s32 s19, v33;
	v7 =	vld [tilespmem:s18+$0x1800]  }
0x15b: {  	v6 =	vadd.s32 s22, v24;
	v5 =	vld [tilespmem:s23+$0x180]  }
0x15c: {  	v4 =	vadd.s32 s25, v45;
	v3 =	vld [tilespmem:s24+$0x2180]  }
0x15d: {  	v11 =	vld [tilespmem:s21+$0xB00]  }
0x15e: {  	v9 =	vld [tilespmem:s30+$0x2B00];
	v10 =	vadd.s32 s31, v58  }
0x15f: {  	[tilespmem:v8+s11+$0x0] =	vst.idx.msk $0xffff, v7  }
0x160: {  	[tilespmem:v6+s11+$0x0] =	vst.idx.msk $0xffff, v5  }
0x161: {  	[tilespmem:v4+s11+$0x0] =	vst.idx.msk $0xffff, v3  }
0x162: {  	[tilespmem:v12+s11+$0x0] =	vst.idx.msk $0xffff, v11  }
0x163: {  	[tilespmem:v10+s11+$0x0] =	vst.idx.msk $0xffff, v9  }
0x164: {  	v28 =	vld [tilespmem:$0x1FDB0]  }
0x165: {  	v8 =	vadd.s32 s19, v56;
	v7 =	vld [tilespmem:s18+$0x1880]  }
0x166: {  	v6 =	vadd.s32 s22, v23;
	v5 =	vld [tilespmem:s23+$0x200]  }
0x167: {  	v4 =	vadd.s32 s25, v18;
	v3 =	vld [tilespmem:s24+$0x2200]  }
0x168: {  	v12 =	vadd.s32 s20, v60;
	v11 =	vld [tilespmem:s21+$0xB80]  }
0x169: {  	v9 =	vld [tilespmem:s30+$0x2B80];
	v10 =	vadd.s32 s31, v28  }
0x16a: {  	[tilespmem:v8+s11+$0x0] =	vst.idx.msk $0xffff, v7  }
0x16b: {  	[tilespmem:v6+s11+$0x0] =	vst.idx.msk $0xffff, v5  }
0x16c: {  	[tilespmem:v4+s11+$0x0] =	vst.idx.msk $0xffff, v3  }
0x16d: {  	[tilespmem:v12+s11+$0x0] =	vst.idx.msk $0xffff, v11  }
0x16e: {  	[tilespmem:v10+s11+$0x0] =	vst.idx.msk $0xffff, v9  }
0x16f: {  	v34 =	vld [tilespmem:$0x1FDC0]  }
0x170: {  	v8 =	vadd.s32 s19, v53;
	v7 =	vld [tilespmem:s18+$0x1900]  }
0x171: {  	v6 =	vadd.s32 s22, v51;
	v5 =	vld [tilespmem:s23+$0x280]  }
0x172: {  	v4 =	vadd.s32 s25, v19;
	v3 =	vld [tilespmem:s24+$0x2280]  }
0x173: {  	v12 =	vadd.s32 s20, v48;
	v11 =	vld [tilespmem:s21+$0x1000]  }
0x174: {  	v9 =	vld [tilespmem:s30+$0x3000];
	v10 =	vadd.s32 s31, v34  }
0x175: {  	[tilespmem:v8+s11+$0x0] =	vst.idx.msk $0xffff, v7  }
0x176: {  	[tilespmem:v6+s11+$0x0] =	vst.idx.msk $0xffff, v5  }
0x177: {  	[tilespmem:v4+s11+$0x0] =	vst.idx.msk $0xffff, v3  }
0x178: {  	[tilespmem:v12+s11+$0x0] =	vst.idx.msk $0xffff, v11  }
0x179: {  	[tilespmem:v10+s11+$0x0] =	vst.idx.msk $0xffff, v9  }
0x17a: {  	v16 =	vld [tilespmem:$0x1FDD0]  }
0x17b: {  	v8 =	vadd.s32 s19, v38;
	v7 =	vld [tilespmem:s18+$0x1980]  }
0x17c: {  	v6 =	vadd.s32 s22, v31;
	v5 =	vld [tilespmem:s23+$0x300]  }
0x17d: {  	v47 =	vmov v42;
	v4 =	vadd.s32 s25, v20;
	v3 =	vld [tilespmem:s24+$0x2300]  }
0x17e: {  	v12 =	vadd.s32 s20, v47;
	v11 =	vld [tilespmem:s21+$0x1080]  }
0x17f: {  	v9 =	vld [tilespmem:s30+$0x3080];
	v10 =	vadd.s32 s31, v16  }
0x180: {  	[tilespmem:v8+s11+$0x0] =	vst.idx.msk $0xffff, v7  }
0x181: {  	[tilespmem:v6+s11+$0x0] =	vst.idx.msk $0xffff, v5  }
0x182: {  	[tilespmem:v4+s11+$0x0] =	vst.idx.msk $0xffff, v3  }
0x183: {  	[tilespmem:v12+s11+$0x0] =	vst.idx.msk $0xffff, v11  }
0x184: {  	[tilespmem:v10+s11+$0x0] =	vst.idx.msk $0xffff, v9  }
0x185: {  	v17 =	vmov v15;
	v15 =	vld [tilespmem:$0x1FDE0]  }
0x186: {  	v8 =	vadd.s32 s19, v59;
	v7 =	vld [tilespmem:s18+$0x1A00]  }
0x187: {  	v6 =	vadd.s32 s22, v44;
	v5 =	vld [tilespmem:s23+$0x380]  }
0x188: {  	v42 =	vmov v61;
	v4 =	vadd.s32 s25, v21;
	v3 =	vld [tilespmem:s24+$0x2380]  }
0x189: {  	v12 =	vadd.s32 s20, v42;
	v11 =	vld [tilespmem:s21+$0x1100]  }
0x18a: {  	v9 =	vld [tilespmem:s30+$0x3100];
	v10 =	vadd.s32 s31, v15  }
0x18b: {  	[tilespmem:v8+s11+$0x0] =	vst.idx.msk $0xffff, v7  }
0x18c: {  	[tilespmem:v6+s11+$0x0] =	vst.idx.msk $0xffff, v5  }
0x18d: {  	[tilespmem:v4+s11+$0x0] =	vst.idx.msk $0xffff, v3  }
0x18e: {  	[tilespmem:v12+s11+$0x0] =	vst.idx.msk $0xffff, v11  }
0x18f: {  	[tilespmem:v10+s11+$0x0] =	vst.idx.msk $0xffff, v9  }
0x190: {  	v61 =	vmov v60;
	v60 =	vld [tilespmem:$0x1FDF0]  }
0x191: {  	v8 =	vadd.s32 s19, v41;
	v7 =	vld [tilespmem:s18+$0x1A80]  }
0x192: {  	v6 =	vadd.s32 s22, v14;
	v5 =	vld [tilespmem:s23+$0x800]  }
0x193: {  	v4 =	vadd.s32 s25, v22;
	v3 =	vld [tilespmem:s24+$0x2800]  }
0x194: {  	v12 =	vadd.s32 s20, v62;
	v11 =	vld [tilespmem:s21+$0x1180]  }
0x195: {  	v9 =	vld [tilespmem:s30+$0x3180];
	v10 =	vadd.s32 s31, v60  }
0x196: {  	[tilespmem:v8+s11+$0x0] =	vst.idx.msk $0xffff, v7  }
0x197: {  	[tilespmem:v6+s11+$0x0] =	vst.idx.msk $0xffff, v5  }
0x198: {  	[tilespmem:v4+s11+$0x0] =	vst.idx.msk $0xffff, v3  }
0x199: {  	[tilespmem:v12+s11+$0x0] =	vst.idx.msk $0xffff, v11  }
0x19a: {  	[tilespmem:v10+s11+$0x0] =	vst.idx.msk $0xffff, v9  }
0x19b: {  	v12 =	vadd.s32 s20, v17;
	v17 =	vld [tilespmem:$0x1FE00]  }
0x19c: {  	v8 =	vadd.s32 s19, v29;
	v7 =	vld [tilespmem:s18+$0x1B00]  }
0x19d: {  	v6 =	vadd.s32 s22, v13;
	v5 =	vld [tilespmem:s23+$0x880]  }
0x19e: {  	v4 =	vadd.s32 s25, v52;
	v3 =	vld [tilespmem:s24+$0x2880]  }
0x19f: {  	v11 =	vld [tilespmem:s21+$0x1200]  }
0x1a0: {  	v9 =	vld [tilespmem:s30+$0x3200];
	v10 =	vadd.s32 s31, v17  }
0x1a1: {  	[tilespmem:v8+s11+$0x0] =	vst.idx.msk $0xffff, v7  }
0x1a2: {  	[tilespmem:v6+s11+$0x0] =	vst.idx.msk $0xffff, v5  }
0x1a3: {  	[tilespmem:v4+s11+$0x0] =	vst.idx.msk $0xffff, v3  }
0x1a4: {  	[tilespmem:v12+s11+$0x0] =	vst.idx.msk $0xffff, v11  }
0x1a5: {  	v8 =	vadd.s32 s19, v35;
	v7 =	vld [tilespmem:s18+$0x1B80];
	[tilespmem:v10+s11+$0x0] =	vst.idx.msk $0xffff, v9  }
0x1a6: {  	s5 =	simm.s32 $0x280;
	v10 =	vld [tilespmem:$0x1FE10]  }
0x1a7: {  	s8 =	simm.s32 $0x50;
	s0 =	sand.u32 $0x400, s5;
	v6 =	vadd.s32 s22, v54;
	v5 =	vld [tilespmem:s23+$0x900]  }
0x1a8: {  	s1 =	sand.u32 $0x70, s8;
	s0 =	sadd.s32 s0, s29;
	v4 =	vadd.s32 s25, v50;
	v3 =	vld [tilespmem:s24+$0x2900]  }
0x1a9: {  	s28 =	simm.s32 $0x1450;
	s26 =	sadd.s32 s1, s0;
	v12 =	vadd.s32 s20, v36;
	v11 =	vld [tilespmem:s21+$0x1280]  }
0x1aa: {  	[tilespmem:v8+s11+$0x0] =	vst.idx.msk $0xffff, v7;
	v7 =	vadd.s32 s28, v27;
	v8 =	vld [tilespmem:s26+$0x0]  }
0x1ab: {  	v9 =	vld [tilespmem:s30+$0x3280];
	v10 =	vadd.s32 s31, v10  }
0x1ac: {  	[tilespmem:v6+s11+$0x0] =	vst.idx.msk $0xffff, v5  }
0x1ad: {  	[tilespmem:v4+s11+$0x0] =	vst.idx.msk $0xffff, v3  }
0x1ae: {  	[tilespmem:v12+s11+$0x0] =	vst.idx.msk $0xffff, v11  }
0x1af: {  	[tilespmem:v7+s11+$0x0] =	vst.idx.msk $0xffff, v8  }
0x1b0: {  	v6 =	vadd.s32 s19, v1;
	v5 =	vld [tilespmem:s18+$0x2000];
	[tilespmem:v10+s11+$0x0] =	vst.idx.msk $0xffff, v9  }
0x1b1: {  	v1 =	vld [tilespmem:$0x1FE20]  }
0x1b2: {  	v4 =	vadd.s32 s22, v43;
	v3 =	vld [tilespmem:s23+$0x980]  }
0x1b3: {  	v12 =	vadd.s32 s25, v49;
	v11 =	vld [tilespmem:s24+$0x2980]  }
0x1b4: {  	v9 =	vld [tilespmem:s21+$0x1300];
	v10 =	vadd.s32 s20, v30  }
0x1b5: {  	[tilespmem:v6+s11+$0x0] =	vst.idx.msk $0xffff, v5;
	v5 =	vld [tilespmem:s26+$0x80];
	v6 =	vadd.s32 s28, v26  }
0x1b6: {  	v7 =	vld [tilespmem:s30+$0x3300];
	v8 =	vadd.s32 s31, v1  }
0x1b7: {  	[tilespmem:v4+s11+$0x0] =	vst.idx.msk $0xffff, v3  }
0x1b8: {  	[tilespmem:v12+s11+$0x0] =	vst.idx.msk $0xffff, v11  }
0x1b9: {  	[tilespmem:v10+s11+$0x0] =	vst.idx.msk $0xffff, v9  }
0x1ba: {  	[tilespmem:v6+s11+$0x0] =	vst.idx.msk $0xffff, v5  }
0x1bb: {  	v4 =	vadd.s32 s19, v2;
	v3 =	vld [tilespmem:s18+$0x2080];
	[tilespmem:v8+s11+$0x0] =	vst.idx.msk $0xffff, v7  }
0x1bc: {  	v2 =	vld [tilespmem:$0x1FE30]  }
0x1bd: {  	v12 =	vadd.s32 s22, v40;
	v11 =	vld [tilespmem:s23+$0xA00]  }
0x1be: {  	v9 =	vld [tilespmem:s24+$0x2A00];
	v10 =	vadd.s32 s25, v55  }
0x1bf: {  	v7 =	vld [tilespmem:s21+$0x1380];
	v8 =	vadd.s32 s20, v32  }
0x1c0: {  	[tilespmem:v4+s11+$0x0] =	vst.idx.msk $0xffff, v3;
	v3 =	vld [tilespmem:s26+$0x100];
	v4 =	vadd.s32 s28, v25  }
0x1c1: {  	v5 =	vld [tilespmem:s30+$0x3380];
	v6 =	vadd.s32 s31, v2  }
0x1c2: {  	[tilespmem:v12+s11+$0x0] =	vst.idx.msk $0xffff, v11  }
0x1c3: {  	[tilespmem:v10+s11+$0x0] =	vst.idx.msk $0xffff, v9  }
0x1c4: {  	[tilespmem:v8+s11+$0x0] =	vst.idx.msk $0xffff, v7  }
0x1c5: {  	[tilespmem:v4+s11+$0x0] =	vst.idx.msk $0xffff, v3  }
0x1c6: {  	v12 =	vadd.s32 s19, v37;
	v11 =	vld [tilespmem:s18+$0x2100];
	[tilespmem:v6+s11+$0x0] =	vst.idx.msk $0xffff, v5  }
0x1c7: {  	v4 =	vld [tilespmem:$0x1FE40]  }
0x1c8: {  	v10 =	vadd.s32 s22, v46;
	v9 =	vld [tilespmem:s23+$0xA80]  }
0x1c9: {  	v7 =	vld [tilespmem:s24+$0x2A80];
	v8 =	vadd.s32 s25, v57  }
0x1ca: {  	v5 =	vld [tilespmem:s21+$0x1800];
	v6 =	vadd.s32 s20, v33  }
0x1cb: {  	[tilespmem:v12+s11+$0x0] =	vst.idx.msk $0xffff, v11;
	v11 =	vld [tilespmem:s26+$0x180];
	v12 =	vadd.s32 s28, v24  }
0x1cc: {  	v3 =	vld [tilespmem:s30+$0x3800];
	v4 =	vadd.s32 s31, v4  }
0x1cd: {  	[tilespmem:v10+s11+$0x0] =	vst.idx.msk $0xffff, v9  }
0x1ce: {  	[tilespmem:v8+s11+$0x0] =	vst.idx.msk $0xffff, v7  }
0x1cf: {  	[tilespmem:v6+s11+$0x0] =	vst.idx.msk $0xffff, v5  }
0x1d0: {  	[tilespmem:v12+s11+$0x0] =	vst.idx.msk $0xffff, v11  }
0x1d1: {  	v10 =	vadd.s32 s19, v45;
	v9 =	vld [tilespmem:s18+$0x2180];
	[tilespmem:v4+s11+$0x0] =	vst.idx.msk $0xffff, v3  }
0x1d2: {  	v12 =	vld [tilespmem:$0x1FE50]  }
0x1d3: {  	v8 =	vadd.s32 s22, v39;
	v7 =	vld [tilespmem:s23+$0xB00]  }
0x1d4: {  	v5 =	vld [tilespmem:s24+$0x2B00];
	v6 =	vadd.s32 s25, v58  }
0x1d5: {  	v3 =	vld [tilespmem:s21+$0x1880];
	v4 =	vadd.s32 s20, v56  }
0x1d6: {  	[tilespmem:v10+s11+$0x0] =	vst.idx.msk $0xffff, v9;
	v9 =	vld [tilespmem:s26+$0x200];
	v10 =	vadd.s32 s28, v23  }
0x1d7: {  	v11 =	vld [tilespmem:s30+$0x3880];
	v12 =	vadd.s32 s31, v12  }
0x1d8: {  	[tilespmem:v8+s11+$0x0] =	vst.idx.msk $0xffff, v7  }
0x1d9: {  	[tilespmem:v6+s11+$0x0] =	vst.idx.msk $0xffff, v5  }
0x1da: {  	[tilespmem:v4+s11+$0x0] =	vst.idx.msk $0xffff, v3  }
0x1db: {  	[tilespmem:v10+s11+$0x0] =	vst.idx.msk $0xffff, v9  }
0x1dc: {  	v8 =	vadd.s32 s19, v18;
	v7 =	vld [tilespmem:s18+$0x2200];
	[tilespmem:v12+s11+$0x0] =	vst.idx.msk $0xffff, v11  }
0x1dd: {  	v10 =	vld [tilespmem:$0x1FE60]  }
0x1de: {  	v6 =	vadd.s32 s22, v61;
	v5 =	vld [tilespmem:s23+$0xB80]  }
0x1df: {  	v3 =	vld [tilespmem:s24+$0x2B80];
	v4 =	vadd.s32 s25, v28  }
0x1e0: {  	v11 =	vld [tilespmem:s21+$0x1900];
	v12 =	vadd.s32 s20, v53  }
0x1e1: {  	[tilespmem:v8+s11+$0x0] =	vst.idx.msk $0xffff, v7;
	v7 =	vld [tilespmem:s26+$0x280];
	v8 =	vadd.s32 s28, v51  }
0x1e2: {  	v9 =	vld [tilespmem:s30+$0x3900];
	v10 =	vadd.s32 s31, v10  }
0x1e3: {  	[tilespmem:v6+s11+$0x0] =	vst.idx.msk $0xffff, v5  }
0x1e4: {  	[tilespmem:v4+s11+$0x0] =	vst.idx.msk $0xffff, v3  }
0x1e5: {  	[tilespmem:v12+s11+$0x0] =	vst.idx.msk $0xffff, v11  }
0x1e6: {  	[tilespmem:v8+s11+$0x0] =	vst.idx.msk $0xffff, v7  }
0x1e7: {  	v6 =	vadd.s32 s19, v19;
	v5 =	vld [tilespmem:s18+$0x2280];
	[tilespmem:v10+s11+$0x0] =	vst.idx.msk $0xffff, v9  }
0x1e8: {  	v8 =	vld [tilespmem:$0x1FE70]  }
0x1e9: {  	v4 =	vadd.s32 s22, v48;
	v3 =	vld [tilespmem:s23+$0x1000]  }
0x1ea: {  	v11 =	vld [tilespmem:s24+$0x3000];
	v12 =	vadd.s32 s25, v34  }
0x1eb: {  	v9 =	vld [tilespmem:s21+$0x1980];
	v10 =	vadd.s32 s20, v38  }
0x1ec: {  	[tilespmem:v6+s11+$0x0] =	vst.idx.msk $0xffff, v5;
	v5 =	vld [tilespmem:s26+$0x300];
	v6 =	vadd.s32 s28, v31  }
0x1ed: {  	v7 =	vld [tilespmem:s30+$0x3980];
	v8 =	vadd.s32 s31, v8  }
0x1ee: {  	[tilespmem:v4+s11+$0x0] =	vst.idx.msk $0xffff, v3  }
0x1ef: {  	[tilespmem:v12+s11+$0x0] =	vst.idx.msk $0xffff, v11  }
0x1f0: {  	[tilespmem:v10+s11+$0x0] =	vst.idx.msk $0xffff, v9  }
0x1f1: {  	[tilespmem:v6+s11+$0x0] =	vst.idx.msk $0xffff, v5  }
0x1f2: {  	v4 =	vadd.s32 s19, v20;
	v3 =	vld [tilespmem:s18+$0x2300];
	[tilespmem:v8+s11+$0x0] =	vst.idx.msk $0xffff, v7  }
0x1f3: {  	v6 =	vld [tilespmem:$0x1FE80]  }
0x1f4: {  	v12 =	vadd.s32 s22, v47;
	v11 =	vld [tilespmem:s23+$0x1080]  }
0x1f5: {  	v9 =	vld [tilespmem:s24+$0x3080];
	v10 =	vadd.s32 s25, v16  }
0x1f6: {  	v7 =	vld [tilespmem:s21+$0x1A00];
	v8 =	vadd.s32 s20, v59  }
0x1f7: {  	[tilespmem:v4+s11+$0x0] =	vst.idx.msk $0xffff, v3;
	v3 =	vld [tilespmem:s26+$0x380];
	v4 =	vadd.s32 s28, v44  }
0x1f8: {  	v5 =	vld [tilespmem:s30+$0x3A00];
	v6 =	vadd.s32 s31, v6  }
0x1f9: {  	[tilespmem:v12+s11+$0x0] =	vst.idx.msk $0xffff, v11  }
0x1fa: {  	[tilespmem:v10+s11+$0x0] =	vst.idx.msk $0xffff, v9  }
0x1fb: {  	[tilespmem:v8+s11+$0x0] =	vst.idx.msk $0xffff, v7  }
0x1fc: {  	[tilespmem:v4+s11+$0x0] =	vst.idx.msk $0xffff, v3  }
0x1fd: {  	v12 =	vadd.s32 s19, v21;
	v11 =	vld [tilespmem:s18+$0x2380];
	[tilespmem:v6+s11+$0x0] =	vst.idx.msk $0xffff, v5  }
0x1fe: {  	v4 =	vld [tilespmem:$0x1FE90]  }
0x1ff: {  	v10 =	vadd.s32 s22, v42;
	v9 =	vld [tilespmem:s23+$0x1100]  }
0x200: {  	v7 =	vld [tilespmem:s24+$0x3100];
	v8 =	vadd.s32 s25, v15  }
0x201: {  	v5 =	vld [tilespmem:s21+$0x1A80];
	v6 =	vadd.s32 s20, v41  }
0x202: {  	[tilespmem:v12+s11+$0x0] =	vst.idx.msk $0xffff, v11;
	v11 =	vld [tilespmem:s26+$0x800];
	v12 =	vadd.s32 s28, v14  }
0x203: {  	v3 =	vld [tilespmem:s30+$0x3A80];
	v4 =	vadd.s32 s31, v4  }
0x204: {  	[tilespmem:v10+s11+$0x0] =	vst.idx.msk $0xffff, v9  }
0x205: {  	[tilespmem:v8+s11+$0x0] =	vst.idx.msk $0xffff, v7  }
0x206: {  	v9 =	vld [tilespmem:s18+$0x2800];
	[tilespmem:v6+s11+$0x0] =	vst.idx.msk $0xffff, v5  }
0x207: {  	v10 =	vadd.s32 s19, v22;
	v7 =	vld [tilespmem:s23+$0x1180];
	[tilespmem:v12+s11+$0x0] =	vst.idx.msk $0xffff, v11  }
0x208: {  	v8 =	vadd.s32 s22, v62;
	v5 =	vld [tilespmem:s24+$0x3180];
	[tilespmem:v4+s11+$0x0] =	vst.idx.msk $0xffff, v3  }
0x209: {  	v6 =	vadd.s32 s25, v60;
	v12 =	vld [tilespmem:$0x1FEA0];
	_ =	sdelay $0x2  }
0x20a: {  	v3 =	vld [tilespmem:s21+$0x1B00];
	v4 =	vadd.s32 s20, v29;
	[tilespmem:v10+s11+$0x0] =	vst.idx.msk $0xffff, v9  }
0x20b: {  	v9 =	vld [tilespmem:s26+$0x880];
	v10 =	vadd.s32 s28, v13;
	[tilespmem:v8+s11+$0x0] =	vst.idx.msk $0xffff, v7  }
0x20c: {  	v11 =	vld [tilespmem:s30+$0x3B00];
	[tilespmem:v6+s11+$0x0] =	vst.idx.msk $0xffff, v5;
	v12 =	vadd.s32 s31, v12  }
0x20d: {  	v5 =	vld [tilespmem:$0x1FC10];
	_ =	sdelay $0x1  }
0x20e: {  	v36 =	vmov v57;
	[tilespmem:v4+s11+$0x0] =	vst.idx.msk $0xffff, v3  }
0x20f: {  	v35 =	vmovc v61;
	v50 =	vmovc v16;
	v30 =	vmov v39;
	v1 =	vmov v32;
	v57 =	vmov v53;
	v8 =	vld [tilespmem:s18+$0x2880];
	[tilespmem:v10+s11+$0x0] =	vst.idx.msk $0xffff, v9  }
0x210: {  	v39 =	vmovc v28;
	v28 =	vmovc v13;
	v53 =	vmov v29;
	v29 =	vmov v14;
	v13 =	vadd.s32 s19, v52;
	v14 =	vld [tilespmem:s23+$0x1200];
	[tilespmem:v12+s11+$0x0] =	vst.idx.msk $0xffff, v11  }
0x211: {  	v32 =	vmovc v51;
	v61 =	vmovc v54;
	v54 =	vmov v34;
	v51 =	vmov v15;
	v15 =	vadd.s32 s22, v5;
	v4 =	vld [tilespmem:$0x1FCC0]  }
0x212: {  	v34 =	vmovc v46;
	v46 =	vmovc v30;
	v30 =	vmov v44;
	v44 =	vmov v17;
	v17 =	vadd.s32 s25, v17;
	v16 =	vld [tilespmem:s24+$0x3200];
	_ =	sdelay $0x2  }
0x213: {  	[tilespmem:v13+s11+$0x0] =	vst.idx.msk $0xffff, v8  }
0x214: {  	v49 =	vmovc v37;
	v37 =	vmov v52;
	v52 =	vmov v4;
	v7 =	vadd.s32 s20, v4;
	v4 =	vld [tilespmem:$0x1FEB0];
	[tilespmem:v15+s11+$0x0] =	vst.idx.msk $0xffff, v14  }
0x215: {  	v10 =	vld [tilespmem:$0x1FD60];
	[tilespmem:v17+s11+$0x0] =	vst.idx.msk $0xffff, v16  }
0x216: {  	v12 =	vld [tilespmem:$0x1FC20]  }
0x217: {  	v55 =	vmov v41;
	v41 =	vmov v60;
	v60 =	vmov v5;
	v5 =	vld [tilespmem:s21+$0x1B80]  }
0x218: {  	v6 =	vld [tilespmem:s26+$0x900]  }
0x219: {  	s0 =	simm.s32 $0x300;
	v2 =	vmov v33;
	v33 =	vmov v58;
	v3 =	vld [tilespmem:s30+$0x3B80]  }
0x21a: {  	s1 =	simm.s32 $0x1C70;
	s9 =	sand.u32 $0x400, s0;
	v58 =	vmovc v56;
	v56 =	vmovc v38;
	v38 =	vmov v59;
	v59 =	vmov v62;
	v9 =	vld [tilespmem:s18+$0x2900];
	v4 =	vadd.s32 s31, v4;
	s31 =	simm.s32 $0x60  }
0x21b: {  	s9 =	sadd.s32 s9, s29;
	v62 =	vmovc v61;
	s30 =	simm.s32 $0x1860;
	v8 =	vadd.s32 s28, v61;
	v11 =	vld [tilespmem:s23+$0x1280];
	v10 =	vadd.s32 s19, v10;
	s8 =	sand.u32 $0x70, s31;
	v61 =	vmovc v12;
	v12 =	vadd.s32 s22, v12  }
.LBB2_3:
0x21c: {  	_ =	sdelay $0x2  }
0x21d: {  	[tilespmem:v7+s11+$0x0] =	vst.idx.msk $0xffff, v5;
	v7 =	vld [tilespmem:$0x1FE10]  }
0x21e: {  	s9 =	sadd.s32 s8, s9;
	v5 =	vld [tilespmem:s24+$0x3280]  }
0x21f: {  	v14 =	vld [tilespmem:s9+$0x0]  }
0x220: {  	[tilespmem:v4+s11+$0x0] =	vst.idx.msk $0xffff, v3;
	v4 =	vld [tilespmem:$0x1FCD0]  }
0x221: {  	[tilespmem:v8+s11+$0x0] =	vst.idx.msk $0xffff, v6  }
0x222: {  	v3 =	vld [tilespmem:s21+$0x2000];
	v7 =	vadd.s32 s25, v7  }
0x223: {  	v13 =	vadd.s32 s30, v27;
	v6 =	vld [tilespmem:s26+$0x980]  }
0x224: {  	s8 =	smov.u32 s19;
	s19 =	smov.u32 s20;
	[tilespmem:v10+s11+$0x0] =	vst.idx.msk $0xffff, v9;
	v10 =	vld [tilespmem:$0x1FD70]  }
0x225: {  	s20 =	smov.u32 s22;
	s22 =	smov.u32 s28;
	[tilespmem:v12+s11+$0x0] =	vst.idx.msk $0xffff, v11;
	v12 =	vld [tilespmem:$0x1FC30];
	v4 =	vadd.s32 s19, v4  }
0x226: {  	v8 =	vadd.s32 s22, v43;
	v9 =	vld [tilespmem:s18+$0x2980]  }
0x227: {  	v11 =	vld [tilespmem:s23+$0x1300];
	[tilespmem:v7+s11+$0x0] =	vst.idx.msk $0xffff, v5  }
0x228: {  	v7 =	vld [tilespmem:$0x1FE20];
	[tilespmem:v13+s11+$0x0] =	vst.idx.msk $0xffff, v14  }
0x229: {  	v10 =	vadd.s32 s8, v10;
	v5 =	vld [tilespmem:s24+$0x3300]  }
0x22a: {  	v12 =	vadd.s32 s20, v12;
	v13 =	vld [tilespmem:s9+$0x80];
	[tilespmem:v4+s11+$0x0] =	vst.idx.msk $0xffff, v3  }
0x22b: {  	v4 =	vld [tilespmem:$0x1FCE0];
	[tilespmem:v8+s11+$0x0] =	vst.idx.msk $0xffff, v6  }
0x22c: {  	v3 =	vld [tilespmem:s21+$0x2080]  }
0x22d: {  	s28 =	smov.u32 s30;
	v6 =	vld [tilespmem:s26+$0xA00];
	v7 =	vadd.s32 s25, v7  }
0x22e: {  	v14 =	vadd.s32 s28, v26;
	[tilespmem:v10+s11+$0x0] =	vst.idx.msk $0xffff, v9;
	v10 =	vld [tilespmem:$0x1FD80]  }
0x22f: {  	[tilespmem:v12+s11+$0x0] =	vst.idx.msk $0xffff, v11  }
0x230: {  	v9 =	vld [tilespmem:s18+$0x2A00];
	v4 =	vadd.s32 s19, v4  }
0x231: {  	v8 =	vadd.s32 s22, v40;
	v11 =	vld [tilespmem:s23+$0x1380]  }
0x232: {  	[tilespmem:v7+s11+$0x0] =	vst.idx.msk $0xffff, v5;
	v7 =	vld [tilespmem:$0x1FE30]  }
0x233: {  	v10 =	vadd.s32 s8, v10;
	[tilespmem:v14+s11+$0x0] =	vst.idx.msk $0xffff, v13  }
0x234: {  	v12 =	vadd.s32 s20, v1;
	v5 =	vld [tilespmem:s24+$0x3380]  }
0x235: {  	v13 =	vld [tilespmem:s9+$0x100];
	[tilespmem:v4+s11+$0x0] =	vst.idx.msk $0xffff, v3  }
0x236: {  	[tilespmem:v8+s11+$0x0] =	vst.idx.msk $0xffff, v6  }
0x237: {  	v3 =	vld [tilespmem:s21+$0x2100];
	v7 =	vadd.s32 s25, v7  }
0x238: {  	v14 =	vadd.s32 s28, v25;
	v6 =	vld [tilespmem:s26+$0xA80];
	[tilespmem:v10+s11+$0x0] =	vst.idx.msk $0xffff, v9  }
0x239: {  	[tilespmem:v12+s11+$0x0] =	vst.idx.msk $0xffff, v11  }
0x23a: {  	v4 =	vadd.s32 s19, v49;
	v9 =	vld [tilespmem:s18+$0x2A80]  }
0x23b: {  	v8 =	vadd.s32 s22, v34;
	v11 =	vld [tilespmem:s23+$0x1800]  }
0x23c: {  	[tilespmem:v7+s11+$0x0] =	vst.idx.msk $0xffff, v5;
	v7 =	vld [tilespmem:$0x1FE40]  }
0x23d: {  	v10 =	vadd.s32 s8, v36;
	[tilespmem:v14+s11+$0x0] =	vst.idx.msk $0xffff, v13  }
0x23e: {  	v12 =	vadd.s32 s20, v2;
	v5 =	vld [tilespmem:s24+$0x3800]  }
0x23f: {  	v13 =	vld [tilespmem:s9+$0x180];
	[tilespmem:v4+s11+$0x0] =	vst.idx.msk $0xffff, v3  }
0x240: {  	[tilespmem:v8+s11+$0x0] =	vst.idx.msk $0xffff, v6  }
0x241: {  	v3 =	vld [tilespmem:s21+$0x2180];
	v7 =	vadd.s32 s25, v7  }
0x242: {  	v14 =	vadd.s32 s28, v24;
	v6 =	vld [tilespmem:s26+$0xB00];
	[tilespmem:v10+s11+$0x0] =	vst.idx.msk $0xffff, v9  }
0x243: {  	[tilespmem:v12+s11+$0x0] =	vst.idx.msk $0xffff, v11  }
0x244: {  	v4 =	vadd.s32 s19, v45;
	v9 =	vld [tilespmem:s18+$0x2B00]  }
0x245: {  	v8 =	vadd.s32 s22, v46;
	v11 =	vld [tilespmem:s23+$0x1880]  }
0x246: {  	[tilespmem:v7+s11+$0x0] =	vst.idx.msk $0xffff, v5;
	v7 =	vld [tilespmem:$0x1FE50]  }
0x247: {  	v10 =	vadd.s32 s8, v33;
	[tilespmem:v14+s11+$0x0] =	vst.idx.msk $0xffff, v13  }
0x248: {  	v12 =	vadd.s32 s20, v58;
	v5 =	vld [tilespmem:s24+$0x3880]  }
0x249: {  	v13 =	vld [tilespmem:s9+$0x200];
	[tilespmem:v4+s11+$0x0] =	vst.idx.msk $0xffff, v3  }
0x24a: {  	[tilespmem:v8+s11+$0x0] =	vst.idx.msk $0xffff, v6  }
0x24b: {  	v3 =	vld [tilespmem:s21+$0x2200];
	v7 =	vadd.s32 s25, v7  }
0x24c: {  	v14 =	vadd.s32 s28, v23;
	v6 =	vld [tilespmem:s26+$0xB80];
	[tilespmem:v10+s11+$0x0] =	vst.idx.msk $0xffff, v9  }
0x24d: {  	[tilespmem:v12+s11+$0x0] =	vst.idx.msk $0xffff, v11  }
0x24e: {  	v4 =	vadd.s32 s19, v18;
	v9 =	vld [tilespmem:s18+$0x2B80]  }
0x24f: {  	v8 =	vadd.s32 s22, v35;
	v11 =	vld [tilespmem:s23+$0x1900]  }
0x250: {  	[tilespmem:v7+s11+$0x0] =	vst.idx.msk $0xffff, v5;
	v7 =	vld [tilespmem:$0x1FE60]  }
0x251: {  	v10 =	vadd.s32 s8, v39;
	[tilespmem:v14+s11+$0x0] =	vst.idx.msk $0xffff, v13  }
0x252: {  	v12 =	vadd.s32 s20, v57;
	v5 =	vld [tilespmem:s24+$0x3900]  }
0x253: {  	v13 =	vld [tilespmem:s9+$0x280];
	[tilespmem:v4+s11+$0x0] =	vst.idx.msk $0xffff, v3  }
0x254: {  	[tilespmem:v8+s11+$0x0] =	vst.idx.msk $0xffff, v6  }
0x255: {  	v3 =	vld [tilespmem:s21+$0x2280];
	v7 =	vadd.s32 s25, v7  }
0x256: {  	v14 =	vadd.s32 s28, v32;
	v6 =	vld [tilespmem:s26+$0x1000];
	[tilespmem:v10+s11+$0x0] =	vst.idx.msk $0xffff, v9  }
0x257: {  	[tilespmem:v12+s11+$0x0] =	vst.idx.msk $0xffff, v11  }
0x258: {  	v4 =	vadd.s32 s19, v19;
	v9 =	vld [tilespmem:s18+$0x3000]  }
0x259: {  	v8 =	vadd.s32 s22, v48;
	v11 =	vld [tilespmem:s23+$0x1980]  }
0x25a: {  	[tilespmem:v7+s11+$0x0] =	vst.idx.msk $0xffff, v5;
	v7 =	vld [tilespmem:$0x1FE70]  }
0x25b: {  	v10 =	vadd.s32 s8, v54;
	[tilespmem:v14+s11+$0x0] =	vst.idx.msk $0xffff, v13  }
0x25c: {  	v12 =	vadd.s32 s20, v56;
	v5 =	vld [tilespmem:s24+$0x3980]  }
0x25d: {  	v13 =	vld [tilespmem:s9+$0x300];
	[tilespmem:v4+s11+$0x0] =	vst.idx.msk $0xffff, v3  }
0x25e: {  	[tilespmem:v8+s11+$0x0] =	vst.idx.msk $0xffff, v6  }
0x25f: {  	v3 =	vld [tilespmem:s21+$0x2300];
	v7 =	vadd.s32 s25, v7  }
0x260: {  	v14 =	vadd.s32 s28, v31;
	v6 =	vld [tilespmem:s26+$0x1080];
	[tilespmem:v10+s11+$0x0] =	vst.idx.msk $0xffff, v9  }
0x261: {  	[tilespmem:v12+s11+$0x0] =	vst.idx.msk $0xffff, v11  }
0x262: {  	v4 =	vadd.s32 s19, v20;
	v9 =	vld [tilespmem:s18+$0x3080]  }
0x263: {  	v8 =	vadd.s32 s22, v47;
	v11 =	vld [tilespmem:s23+$0x1A00]  }
0x264: {  	[tilespmem:v7+s11+$0x0] =	vst.idx.msk $0xffff, v5;
	v7 =	vld [tilespmem:$0x1FE80]  }
0x265: {  	v10 =	vadd.s32 s8, v50;
	[tilespmem:v14+s11+$0x0] =	vst.idx.msk $0xffff, v13  }
0x266: {  	v12 =	vadd.s32 s20, v38;
	v5 =	vld [tilespmem:s24+$0x3A00]  }
0x267: {  	v13 =	vld [tilespmem:s9+$0x380];
	[tilespmem:v4+s11+$0x0] =	vst.idx.msk $0xffff, v3  }
0x268: {  	[tilespmem:v8+s11+$0x0] =	vst.idx.msk $0xffff, v6  }
0x269: {  	v3 =	vld [tilespmem:s21+$0x2380];
	v7 =	vadd.s32 s25, v7  }
0x26a: {  	v14 =	vadd.s32 s28, v30;
	v6 =	vld [tilespmem:s26+$0x1100];
	[tilespmem:v10+s11+$0x0] =	vst.idx.msk $0xffff, v9  }
0x26b: {  	[tilespmem:v12+s11+$0x0] =	vst.idx.msk $0xffff, v11  }
0x26c: {  	v4 =	vadd.s32 s19, v21;
	v9 =	vld [tilespmem:s18+$0x3100]  }
0x26d: {  	v8 =	vadd.s32 s22, v42;
	v11 =	vld [tilespmem:s23+$0x1A80]  }
0x26e: {  	[tilespmem:v7+s11+$0x0] =	vst.idx.msk $0xffff, v5;
	v7 =	vld [tilespmem:$0x1FE90]  }
0x26f: {  	v10 =	vadd.s32 s8, v51;
	[tilespmem:v14+s11+$0x0] =	vst.idx.msk $0xffff, v13  }
0x270: {  	v12 =	vadd.s32 s20, v55;
	v5 =	vld [tilespmem:s24+$0x3A80]  }
0x271: {  	v13 =	vld [tilespmem:s9+$0x800];
	[tilespmem:v4+s11+$0x0] =	vst.idx.msk $0xffff, v3  }
0x272: {  	[tilespmem:v8+s11+$0x0] =	vst.idx.msk $0xffff, v6  }
0x273: {  	v3 =	vld [tilespmem:s21+$0x2800];
	v7 =	vadd.s32 s25, v7  }
0x274: {  	v6 =	vld [tilespmem:s26+$0x1180];
	[tilespmem:v10+s11+$0x0] =	vst.idx.msk $0xffff, v9  }
0x275: {  	v14 =	vadd.s32 s28, v29;
	[tilespmem:v12+s11+$0x0] =	vst.idx.msk $0xffff, v11  }
0x276: {  	v9 =	vld [tilespmem:s18+$0x3180]  }
0x277: {  	v4 =	vadd.s32 s19, v22;
	v11 =	vld [tilespmem:s23+$0x1B00]  }
0x278: {  	v8 =	vadd.s32 s22, v59;
	[tilespmem:v7+s11+$0x0] =	vst.idx.msk $0xffff, v5;
	v5 =	vld [tilespmem:$0x1FEA0];
	_ =	sdelay $0x1  }
0x279: {  	v10 =	vadd.s32 s8, v41;
	[tilespmem:v14+s11+$0x0] =	vst.idx.msk $0xffff, v13  }
0x27a: {  	v12 =	vadd.s32 s20, v53;
	v13 =	vld [tilespmem:s24+$0x3B00]  }
0x27b: {  	v15 =	vld [tilespmem:s9+$0x880];
	[tilespmem:v4+s11+$0x0] =	vst.idx.msk $0xffff, v3  }
0x27c: {  	[tilespmem:v8+s11+$0x0] =	vst.idx.msk $0xffff, v6;
	v14 =	vadd.s32 s25, v5  }
0x27d: {  	v16 =	vadd.s32 s28, v28;
	v17 =	vld [tilespmem:s21+$0x2880]  }
0x27e: {  	v19 =	vld [tilespmem:s26+$0x1200];
	[tilespmem:v10+s11+$0x0] =	vst.idx.msk $0xffff, v9  }
0x27f: {  	v4 =	vld [tilespmem:$0x1FEB0];
	[tilespmem:v12+s11+$0x0] =	vst.idx.msk $0xffff, v11  }
0x280: {  	v18 =	vadd.s32 s19, v37;
	v21 =	vld [tilespmem:s18+$0x3200]  }
0x281: {  	v20 =	vadd.s32 s22, v60;
	v5 =	vld [tilespmem:s23+$0x1B80];
	[tilespmem:v14+s11+$0x0] =	vst.idx.msk $0xffff, v13  }
0x282: {  	[tilespmem:v16+s11+$0x0] =	vst.idx.msk $0xffff, v15;
	v15 =	vld [tilespmem:$0x1FD60]  }
0x283: {  	v3 =	vld [tilespmem:s24+$0x3B80]  }
0x284: {  	v6 =	vld [tilespmem:s9+$0x900]  }
0x285: {  	v22 =	vadd.s32 s8, v44;
	[tilespmem:v18+s11+$0x0] =	vst.idx.msk $0xffff, v17;
	v18 =	vld [tilespmem:$0x1FD00]  }
0x286: {  	p0 =	sne.s32 s1, $0x3CF0;
	[tilespmem:v20+s11+$0x0] =	vst.idx.msk $0xffff, v19;
	v20 =	vld [tilespmem:$0x1FD20]  }
.Ltmp0:
0x287: {  	s24 =	smov.u32 s18;
	s18 =	smov.u32 s21;
	v19 =	vld [tilespmem:$0x1FD10];
	(pc) =	sbr.rel @p0 .LBB2_3-.Ltmp0, $4  }
0x288: {  	s21 =	smov.u32 s23;
	s23 =	smov.u32 s26;
	v9 =	vld [tilespmem:s18+$0x2900]  }
0x289: {  	s30 =	smov.u32 s1;
	s0 =	sadd.s32 $0x80, s0;
	s31 =	sadd.s32 $0x10, s31;
	v11 =	vld [tilespmem:s23+$0x1280]  }
0x28a: {  	s1 =	sadd.s32 $0x410, s1;
	s5 =	sand.u32 $0x400, s0;
	v7 =	vadd.s32 s20, v52;
	v4 =	vadd.s32 s25, v4;
	s25 =	smov.u32 s8;
	[tilespmem:v22+s11+$0x0] =	vst.idx.msk $0xffff, v21;
	v22 =	vld [tilespmem:$0x1FD40]  }
0x28b: {  	v8 =	vadd.s32 s28, v62;
	v12 =	vadd.s32 s22, v61;
	s8 =	sand.u32 $0x70, s31;
	s26 =	smov.u32 s9;
	s9 =	sadd.s32 s5, s29;
	v21 =	vld [tilespmem:$0x1FD30];
	v10 =	vadd.s32 s19, v15  }
0x28c: {  	_ =	sdelay $0x3  }
0x28d: {  	[tilespmem:v7+s11+$0x0] =	vst.idx.msk $0xffff, v5  }
0x28e: {  	[tilespmem:v8+s11+$0x0] =	vst.idx.msk $0xffff, v6  }
0x28f: {  	v6 =	vld [tilespmem:$0x1FCD0];
	[tilespmem:v10+s11+$0x0] =	vst.idx.msk $0xffff, v9  }
0x290: {  	[tilespmem:v12+s11+$0x0] =	vst.idx.msk $0xffff, v11  }
0x291: {  	v10 =	vld [tilespmem:$0x1FD70]  }
0x292: {  	s29 =	sadd.s32 s8, s9;
	v12 =	vld [tilespmem:$0x1FC30]  }
0x293: {  	v13 =	vadd.s32 s30, v27;
	v14 =	vld [tilespmem:s29+$0x0]  }
0x294: {  	v8 =	vadd.s32 s28, v43;
	v7 =	vld [tilespmem:s26+$0x980]  }
0x295: {  	v5 =	vld [tilespmem:s21+$0x2000];
	v6 =	vadd.s32 s20, v6  }
0x296: {  	v9 =	vld [tilespmem:s18+$0x2980];
	v10 =	vadd.s32 s19, v10  }
0x297: {  	v11 =	vld [tilespmem:s23+$0x1300];
	v12 =	vadd.s32 s22, v12  }
0x298: {  	[tilespmem:v13+s11+$0x0] =	vst.idx.msk $0xffff, v14  }
0x299: {  	[tilespmem:v8+s11+$0x0] =	vst.idx.msk $0xffff, v7  }
0x29a: {  	v14 =	vadd.s32 s30, v26;
	v13 =	vld [tilespmem:s29+$0x80];
	[tilespmem:v6+s11+$0x0] =	vst.idx.msk $0xffff, v5  }
0x29b: {  	v6 =	vld [tilespmem:$0x1FCE0];
	[tilespmem:v10+s11+$0x0] =	vst.idx.msk $0xffff, v9  }
0x29c: {  	[tilespmem:v12+s11+$0x0] =	vst.idx.msk $0xffff, v11  }
0x29d: {  	v10 =	vld [tilespmem:$0x1FD80]  }
0x29e: {  	v8 =	vadd.s32 s28, v40;
	v7 =	vld [tilespmem:s26+$0xA00]  }
0x29f: {  	v12 =	vadd.s32 s22, v1;
	v11 =	vld [tilespmem:s23+$0x1380];
	[tilespmem:v14+s11+$0x0] =	vst.idx.msk $0xffff, v13  }
0x2a0: {  	v14 =	vadd.s32 s30, v25;
	v13 =	vld [tilespmem:s29+$0x100]  }
0x2a1: {  	v5 =	vld [tilespmem:s21+$0x2080];
	v6 =	vadd.s32 s20, v6  }
0x2a2: {  	v9 =	vld [tilespmem:s18+$0x2A00];
	v10 =	vadd.s32 s19, v10  }
0x2a3: {  	[tilespmem:v8+s11+$0x0] =	vst.idx.msk $0xffff, v7  }
0x2a4: {  	v8 =	vadd.s32 s28, v34;
	v7 =	vld [tilespmem:s26+$0xA80];
	[tilespmem:v12+s11+$0x0] =	vst.idx.msk $0xffff, v11  }
0x2a5: {  	v12 =	vadd.s32 s22, v2;
	v11 =	vld [tilespmem:s23+$0x1800];
	[tilespmem:v14+s11+$0x0] =	vst.idx.msk $0xffff, v13  }
0x2a6: {  	v14 =	vadd.s32 s30, v24;
	v13 =	vld [tilespmem:s29+$0x180];
	[tilespmem:v6+s11+$0x0] =	vst.idx.msk $0xffff, v5  }
0x2a7: {  	v6 =	vadd.s32 s20, v49;
	v5 =	vld [tilespmem:s21+$0x2100];
	[tilespmem:v10+s11+$0x0] =	vst.idx.msk $0xffff, v9  }
0x2a8: {  	v10 =	vadd.s32 s19, v36;
	v9 =	vld [tilespmem:s18+$0x2A80]  }
0x2a9: {  	[tilespmem:v8+s11+$0x0] =	vst.idx.msk $0xffff, v7  }
0x2aa: {  	v8 =	vadd.s32 s28, v46;
	v7 =	vld [tilespmem:s26+$0xB00];
	[tilespmem:v12+s11+$0x0] =	vst.idx.msk $0xffff, v11  }
0x2ab: {  	v12 =	vadd.s32 s22, v58;
	v11 =	vld [tilespmem:s23+$0x1880];
	[tilespmem:v14+s11+$0x0] =	vst.idx.msk $0xffff, v13  }
0x2ac: {  	v14 =	vadd.s32 s30, v23;
	v13 =	vld [tilespmem:s29+$0x200];
	[tilespmem:v6+s11+$0x0] =	vst.idx.msk $0xffff, v5  }
0x2ad: {  	v6 =	vadd.s32 s20, v45;
	v5 =	vld [tilespmem:s21+$0x2180];
	[tilespmem:v10+s11+$0x0] =	vst.idx.msk $0xffff, v9  }
0x2ae: {  	[tilespmem:v4+s11+$0x0] =	vst.idx.msk $0xffff, v3;
	v10 =	vadd.s32 s19, v33;
	v9 =	vld [tilespmem:s18+$0x2B00]  }
0x2af: {  	[tilespmem:v8+s11+$0x0] =	vst.idx.msk $0xffff, v7  }
0x2b0: {  	[tilespmem:v12+s11+$0x0] =	vst.idx.msk $0xffff, v11  }
0x2b1: {  	[tilespmem:v14+s11+$0x0] =	vst.idx.msk $0xffff, v13  }
0x2b2: {  	[tilespmem:v6+s11+$0x0] =	vst.idx.msk $0xffff, v5  }
0x2b3: {  	v7 =	vld [tilespmem:s26+$0xB80];
	[tilespmem:v10+s11+$0x0] =	vst.idx.msk $0xffff, v9  }
0x2b4: {  	v8 =	vadd.s32 s28, v35;
	v16 =	vld [tilespmem:$0x1FE10]  }
0x2b5: {  	v12 =	vadd.s32 s22, v57;
	v11 =	vld [tilespmem:s23+$0x1900]  }
0x2b6: {  	v4 =	vadd.s32 s30, v32;
	v3 =	vld [tilespmem:s29+$0x280]  }
0x2b7: {  	v6 =	vadd.s32 s20, v18;
	v5 =	vld [tilespmem:s21+$0x2200]  }
0x2b8: {  	v10 =	vadd.s32 s19, v39;
	v9 =	vld [tilespmem:s18+$0x2B80]  }
0x2b9: {  	v13 =	vld [tilespmem:s24+$0x3280];
	[tilespmem:v8+s11+$0x0] =	vst.idx.msk $0xffff, v7;
	v14 =	vadd.s32 s25, v16  }
0x2ba: {  	[tilespmem:v12+s11+$0x0] =	vst.idx.msk $0xffff, v11  }
0x2bb: {  	[tilespmem:v4+s11+$0x0] =	vst.idx.msk $0xffff, v3  }
0x2bc: {  	[tilespmem:v6+s11+$0x0] =	vst.idx.msk $0xffff, v5  }
0x2bd: {  	[tilespmem:v10+s11+$0x0] =	vst.idx.msk $0xffff, v9  }
0x2be: {  	v5 =	vld [tilespmem:s21+$0x2280];
	[tilespmem:v14+s11+$0x0] =	vst.idx.msk $0xffff, v13  }
0x2bf: {  	v6 =	vadd.s32 s20, v19;
	v17 =	vld [tilespmem:$0x1FE20]  }
0x2c0: {  	v8 =	vadd.s32 s28, v48;
	v7 =	vld [tilespmem:s26+$0x1000]  }
0x2c1: {  	v10 =	vadd.s32 s19, v54;
	v9 =	vld [tilespmem:s18+$0x3000]  }
0x2c2: {  	v12 =	vadd.s32 s22, v56;
	v11 =	vld [tilespmem:s23+$0x1980]  }
0x2c3: {  	v4 =	vadd.s32 s30, v31;
	v3 =	vld [tilespmem:s29+$0x300]  }
0x2c4: {  	v13 =	vld [tilespmem:s24+$0x3300];
	[tilespmem:v6+s11+$0x0] =	vst.idx.msk $0xffff, v5;
	v14 =	vadd.s32 s25, v17  }
0x2c5: {  	[tilespmem:v8+s11+$0x0] =	vst.idx.msk $0xffff, v7  }
0x2c6: {  	[tilespmem:v10+s11+$0x0] =	vst.idx.msk $0xffff, v9  }
0x2c7: {  	[tilespmem:v12+s11+$0x0] =	vst.idx.msk $0xffff, v11  }
0x2c8: {  	[tilespmem:v4+s11+$0x0] =	vst.idx.msk $0xffff, v3  }
0x2c9: {  	v5 =	vld [tilespmem:s21+$0x2300];
	[tilespmem:v14+s11+$0x0] =	vst.idx.msk $0xffff, v13  }
0x2ca: {  	v6 =	vadd.s32 s20, v20;
	v23 =	vld [tilespmem:$0x1FE30]  }
0x2cb: {  	v8 =	vadd.s32 s28, v47;
	v7 =	vld [tilespmem:s26+$0x1080]  }
0x2cc: {  	v10 =	vadd.s32 s19, v50;
	v9 =	vld [tilespmem:s18+$0x3080]  }
0x2cd: {  	v12 =	vadd.s32 s22, v38;
	v11 =	vld [tilespmem:s23+$0x1A00]  }
0x2ce: {  	v4 =	vadd.s32 s30, v30;
	v3 =	vld [tilespmem:s29+$0x380]  }
0x2cf: {  	v13 =	vld [tilespmem:s24+$0x3380];
	[tilespmem:v6+s11+$0x0] =	vst.idx.msk $0xffff, v5;
	v14 =	vadd.s32 s25, v23  }
0x2d0: {  	[tilespmem:v8+s11+$0x0] =	vst.idx.msk $0xffff, v7  }
0x2d1: {  	[tilespmem:v10+s11+$0x0] =	vst.idx.msk $0xffff, v9  }
0x2d2: {  	[tilespmem:v12+s11+$0x0] =	vst.idx.msk $0xffff, v11  }
0x2d3: {  	[tilespmem:v4+s11+$0x0] =	vst.idx.msk $0xffff, v3  }
0x2d4: {  	v5 =	vld [tilespmem:s21+$0x2380];
	[tilespmem:v14+s11+$0x0] =	vst.idx.msk $0xffff, v13  }
0x2d5: {  	v6 =	vadd.s32 s20, v21;
	v24 =	vld [tilespmem:$0x1FE40]  }
0x2d6: {  	v8 =	vadd.s32 s28, v42;
	v7 =	vld [tilespmem:s26+$0x1100]  }
0x2d7: {  	v10 =	vadd.s32 s19, v51;
	v9 =	vld [tilespmem:s18+$0x3100]  }
0x2d8: {  	v12 =	vadd.s32 s22, v55;
	v11 =	vld [tilespmem:s23+$0x1A80]  }
0x2d9: {  	v4 =	vadd.s32 s30, v29;
	v3 =	vld [tilespmem:s29+$0x800]  }
0x2da: {  	v13 =	vld [tilespmem:s24+$0x3800];
	[tilespmem:v6+s11+$0x0] =	vst.idx.msk $0xffff, v5;
	v14 =	vadd.s32 s25, v24  }
0x2db: {  	[tilespmem:v8+s11+$0x0] =	vst.idx.msk $0xffff, v7  }
0x2dc: {  	[tilespmem:v10+s11+$0x0] =	vst.idx.msk $0xffff, v9  }
0x2dd: {  	[tilespmem:v12+s11+$0x0] =	vst.idx.msk $0xffff, v11  }
0x2de: {  	[tilespmem:v4+s11+$0x0] =	vst.idx.msk $0xffff, v3  }
0x2df: {  	v5 =	vld [tilespmem:s21+$0x2800];
	[tilespmem:v14+s11+$0x0] =	vst.idx.msk $0xffff, v13  }
0x2e0: {  	v6 =	vadd.s32 s20, v22;
	v25 =	vld [tilespmem:$0x1FE50]  }
0x2e1: {  	v8 =	vadd.s32 s28, v59;
	v7 =	vld [tilespmem:s26+$0x1180]  }
0x2e2: {  	v10 =	vadd.s32 s19, v41;
	v9 =	vld [tilespmem:s18+$0x3180]  }
0x2e3: {  	v12 =	vadd.s32 s22, v53;
	v11 =	vld [tilespmem:s23+$0x1B00]  }
0x2e4: {  	v4 =	vadd.s32 s30, v28;
	v3 =	vld [tilespmem:s29+$0x880]  }
0x2e5: {  	v13 =	vld [tilespmem:s24+$0x3880];
	[tilespmem:v6+s11+$0x0] =	vst.idx.msk $0xffff, v5;
	v14 =	vadd.s32 s25, v25  }
0x2e6: {  	[tilespmem:v8+s11+$0x0] =	vst.idx.msk $0xffff, v7  }
0x2e7: {  	[tilespmem:v10+s11+$0x0] =	vst.idx.msk $0xffff, v9  }
0x2e8: {  	[tilespmem:v12+s11+$0x0] =	vst.idx.msk $0xffff, v11;
	v5 =	vld [tilespmem:s21+$0x2880]  }
0x2e9: {  	v6 =	vadd.s32 s20, v37;
	[tilespmem:v4+s11+$0x0] =	vst.idx.msk $0xffff, v3;
	v7 =	vld [tilespmem:s26+$0x1200]  }
0x2ea: {  	v8 =	vadd.s32 s28, v60;
	v9 =	vld [tilespmem:s18+$0x3200];
	[tilespmem:v14+s11+$0x0] =	vst.idx.msk $0xffff, v13  }
0x2eb: {  	v10 =	vadd.s32 s19, v44;
	v26 =	vld [tilespmem:$0x1FE60]  }
0x2ec: {  	v12 =	vadd.s32 s22, v52;
	v11 =	vld [tilespmem:s23+$0x1B80]  }
0x2ed: {  	v4 =	vadd.s32 s30, v62;
	v3 =	vld [tilespmem:s29+$0x900]  }
0x2ee: {  	[tilespmem:v6+s11+$0x0] =	vst.idx.msk $0xffff, v5  }
0x2ef: {  	[tilespmem:v8+s11+$0x0] =	vst.idx.msk $0xffff, v7  }
0x2f0: {  	v13 =	vld [tilespmem:s24+$0x3900];
	[tilespmem:v10+s11+$0x0] =	vst.idx.msk $0xffff, v9;
	v14 =	vadd.s32 s25, v26  }
0x2f1: {  	[tilespmem:v12+s11+$0x0] =	vst.idx.msk $0xffff, v11  }
0x2f2: {  	[tilespmem:v4+s11+$0x0] =	vst.idx.msk $0xffff, v3  }
0x2f3: {  	v27 =	vmov v43;
	v43 =	vmov v50;
	v50 =	vld [tilespmem:$0x1FCD0]  }
0x2f4: {  	v6 =	vadd.s32 s20, v15;
	v5 =	vld [tilespmem:s21+$0x2900]  }
0x2f5: {  	v8 =	vadd.s32 s28, v61;
	v7 =	vld [tilespmem:s26+$0x1280];
	[tilespmem:v14+s11+$0x0] =	vst.idx.msk $0xffff, v13  }
0x2f6: {  	v12 =	vadd.s32 s30, v27;
	v27 =	vld [tilespmem:$0x1FE70]  }
0x2f7: {  	v10 =	vadd.s32 s19, v16;
	v9 =	vld [tilespmem:s18+$0x3280]  }
0x2f8: {  	v3 =	vld [tilespmem:s23+$0x2000];
	v4 =	vadd.s32 s22, v50  }
0x2f9: {  	v11 =	vld [tilespmem:s29+$0x980];
	[tilespmem:v6+s11+$0x0] =	vst.idx.msk $0xffff, v5  }
0x2fa: {  	v13 =	vld [tilespmem:s24+$0x3980];
	[tilespmem:v8+s11+$0x0] =	vst.idx.msk $0xffff, v7  }
0x2fb: {  	v31 =	vld [tilespmem:$0x1FD70];
	v14 =	vadd.s32 s25, v27  }
0x2fc: {  	v32 =	vld [tilespmem:$0x1FC30];
	[tilespmem:v10+s11+$0x0] =	vst.idx.msk $0xffff, v9  }
0x2fd: {  	[tilespmem:v4+s11+$0x0] =	vst.idx.msk $0xffff, v3  }
0x2fe: {  	v5 =	vld [tilespmem:s21+$0x2980];
	[tilespmem:v12+s11+$0x0] =	vst.idx.msk $0xffff, v11  }
0x2ff: {  	v62 =	vld [tilespmem:$0x1FCE0]  }
0x300: {  	v7 =	vld [tilespmem:s26+$0x1300];
	v6 =	vadd.s32 s20, v31;
	[tilespmem:v14+s11+$0x0] =	vst.idx.msk $0xffff, v13  }
0x301: {  	v8 =	vadd.s32 s28, v32;
	v28 =	vld [tilespmem:$0x1FE80];
	_ =	sdelay $0x1  }
0x302: {  	v10 =	vadd.s32 s19, v17;
	v9 =	vld [tilespmem:s18+$0x3300]  }
0x303: {  	v3 =	vld [tilespmem:s23+$0x2080];
	v4 =	vadd.s32 s22, v62  }
0x304: {  	v12 =	vadd.s32 s30, v40;
	v11 =	vld [tilespmem:s29+$0xA00];
	[tilespmem:v6+s11+$0x0] =	vst.idx.msk $0xffff, v5  }
0x305: {  	v13 =	vld [tilespmem:s24+$0x3A00];
	[tilespmem:v8+s11+$0x0] =	vst.idx.msk $0xffff, v7;
	v14 =	vadd.s32 s25, v28  }
0x306: {  	v40 =	vld [tilespmem:$0x1FD80]  }
0x307: {  	[tilespmem:v10+s11+$0x0] =	vst.idx.msk $0xffff, v9  }
0x308: {  	[tilespmem:v4+s11+$0x0] =	vst.idx.msk $0xffff, v3  }
0x309: {  	[tilespmem:v12+s11+$0x0] =	vst.idx.msk $0xffff, v11  }
0x30a: {  	v5 =	vld [tilespmem:s21+$0x2A00];
	[tilespmem:v14+s11+$0x0] =	vst.idx.msk $0xffff, v13  }
0x30b: {  	v6 =	vadd.s32 s20, v40;
	v29 =	vld [tilespmem:$0x1FE90]  }
0x30c: {  	v8 =	vadd.s32 s28, v1;
	v7 =	vld [tilespmem:s26+$0x1380]  }
0x30d: {  	v10 =	vadd.s32 s19, v23;
	v9 =	vld [tilespmem:s18+$0x3380]  }
0x30e: {  	v4 =	vadd.s32 s22, v49;
	v3 =	vld [tilespmem:s23+$0x2100]  }
0x30f: {  	v12 =	vadd.s32 s30, v34;
	v11 =	vld [tilespmem:s29+$0xA80]  }
0x310: {  	v13 =	vld [tilespmem:s24+$0x3A80];
	[tilespmem:v6+s11+$0x0] =	vst.idx.msk $0xffff, v5;
	v14 =	vadd.s32 s25, v29  }
0x311: {  	[tilespmem:v8+s11+$0x0] =	vst.idx.msk $0xffff, v7  }
0x312: {  	[tilespmem:v10+s11+$0x0] =	vst.idx.msk $0xffff, v9  }
0x313: {  	[tilespmem:v4+s11+$0x0] =	vst.idx.msk $0xffff, v3  }
0x314: {  	[tilespmem:v12+s11+$0x0] =	vst.idx.msk $0xffff, v11  }
0x315: {  	v5 =	vld [tilespmem:s21+$0x2A80];
	[tilespmem:v14+s11+$0x0] =	vst.idx.msk $0xffff, v13  }
0x316: {  	v6 =	vadd.s32 s20, v36;
	v30 =	vld [tilespmem:$0x1FEA0]  }
0x317: {  	v8 =	vadd.s32 s28, v2;
	v7 =	vld [tilespmem:s26+$0x1800]  }
0x318: {  	v10 =	vadd.s32 s19, v24;
	v9 =	vld [tilespmem:s18+$0x3800]  }
0x319: {  	v4 =	vadd.s32 s22, v45;
	v3 =	vld [tilespmem:s23+$0x2180]  }
0x31a: {  	v12 =	vadd.s32 s30, v46;
	v11 =	vld [tilespmem:s29+$0xB00]  }
0x31b: {  	v13 =	vld [tilespmem:s24+$0x3B00];
	[tilespmem:v6+s11+$0x0] =	vst.idx.msk $0xffff, v5;
	v14 =	vadd.s32 s25, v30  }
0x31c: {  	[tilespmem:v8+s11+$0x0] =	vst.idx.msk $0xffff, v7  }
0x31d: {  	[tilespmem:v10+s11+$0x0] =	vst.idx.msk $0xffff, v9  }
0x31e: {  	[tilespmem:v4+s11+$0x0] =	vst.idx.msk $0xffff, v3  }
0x31f: {  	[tilespmem:v12+s11+$0x0] =	vst.idx.msk $0xffff, v11  }
0x320: {  	v5 =	vld [tilespmem:s21+$0x2B00];
	[tilespmem:v14+s11+$0x0] =	vst.idx.msk $0xffff, v13  }
0x321: {  	v6 =	vadd.s32 s20, v33;
	v12 =	vadd.s32 s30, v35;
	v35 =	vld [tilespmem:$0x1FEB0]  }
0x322: {  	v8 =	vadd.s32 s28, v58;
	v7 =	vld [tilespmem:s26+$0x1880]  }
0x323: {  	v10 =	vadd.s32 s19, v25;
	v9 =	vld [tilespmem:s18+$0x3880]  }
0x324: {  	v4 =	vadd.s32 s22, v18;
	v3 =	vld [tilespmem:s23+$0x2200]  }
0x325: {  	v11 =	vld [tilespmem:s29+$0xB80]  }
0x326: {  	v13 =	vld [tilespmem:s24+$0x3B80];
	[tilespmem:v6+s11+$0x0] =	vst.idx.msk $0xffff, v5;
	v14 =	vadd.s32 s25, v35  }
0x327: {  	[tilespmem:v8+s11+$0x0] =	vst.idx.msk $0xffff, v7;
	v6 =	vadd.s32 s20, v39;
	v5 =	vld [tilespmem:s21+$0x2B80]  }
0x328: {  	v8 =	vadd.s32 s28, v57;
	[tilespmem:v10+s11+$0x0] =	vst.idx.msk $0xffff, v9;
	v7 =	vld [tilespmem:s26+$0x1900]  }
0x329: {  	v10 =	vadd.s32 s19, v26;
	[tilespmem:v4+s11+$0x0] =	vst.idx.msk $0xffff, v3;
	v9 =	vld [tilespmem:s18+$0x3900]  }
0x32a: {  	[tilespmem:v12+s11+$0x0] =	vst.idx.msk $0xffff, v11;
	v12 =	vadd.s32 s22, v19;
	v11 =	vld [tilespmem:s23+$0x2280]  }
0x32b: {  	[tilespmem:v14+s11+$0x0] =	vst.idx.msk $0xffff, v13;
	v13 =	vld [tilespmem:s29+$0x1000];
	v14 =	vadd.s32 s30, v48  }
0x32c: {  	[tilespmem:v6+s11+$0x0] =	vst.idx.msk $0xffff, v5  }
0x32d: {  	[tilespmem:v8+s11+$0x0] =	vst.idx.msk $0xffff, v7  }
0x32e: {  	[tilespmem:v10+s11+$0x0] =	vst.idx.msk $0xffff, v9;
	v4 =	vld [tilespmem:s21+$0x3000]  }
0x32f: {  	[tilespmem:v12+s11+$0x0] =	vst.idx.msk $0xffff, v11;
	v5 =	vld [tilespmem:s26+$0x1980]  }
0x330: {  	v3 =	vld [tilespmem:s18+$0x3980];
	[tilespmem:v14+s11+$0x0] =	vst.idx.msk $0xffff, v13  }
0x331: {  	v7 =	vadd.s32 s30, v47;
	v6 =	vld [tilespmem:s29+$0x1080];
	_ =	sdelay $0x4  }
0x332: {  	[tilespmem:v7+s11+$0x0] =	vst.idx.msk $0xffff, v6  }
0x333: {  	v7 =	vadd.s32 s30, v42;
	v6 =	vld [tilespmem:s29+$0x1100];
	_ =	sdelay $0x4  }
0x334: {  	[tilespmem:v7+s11+$0x0] =	vst.idx.msk $0xffff, v6  }
0x335: {  	v7 =	vadd.s32 s30, v59;
	v6 =	vld [tilespmem:s29+$0x1180];
	_ =	sdelay $0x4  }
0x336: {  	[tilespmem:v7+s11+$0x0] =	vst.idx.msk $0xffff, v6  }
0x337: {  	v7 =	vadd.s32 s30, v60;
	v6 =	vld [tilespmem:s29+$0x1200];
	_ =	sdelay $0x4  }
0x338: {  	[tilespmem:v7+s11+$0x0] =	vst.idx.msk $0xffff, v6  }
0x339: {  	v7 =	vadd.s32 s30, v61;
	v6 =	vld [tilespmem:s29+$0x1280];
	_ =	sdelay $0x4  }
0x33a: {  	[tilespmem:v7+s11+$0x0] =	vst.idx.msk $0xffff, v6  }
0x33b: {  	v7 =	vadd.s32 s30, v32;
	v6 =	vld [tilespmem:s29+$0x1300];
	_ =	sdelay $0x4  }
0x33c: {  	[tilespmem:v7+s11+$0x0] =	vst.idx.msk $0xffff, v6  }
0x33d: {  	v7 =	vadd.s32 s30, v1;
	v6 =	vld [tilespmem:s29+$0x1380];
	_ =	sdelay $0x4  }
0x33e: {  	[tilespmem:v7+s11+$0x0] =	vst.idx.msk $0xffff, v6  }
0x33f: {  	v7 =	vadd.s32 s30, v2;
	v6 =	vld [tilespmem:s29+$0x1800];
	_ =	sdelay $0x4  }
0x340: {  	[tilespmem:v7+s11+$0x0] =	vst.idx.msk $0xffff, v6  }
0x341: {  	v7 =	vadd.s32 s30, v58;
	v6 =	vld [tilespmem:s29+$0x1880];
	_ =	sdelay $0x4  }
0x342: {  	[tilespmem:v7+s11+$0x0] =	vst.idx.msk $0xffff, v6  }
0x343: {  	v7 =	vadd.s32 s30, v57;
	v6 =	vld [tilespmem:s29+$0x1900];
	_ =	sdelay $0x4  }
0x344: {  	v8 =	vadd.s32 s28, v56;
	[tilespmem:v7+s11+$0x0] =	vst.idx.msk $0xffff, v6  }
0x345: {  	v7 =	vadd.s32 s30, v56;
	v6 =	vld [tilespmem:s29+$0x1980];
	_ =	sdelay $0x3  }
0x346: {  	[tilespmem:v8+s11+$0x0] =	vst.idx.msk $0xffff, v5  }
0x347: {  	v8 =	vadd.s32 s28, v38;
	v5 =	vld [tilespmem:s26+$0x1A00];
	[tilespmem:v7+s11+$0x0] =	vst.idx.msk $0xffff, v6  }
0x348: {  	v7 =	vadd.s32 s30, v38;
	v6 =	vld [tilespmem:s29+$0x1A00];
	_ =	sdelay $0x3  }
0x349: {  	[tilespmem:v8+s11+$0x0] =	vst.idx.msk $0xffff, v5  }
0x34a: {  	v8 =	vadd.s32 s28, v55;
	v5 =	vld [tilespmem:s26+$0x1A80];
	[tilespmem:v7+s11+$0x0] =	vst.idx.msk $0xffff, v6  }
0x34b: {  	v7 =	vadd.s32 s30, v55;
	v6 =	vld [tilespmem:s29+$0x1A80];
	_ =	sdelay $0x3  }
0x34c: {  	[tilespmem:v8+s11+$0x0] =	vst.idx.msk $0xffff, v5  }
0x34d: {  	v8 =	vadd.s32 s28, v53;
	v5 =	vld [tilespmem:s26+$0x1B00];
	[tilespmem:v7+s11+$0x0] =	vst.idx.msk $0xffff, v6  }
0x34e: {  	v7 =	vadd.s32 s30, v53;
	v6 =	vld [tilespmem:s29+$0x1B00];
	_ =	sdelay $0x3  }
0x34f: {  	[tilespmem:v8+s11+$0x0] =	vst.idx.msk $0xffff, v5  }
0x350: {  	v8 =	vadd.s32 s28, v52;
	v5 =	vld [tilespmem:s26+$0x1B80];
	[tilespmem:v7+s11+$0x0] =	vst.idx.msk $0xffff, v6  }
0x351: {  	v7 =	vadd.s32 s30, v52;
	v6 =	vld [tilespmem:s29+$0x1B80];
	_ =	sdelay $0x3  }
0x352: {  	[tilespmem:v8+s11+$0x0] =	vst.idx.msk $0xffff, v5  }
0x353: {  	v8 =	vadd.s32 s28, v50;
	v5 =	vld [tilespmem:s26+$0x2000];
	[tilespmem:v7+s11+$0x0] =	vst.idx.msk $0xffff, v6  }
0x354: {  	v7 =	vadd.s32 s30, v50;
	v6 =	vld [tilespmem:s29+$0x2000];
	_ =	sdelay $0x3  }
0x355: {  	[tilespmem:v8+s11+$0x0] =	vst.idx.msk $0xffff, v5  }
0x356: {  	v8 =	vadd.s32 s28, v62;
	v5 =	vld [tilespmem:s26+$0x2080];
	[tilespmem:v7+s11+$0x0] =	vst.idx.msk $0xffff, v6  }
0x357: {  	v7 =	vadd.s32 s30, v62;
	v6 =	vld [tilespmem:s29+$0x2080];
	_ =	sdelay $0x3  }
0x358: {  	[tilespmem:v8+s11+$0x0] =	vst.idx.msk $0xffff, v5  }
0x359: {  	v8 =	vadd.s32 s28, v49;
	v5 =	vld [tilespmem:s26+$0x2100];
	[tilespmem:v7+s11+$0x0] =	vst.idx.msk $0xffff, v6  }
0x35a: {  	v7 =	vadd.s32 s30, v49;
	v6 =	vld [tilespmem:s29+$0x2100];
	_ =	sdelay $0x3  }
0x35b: {  	[tilespmem:v8+s11+$0x0] =	vst.idx.msk $0xffff, v5  }
0x35c: {  	v8 =	vadd.s32 s28, v45;
	v5 =	vld [tilespmem:s26+$0x2180];
	[tilespmem:v7+s11+$0x0] =	vst.idx.msk $0xffff, v6  }
0x35d: {  	v7 =	vadd.s32 s30, v45;
	v6 =	vld [tilespmem:s29+$0x2180];
	_ =	sdelay $0x3  }
0x35e: {  	[tilespmem:v8+s11+$0x0] =	vst.idx.msk $0xffff, v5  }
0x35f: {  	v8 =	vadd.s32 s28, v18;
	v5 =	vld [tilespmem:s26+$0x2200];
	[tilespmem:v7+s11+$0x0] =	vst.idx.msk $0xffff, v6  }
0x360: {  	v7 =	vadd.s32 s30, v18;
	v6 =	vld [tilespmem:s29+$0x2200];
	_ =	sdelay $0x3  }
0x361: {  	[tilespmem:v8+s11+$0x0] =	vst.idx.msk $0xffff, v5  }
0x362: {  	v8 =	vadd.s32 s28, v19;
	v5 =	vld [tilespmem:s26+$0x2280];
	[tilespmem:v7+s11+$0x0] =	vst.idx.msk $0xffff, v6  }
0x363: {  	v7 =	vadd.s32 s30, v19;
	v6 =	vld [tilespmem:s29+$0x2280];
	_ =	sdelay $0x3  }
0x364: {  	v10 =	vadd.s32 s22, v20;
	v9 =	vld [tilespmem:s23+$0x2300];
	[tilespmem:v8+s11+$0x0] =	vst.idx.msk $0xffff, v5  }
0x365: {  	v8 =	vadd.s32 s28, v20;
	v5 =	vld [tilespmem:s26+$0x2300];
	[tilespmem:v7+s11+$0x0] =	vst.idx.msk $0xffff, v6  }
0x366: {  	v7 =	vadd.s32 s30, v20;
	v6 =	vld [tilespmem:s29+$0x2300];
	_ =	sdelay $0x2  }
0x367: {  	[tilespmem:v10+s11+$0x0] =	vst.idx.msk $0xffff, v9  }
0x368: {  	v10 =	vadd.s32 s22, v21;
	v9 =	vld [tilespmem:s23+$0x2380];
	[tilespmem:v8+s11+$0x0] =	vst.idx.msk $0xffff, v5  }
0x369: {  	v8 =	vadd.s32 s28, v21;
	v5 =	vld [tilespmem:s26+$0x2380];
	[tilespmem:v7+s11+$0x0] =	vst.idx.msk $0xffff, v6  }
0x36a: {  	v7 =	vadd.s32 s30, v21;
	v6 =	vld [tilespmem:s29+$0x2380];
	_ =	sdelay $0x2  }
0x36b: {  	[tilespmem:v10+s11+$0x0] =	vst.idx.msk $0xffff, v9  }
0x36c: {  	v10 =	vadd.s32 s22, v22;
	v9 =	vld [tilespmem:s23+$0x2800];
	[tilespmem:v8+s11+$0x0] =	vst.idx.msk $0xffff, v5  }
0x36d: {  	v8 =	vadd.s32 s28, v22;
	v5 =	vld [tilespmem:s26+$0x2800];
	[tilespmem:v7+s11+$0x0] =	vst.idx.msk $0xffff, v6  }
0x36e: {  	v7 =	vadd.s32 s30, v22;
	v6 =	vld [tilespmem:s29+$0x2800];
	_ =	sdelay $0x2  }
0x36f: {  	[tilespmem:v10+s11+$0x0] =	vst.idx.msk $0xffff, v9  }
0x370: {  	v10 =	vadd.s32 s22, v37;
	v9 =	vld [tilespmem:s23+$0x2880];
	[tilespmem:v8+s11+$0x0] =	vst.idx.msk $0xffff, v5  }
0x371: {  	v8 =	vadd.s32 s28, v37;
	v5 =	vld [tilespmem:s26+$0x2880];
	[tilespmem:v7+s11+$0x0] =	vst.idx.msk $0xffff, v6  }
0x372: {  	v7 =	vadd.s32 s30, v37;
	v6 =	vld [tilespmem:s29+$0x2880];
	_ =	sdelay $0x2  }
0x373: {  	[tilespmem:v10+s11+$0x0] =	vst.idx.msk $0xffff, v9  }
0x374: {  	v10 =	vadd.s32 s22, v15;
	v9 =	vld [tilespmem:s23+$0x2900];
	[tilespmem:v8+s11+$0x0] =	vst.idx.msk $0xffff, v5  }
0x375: {  	v8 =	vadd.s32 s28, v15;
	v5 =	vld [tilespmem:s26+$0x2900];
	[tilespmem:v7+s11+$0x0] =	vst.idx.msk $0xffff, v6  }
0x376: {  	v7 =	vadd.s32 s30, v15;
	v6 =	vld [tilespmem:s29+$0x2900];
	_ =	sdelay $0x2  }
0x377: {  	[tilespmem:v10+s11+$0x0] =	vst.idx.msk $0xffff, v9  }
0x378: {  	v10 =	vadd.s32 s22, v31;
	v9 =	vld [tilespmem:s23+$0x2980];
	[tilespmem:v8+s11+$0x0] =	vst.idx.msk $0xffff, v5  }
0x379: {  	v8 =	vadd.s32 s28, v31;
	v5 =	vld [tilespmem:s26+$0x2980];
	[tilespmem:v7+s11+$0x0] =	vst.idx.msk $0xffff, v6  }
0x37a: {  	v7 =	vadd.s32 s30, v31;
	v6 =	vld [tilespmem:s29+$0x2980];
	_ =	sdelay $0x2  }
0x37b: {  	[tilespmem:v10+s11+$0x0] =	vst.idx.msk $0xffff, v9  }
0x37c: {  	v10 =	vadd.s32 s22, v40;
	v9 =	vld [tilespmem:s23+$0x2A00];
	[tilespmem:v8+s11+$0x0] =	vst.idx.msk $0xffff, v5  }
0x37d: {  	v8 =	vadd.s32 s28, v40;
	v5 =	vld [tilespmem:s26+$0x2A00];
	[tilespmem:v7+s11+$0x0] =	vst.idx.msk $0xffff, v6  }
0x37e: {  	v7 =	vadd.s32 s30, v40;
	v6 =	vld [tilespmem:s29+$0x2A00];
	_ =	sdelay $0x2  }
0x37f: {  	[tilespmem:v10+s11+$0x0] =	vst.idx.msk $0xffff, v9  }
0x380: {  	v10 =	vadd.s32 s22, v36;
	v9 =	vld [tilespmem:s23+$0x2A80];
	[tilespmem:v8+s11+$0x0] =	vst.idx.msk $0xffff, v5  }
0x381: {  	v8 =	vadd.s32 s28, v36;
	v5 =	vld [tilespmem:s26+$0x2A80];
	[tilespmem:v7+s11+$0x0] =	vst.idx.msk $0xffff, v6  }
0x382: {  	v7 =	vadd.s32 s30, v36;
	v6 =	vld [tilespmem:s29+$0x2A80];
	_ =	sdelay $0x2  }
0x383: {  	[tilespmem:v10+s11+$0x0] =	vst.idx.msk $0xffff, v9  }
0x384: {  	v10 =	vadd.s32 s22, v33;
	v9 =	vld [tilespmem:s23+$0x2B00];
	[tilespmem:v8+s11+$0x0] =	vst.idx.msk $0xffff, v5  }
0x385: {  	v8 =	vadd.s32 s28, v33;
	v5 =	vld [tilespmem:s26+$0x2B00];
	[tilespmem:v7+s11+$0x0] =	vst.idx.msk $0xffff, v6  }
0x386: {  	v7 =	vadd.s32 s30, v33;
	v6 =	vld [tilespmem:s29+$0x2B00];
	_ =	sdelay $0x2  }
0x387: {  	[tilespmem:v10+s11+$0x0] =	vst.idx.msk $0xffff, v9  }
0x388: {  	v10 =	vadd.s32 s22, v39;
	v9 =	vld [tilespmem:s23+$0x2B80];
	[tilespmem:v8+s11+$0x0] =	vst.idx.msk $0xffff, v5  }
0x389: {  	v8 =	vadd.s32 s28, v39;
	v5 =	vld [tilespmem:s26+$0x2B80];
	[tilespmem:v7+s11+$0x0] =	vst.idx.msk $0xffff, v6  }
0x38a: {  	v7 =	vadd.s32 s30, v39;
	v6 =	vld [tilespmem:s29+$0x2B80];
	_ =	sdelay $0x2  }
0x38b: {  	v11 =	vadd.s32 s20, v54;
	[tilespmem:v10+s11+$0x0] =	vst.idx.msk $0xffff, v9  }
0x38c: {  	v10 =	vadd.s32 s22, v54;
	v9 =	vld [tilespmem:s23+$0x3000];
	[tilespmem:v8+s11+$0x0] =	vst.idx.msk $0xffff, v5  }
0x38d: {  	v8 =	vadd.s32 s28, v54;
	v5 =	vld [tilespmem:s26+$0x3000];
	[tilespmem:v7+s11+$0x0] =	vst.idx.msk $0xffff, v6  }
0x38e: {  	v7 =	vadd.s32 s30, v54;
	v6 =	vld [tilespmem:s29+$0x3000];
	_ =	sdelay $0x1  }
0x38f: {  	[tilespmem:v11+s11+$0x0] =	vst.idx.msk $0xffff, v4  }
0x390: {  	v11 =	vadd.s32 s20, v43;
	v4 =	vld [tilespmem:s21+$0x3080];
	[tilespmem:v10+s11+$0x0] =	vst.idx.msk $0xffff, v9  }
0x391: {  	v10 =	vadd.s32 s22, v43;
	v9 =	vld [tilespmem:s23+$0x3080];
	[tilespmem:v8+s11+$0x0] =	vst.idx.msk $0xffff, v5  }
0x392: {  	v8 =	vadd.s32 s28, v43;
	v5 =	vld [tilespmem:s26+$0x3080];
	[tilespmem:v7+s11+$0x0] =	vst.idx.msk $0xffff, v6  }
0x393: {  	v7 =	vadd.s32 s30, v43;
	v6 =	vld [tilespmem:s29+$0x3080];
	_ =	sdelay $0x1  }
0x394: {  	[tilespmem:v11+s11+$0x0] =	vst.idx.msk $0xffff, v4  }
0x395: {  	v11 =	vadd.s32 s20, v51;
	v4 =	vld [tilespmem:s21+$0x3100];
	[tilespmem:v10+s11+$0x0] =	vst.idx.msk $0xffff, v9  }
0x396: {  	v10 =	vadd.s32 s22, v51;
	v9 =	vld [tilespmem:s23+$0x3100];
	[tilespmem:v8+s11+$0x0] =	vst.idx.msk $0xffff, v5  }
0x397: {  	v8 =	vadd.s32 s28, v51;
	v5 =	vld [tilespmem:s26+$0x3100];
	[tilespmem:v7+s11+$0x0] =	vst.idx.msk $0xffff, v6  }
0x398: {  	v7 =	vadd.s32 s30, v51;
	v6 =	vld [tilespmem:s29+$0x3100];
	_ =	sdelay $0x1  }
0x399: {  	[tilespmem:v11+s11+$0x0] =	vst.idx.msk $0xffff, v4  }
0x39a: {  	v11 =	vadd.s32 s20, v41;
	v4 =	vld [tilespmem:s21+$0x3180];
	[tilespmem:v10+s11+$0x0] =	vst.idx.msk $0xffff, v9  }
0x39b: {  	v10 =	vadd.s32 s22, v41;
	v9 =	vld [tilespmem:s23+$0x3180];
	[tilespmem:v8+s11+$0x0] =	vst.idx.msk $0xffff, v5  }
0x39c: {  	v8 =	vadd.s32 s28, v41;
	v5 =	vld [tilespmem:s26+$0x3180];
	[tilespmem:v7+s11+$0x0] =	vst.idx.msk $0xffff, v6  }
0x39d: {  	v7 =	vadd.s32 s30, v41;
	v6 =	vld [tilespmem:s29+$0x3180];
	_ =	sdelay $0x1  }
0x39e: {  	[tilespmem:v11+s11+$0x0] =	vst.idx.msk $0xffff, v4  }
0x39f: {  	v11 =	vadd.s32 s20, v44;
	v4 =	vld [tilespmem:s21+$0x3200];
	[tilespmem:v10+s11+$0x0] =	vst.idx.msk $0xffff, v9  }
0x3a0: {  	v10 =	vadd.s32 s22, v44;
	v9 =	vld [tilespmem:s23+$0x3200];
	[tilespmem:v8+s11+$0x0] =	vst.idx.msk $0xffff, v5  }
0x3a1: {  	v8 =	vadd.s32 s28, v44;
	v5 =	vld [tilespmem:s26+$0x3200];
	[tilespmem:v7+s11+$0x0] =	vst.idx.msk $0xffff, v6  }
0x3a2: {  	v7 =	vadd.s32 s30, v44;
	v6 =	vld [tilespmem:s29+$0x3200];
	_ =	sdelay $0x1  }
0x3a3: {  	[tilespmem:v11+s11+$0x0] =	vst.idx.msk $0xffff, v4  }
0x3a4: {  	v11 =	vadd.s32 s20, v16;
	v4 =	vld [tilespmem:s21+$0x3280];
	[tilespmem:v10+s11+$0x0] =	vst.idx.msk $0xffff, v9  }
0x3a5: {  	v10 =	vadd.s32 s22, v16;
	v9 =	vld [tilespmem:s23+$0x3280];
	[tilespmem:v8+s11+$0x0] =	vst.idx.msk $0xffff, v5  }
0x3a6: {  	v8 =	vadd.s32 s28, v16;
	v5 =	vld [tilespmem:s26+$0x3280];
	[tilespmem:v7+s11+$0x0] =	vst.idx.msk $0xffff, v6  }
0x3a7: {  	v7 =	vadd.s32 s30, v16;
	v6 =	vld [tilespmem:s29+$0x3280];
	_ =	sdelay $0x1  }
0x3a8: {  	[tilespmem:v11+s11+$0x0] =	vst.idx.msk $0xffff, v4  }
0x3a9: {  	v11 =	vadd.s32 s20, v17;
	v4 =	vld [tilespmem:s21+$0x3300];
	[tilespmem:v10+s11+$0x0] =	vst.idx.msk $0xffff, v9  }
0x3aa: {  	v10 =	vadd.s32 s22, v17;
	v9 =	vld [tilespmem:s23+$0x3300];
	[tilespmem:v8+s11+$0x0] =	vst.idx.msk $0xffff, v5  }
0x3ab: {  	v8 =	vadd.s32 s28, v17;
	v5 =	vld [tilespmem:s26+$0x3300];
	[tilespmem:v7+s11+$0x0] =	vst.idx.msk $0xffff, v6  }
0x3ac: {  	v7 =	vadd.s32 s30, v17;
	v6 =	vld [tilespmem:s29+$0x3300];
	_ =	sdelay $0x1  }
0x3ad: {  	[tilespmem:v11+s11+$0x0] =	vst.idx.msk $0xffff, v4  }
0x3ae: {  	v11 =	vadd.s32 s20, v23;
	v4 =	vld [tilespmem:s21+$0x3380];
	[tilespmem:v10+s11+$0x0] =	vst.idx.msk $0xffff, v9  }
0x3af: {  	v10 =	vadd.s32 s22, v23;
	v9 =	vld [tilespmem:s23+$0x3380];
	[tilespmem:v8+s11+$0x0] =	vst.idx.msk $0xffff, v5  }
0x3b0: {  	v8 =	vadd.s32 s28, v23;
	v5 =	vld [tilespmem:s26+$0x3380];
	[tilespmem:v7+s11+$0x0] =	vst.idx.msk $0xffff, v6  }
0x3b1: {  	v7 =	vadd.s32 s30, v23;
	v6 =	vld [tilespmem:s29+$0x3380];
	_ =	sdelay $0x1  }
0x3b2: {  	[tilespmem:v11+s11+$0x0] =	vst.idx.msk $0xffff, v4  }
0x3b3: {  	v11 =	vadd.s32 s20, v24;
	v4 =	vld [tilespmem:s21+$0x3800];
	[tilespmem:v10+s11+$0x0] =	vst.idx.msk $0xffff, v9  }
0x3b4: {  	v10 =	vadd.s32 s22, v24;
	v9 =	vld [tilespmem:s23+$0x3800];
	[tilespmem:v8+s11+$0x0] =	vst.idx.msk $0xffff, v5  }
0x3b5: {  	v8 =	vadd.s32 s28, v24;
	v5 =	vld [tilespmem:s26+$0x3800];
	[tilespmem:v7+s11+$0x0] =	vst.idx.msk $0xffff, v6  }
0x3b6: {  	v7 =	vadd.s32 s30, v24;
	v6 =	vld [tilespmem:s29+$0x3800];
	_ =	sdelay $0x1  }
0x3b7: {  	[tilespmem:v11+s11+$0x0] =	vst.idx.msk $0xffff, v4  }
0x3b8: {  	v11 =	vadd.s32 s20, v25;
	v4 =	vld [tilespmem:s21+$0x3880];
	[tilespmem:v10+s11+$0x0] =	vst.idx.msk $0xffff, v9  }
0x3b9: {  	v10 =	vadd.s32 s22, v25;
	v9 =	vld [tilespmem:s23+$0x3880];
	[tilespmem:v8+s11+$0x0] =	vst.idx.msk $0xffff, v5  }
0x3ba: {  	v8 =	vadd.s32 s28, v25;
	v5 =	vld [tilespmem:s26+$0x3880];
	[tilespmem:v7+s11+$0x0] =	vst.idx.msk $0xffff, v6  }
0x3bb: {  	v7 =	vadd.s32 s30, v25;
	v6 =	vld [tilespmem:s29+$0x3880];
	_ =	sdelay $0x1  }
0x3bc: {  	[tilespmem:v11+s11+$0x0] =	vst.idx.msk $0xffff, v4  }
0x3bd: {  	v11 =	vadd.s32 s20, v26;
	v4 =	vld [tilespmem:s21+$0x3900];
	[tilespmem:v10+s11+$0x0] =	vst.idx.msk $0xffff, v9  }
0x3be: {  	v10 =	vadd.s32 s22, v26;
	v9 =	vld [tilespmem:s23+$0x3900];
	[tilespmem:v8+s11+$0x0] =	vst.idx.msk $0xffff, v5  }
0x3bf: {  	v8 =	vadd.s32 s28, v26;
	v5 =	vld [tilespmem:s26+$0x3900];
	[tilespmem:v7+s11+$0x0] =	vst.idx.msk $0xffff, v6  }
0x3c0: {  	v7 =	vadd.s32 s30, v26;
	v6 =	vld [tilespmem:s29+$0x3900];
	_ =	sdelay $0x1  }
0x3c1: {  	v12 =	vadd.s32 s19, v27;
	[tilespmem:v11+s11+$0x0] =	vst.idx.msk $0xffff, v4  }
0x3c2: {  	v11 =	vadd.s32 s20, v27;
	v4 =	vld [tilespmem:s21+$0x3980];
	[tilespmem:v10+s11+$0x0] =	vst.idx.msk $0xffff, v9  }
0x3c3: {  	v10 =	vadd.s32 s22, v27;
	v9 =	vld [tilespmem:s23+$0x3980];
	[tilespmem:v8+s11+$0x0] =	vst.idx.msk $0xffff, v5  }
0x3c4: {  	v8 =	vadd.s32 s28, v27;
	v5 =	vld [tilespmem:s26+$0x3980];
	[tilespmem:v7+s11+$0x0] =	vst.idx.msk $0xffff, v6  }
0x3c5: {  	v7 =	vadd.s32 s30, v27;
	v6 =	vld [tilespmem:s29+$0x3980]  }
0x3c6: {  	[tilespmem:v12+s11+$0x0] =	vst.idx.msk $0xffff, v3  }
0x3c7: {  	v12 =	vadd.s32 s19, v28;
	v3 =	vld [tilespmem:s18+$0x3A00];
	[tilespmem:v11+s11+$0x0] =	vst.idx.msk $0xffff, v4  }
0x3c8: {  	v11 =	vadd.s32 s20, v28;
	v4 =	vld [tilespmem:s21+$0x3A00];
	[tilespmem:v10+s11+$0x0] =	vst.idx.msk $0xffff, v9  }
0x3c9: {  	v10 =	vadd.s32 s22, v28;
	v9 =	vld [tilespmem:s23+$0x3A00];
	[tilespmem:v8+s11+$0x0] =	vst.idx.msk $0xffff, v5  }
0x3ca: {  	v8 =	vadd.s32 s28, v28;
	v5 =	vld [tilespmem:s26+$0x3A00];
	[tilespmem:v7+s11+$0x0] =	vst.idx.msk $0xffff, v6  }
0x3cb: {  	v7 =	vadd.s32 s30, v28;
	v6 =	vld [tilespmem:s29+$0x3A00]  }
0x3cc: {  	[tilespmem:v12+s11+$0x0] =	vst.idx.msk $0xffff, v3  }
0x3cd: {  	v12 =	vadd.s32 s19, v29;
	v3 =	vld [tilespmem:s18+$0x3A80];
	[tilespmem:v11+s11+$0x0] =	vst.idx.msk $0xffff, v4  }
0x3ce: {  	v11 =	vadd.s32 s20, v29;
	v4 =	vld [tilespmem:s21+$0x3A80];
	[tilespmem:v10+s11+$0x0] =	vst.idx.msk $0xffff, v9  }
0x3cf: {  	v10 =	vadd.s32 s22, v29;
	v9 =	vld [tilespmem:s23+$0x3A80];
	[tilespmem:v8+s11+$0x0] =	vst.idx.msk $0xffff, v5  }
0x3d0: {  	v8 =	vadd.s32 s28, v29;
	v5 =	vld [tilespmem:s26+$0x3A80];
	[tilespmem:v7+s11+$0x0] =	vst.idx.msk $0xffff, v6  }
0x3d1: {  	v7 =	vadd.s32 s30, v29;
	v6 =	vld [tilespmem:s29+$0x3A80]  }
0x3d2: {  	[tilespmem:v12+s11+$0x0] =	vst.idx.msk $0xffff, v3  }
0x3d3: {  	v12 =	vadd.s32 s19, v30;
	v3 =	vld [tilespmem:s18+$0x3B00];
	[tilespmem:v11+s11+$0x0] =	vst.idx.msk $0xffff, v4  }
0x3d4: {  	v11 =	vadd.s32 s20, v30;
	v4 =	vld [tilespmem:s21+$0x3B00];
	[tilespmem:v10+s11+$0x0] =	vst.idx.msk $0xffff, v9  }
0x3d5: {  	v10 =	vadd.s32 s22, v30;
	v9 =	vld [tilespmem:s23+$0x3B00];
	[tilespmem:v8+s11+$0x0] =	vst.idx.msk $0xffff, v5  }
0x3d6: {  	v8 =	vadd.s32 s28, v30;
	v5 =	vld [tilespmem:s26+$0x3B00];
	[tilespmem:v7+s11+$0x0] =	vst.idx.msk $0xffff, v6  }
0x3d7: {  	v7 =	vadd.s32 s30, v30;
	v6 =	vld [tilespmem:s29+$0x3B00]  }
0x3d8: {  	[tilespmem:v12+s11+$0x0] =	vst.idx.msk $0xffff, v3  }
0x3d9: {  	v12 =	vadd.s32 s19, v35;
	v3 =	vld [tilespmem:s18+$0x3B80];
	[tilespmem:v11+s11+$0x0] =	vst.idx.msk $0xffff, v4  }
0x3da: {  	v11 =	vadd.s32 s20, v35;
	v4 =	vld [tilespmem:s21+$0x3B80];
	[tilespmem:v10+s11+$0x0] =	vst.idx.msk $0xffff, v9  }
0x3db: {  	v10 =	vadd.s32 s22, v35;
	v9 =	vld [tilespmem:s23+$0x3B80];
	[tilespmem:v8+s11+$0x0] =	vst.idx.msk $0xffff, v5  }
0x3dc: {  	v8 =	vadd.s32 s28, v35;
	v5 =	vld [tilespmem:s26+$0x3B80];
	[tilespmem:v7+s11+$0x0] =	vst.idx.msk $0xffff, v6  }
0x3dd: {  	s22 =	simm.s32 $0x1C7;
	v7 =	vadd.s32 s30, v35;
	v6 =	vld [tilespmem:s29+$0x3B80]  }
0x3de: {  	s0 =	simm.s32 $0x0;
	[tilespmem:v12+s11+$0x0] =	vst.idx.msk $0xffff, v3;
	v3 =	vor.u32 $0x20, v0;
	v12 =	vadd.s32 s22, v0  }
0x3df: {  	[tilespmem:v11+s11+$0x0] =	vst.idx.msk $0xffff, v4;
	v4 =	vadd.s32 s0, v3;
	s23 =	simm.s32 $0x104  }
0x3e0: {  	s24 =	simm.s32 $0xC3;
	[tilespmem:v10+s11+$0x0] =	vst.idx.msk $0xffff, v9;
	v9 =	vadd.s32 s23, v0;
	v17 =	vor.u32 $0x30, v0  }
0x3e1: {  	[tilespmem:v8+s11+$0x0] =	vst.idx.msk $0xffff, v5;
	v5 =	vadd.s32 s24, v17  }
0x3e2: {  	[tilespmem:v7+s11+$0x0] =	vst.idx.msk $0xffff, v6;
	v6 =	vadd.s32 s24, v3  }
0x3e3: {  	v16 =	vor.u32 $0x10, v0;
	v8 =	vadd.s32 s22, v17;
	v7 =	vld.idx.msk [tilespmem:v12+s11+$0x0], $0xffff  }
0x3e4: {  	s1 =	simm.s32 $0x41;
	v10 =	vadd.s32 s23, v16;
	v4 =	vld.idx.msk [tilespmem:v4+s11+$0x0], $0xffff  }
0x3e5: {  	s25 =	simm.s32 $0x186;
	v11 =	vadd.s32 s1, v0;
	v9 =	vld.idx.msk [tilespmem:v9+s11+$0x0], $0xffff  }
0x3e6: {  	v5 =	vld.idx.msk [tilespmem:v5+s11+$0x0], $0xffff;
	v12 =	vadd.s32 s25, v3  }
0x3e7: {  	v13 =	vadd.s32 s24, v0;
	v6 =	vld.idx.msk [tilespmem:v6+s11+$0x0], $0xffff  }
0x3e8: {  	v14 =	vadd.s32 s22, v3;
	(xrf1) =	vsort.dscd.msk.f32 $0xffff, v7, v0;
	v7 =	vld.idx.msk [tilespmem:v8+s11+$0x0], $0xffff  }
0x3e9: {  	s26 =	simm.s32 $0x145;
	v8 =	vld.idx.msk [tilespmem:v10+s11+$0x0], $0xffff;
	v10 =	vadd.s32 s22, v16;
	(xrf1) =	vsort.dscd.msk.f32 $0xffff, v4, v3  }
0x3ea: {  	v4 =	vld.idx.msk [tilespmem:v11+s11+$0x0], $0xffff;
	v11 =	vadd.s32 s26, v0;
	(xrf1) =	vsort.dscd.msk.f32 $0xffff, v9, v0  }
0x3eb: {  	v9 =	vadd.s32 s23, v3;
	(xrf1) =	vsort.ascd.msk.f32 $0xffff, v5, v17;
	v5 =	vld.idx.msk [tilespmem:v12+s11+$0x0], $0xffff  }
0x3ec: {  	v13 =	vld.idx.msk [tilespmem:v13+s11+$0x0], $0xffff;
	v12 =	vadd.s32 s26, v17;
	(xrf1) =	vsort.dscd.msk.f32 $0xffff, v6, v3  }
0x3ed: {  	v14 =	vld.idx.msk [tilespmem:v14+s11+$0x0], $0xffff;
	v6 =	vadd.s32 s26, v16;
	(xrf1) =	vsort.ascd.msk.f32 $0xffff, v7, v17  }
0x3ee: {  	v7 =	vadd.s32 s25, v17;
	v10 =	vld.idx.msk [tilespmem:v10+s11+$0x0], $0xffff;
	(xrf1) =	vsort.ascd.msk.f32 $0xffff, v8, v16  }
0x3ef: {  	v8 =	vld.idx.msk [tilespmem:v11+s11+$0x0], $0xffff;
	(xrf1) =	vsort.dscd.msk.f32 $0xffff, v4, v0  }
0x3f0: {  	v4 =	vld.idx.msk [tilespmem:v9+s11+$0x0], $0xffff;
	(xrf1) =	vsort.dscd.msk.f32 $0xffff, v5, v3  }
0x3f1: {  	v5 =	vld.idx.msk [tilespmem:v12+s11+$0x0], $0xffff;
	(xrf1) =	vsort.dscd.msk.f32 $0xffff, v13, v0  }
0x3f2: {  	v9 =	vadd.s32 s25, v16;
	v6 =	vld.idx.msk [tilespmem:v6+s11+$0x0], $0xffff;
	(xrf1) =	vsort.dscd.msk.f32 $0xffff, v14, v3  }
0x3f3: {  	v11 =	vadd.s32 s25, v0;
	v7 =	vld.idx.msk [tilespmem:v7+s11+$0x0], $0xffff;
	(xrf1) =	vsort.ascd.msk.f32 $0xffff, v10, v16  }
0x3f4: {  	v10 =	vadd.s32 s26, v3;
	(xrf1) =	vsort.dscd.msk.f32 $0xffff, v8, v0  }
0x3f5: {  	v8 =	vadd.s32 s23, v17;
	(xrf1) =	vsort.dscd.msk.f32 $0xffff, v4, v3  }
0x3f6: {  	s28 =	simm.s32 $0x82;
	v12 =	vadd.s32 s24, v16;
	v19, v21, _ =	vpop (xrf1);
	(xrf1) =	vsort.ascd.msk.f32 $0xffff, v5, v17  }
0x3f7: {  	v15 =	vadd.s32 s28, v0;
	v9 =	vld.idx.msk [tilespmem:v9+s11+$0x0], $0xffff;
	v2, v1, _ =	vpop (xrf1);
	(xrf1) =	vsort.ascd.msk.f32 $0xffff, v6, v16  }
0x3f8: {  	v11 =	vld.idx.msk [tilespmem:v11+s11+$0x0], $0xffff;
	v6 =	vadd.s32 s28, v3;
	v61, v62, _ =	vpop (xrf1);
	(xrf1) =	vsort.ascd.msk.f32 $0xffff, v7, v17  }
0x3f9: {  	v20 =	vadd.s32 s28, v17;
	v10 =	vld.idx.msk [tilespmem:v10+s11+$0x0], $0xffff;
	v22, v29, _ =	vpop (xrf1)  }
0x3fa: {  	v23 =	vadd.s32 s1, v3;
	v8 =	vld.idx.msk [tilespmem:v8+s11+$0x0], $0xffff;
	v24, v25, _ =	vpop (xrf1)  }
0x3fb: {  	v26 =	vadd.s32 s0, v0;
	v12 =	vld.idx.msk [tilespmem:v12+s11+$0x0], $0xffff;
	v27, v28, _ =	vpop (xrf1)  }
0x3fc: {  	v15 =	vld.idx.msk [tilespmem:v15+s11+$0x0], $0xffff;
	(xrf1) =	vsort.ascd.msk.f32 $0xffff, v9, v16;
	v30, v42, _ =	vpop (xrf1)  }
0x3fd: {  	v9 =	vld.idx.msk [tilespmem:v6+s11+$0x0], $0xffff;
	(xrf1) =	vsort.dscd.msk.f32 $0xffff, v11, v0;
	v44, v43, _ =	vpop (xrf1)  }
0x3fe: {  	v20 =	vld.idx.msk [tilespmem:v20+s11+$0x0], $0xffff;
	(xrf1) =	vsort.dscd.msk.f32 $0xffff, v10, v3;
	v10, v11, _ =	vpop (xrf1)  }
0x3ff: {  	v23 =	vld.idx.msk [tilespmem:v23+s11+$0x0], $0xffff;
	(xrf1) =	vsort.ascd.msk.f32 $0xffff, v8, v17;
	v45, v46, _ =	vpop (xrf1)  }
0x400: {  	v26 =	vld.idx.msk [tilespmem:v26+s11+$0x0], $0xffff;
	(xrf1) =	vsort.ascd.msk.f32 $0xffff, v12, v16;
	v47, v4, _ =	vpop (xrf1)  }
0x401: {  	v31 =	vadd.s32 s0, v16;
	(xrf1) =	vsort.dscd.msk.f32 $0xffff, v15, v0;
	v12, v5, _ =	vpop (xrf1)  }
0x402: {  	v8 =	vadd.s32 s1, v17;
	(xrf1) =	vsort.dscd.msk.f32 $0xffff, v9, v3;
	v6, v7, _ =	vpop (xrf1)  }
0x403: {  	(xrf1) =	vsort.ascd.msk.f32 $0xffff, v20, v17;
	v9, v13, _ =	vpop (xrf1)  }
0x404: {  	v15 =	vadd.s32 s28, v16;
	v14, v18, _ =	vpop (xrf1);
	(xrf1) =	vsort.dscd.msk.f32 $0xffff, v23, v3  }
0x405: {  	v23 =	vsel vm0, v47, v27;
	(xrf1) =	vsort.dscd.msk.f32 $0xffff, v26, v0;
	v26, v27, _ =	vpop (xrf1)  }
0x406: {  	v31 =	vld.idx.msk [tilespmem:v31+s11+$0x0], $0xffff;
	v12 =	vsel vm0, v19, v12;
	v5 =	vsel vm0, v21, v5;
	v19, v21, _ =	vpop (xrf1)  }
0x407: {  	v4 =	vsel vm0, v4, v28;
	v20 =	vadd.s32 s0, v17;
	v8 =	vld.idx.msk [tilespmem:v8+s11+$0x0], $0xffff;
	v11 =	vsel vm0, v11, v21  }
0x408: {  	(xrf1) =	vsort.ascd.msk.f32 $0xffff, v23, v4;
	v10 =	vsel vm0, v10, v19  }
0x409: {  	v28 =	vadd.s32 s1, v16;
	v4 =	vld.idx.msk [tilespmem:v15+s11+$0x0], $0xffff;
	v7 =	vsel vm0, v7, v27;
	(xrf1) =	vsort.dscd.msk.f32 $0xffff, v12, v5  }
0x40a: {  	v6 =	vsel vm0, v6, v26;
	(xrf1) =	vsort.ascd.msk.f32 $0xffff, v10, v11  }
0x40b: {  	(xrf1) =	vsort.ascd.msk.f32 $0xffff, v31, v16;
	v10, v11, _ =	vpop (xrf1)  }
0x40c: {  	s29 =	simm.s32 $0x3CF;
	v5 =	vld.idx.msk [tilespmem:v20+s11+$0x0], $0xffff;
	(xrf1) =	vsort.ascd.msk.f32 $0xffff, v8, v17;
	v15, v19, _ =	vpop (xrf1)  }
0x40d: {  	v8 =	vadd.s32 s29, v0;
	(xrf1) =	vsort.dscd.msk.f32 $0xffff, v6, v7;
	v6, v7, _ =	vpop (xrf1)  }
0x40e: {  	s0 =	simm.s32 $0x208;
	v12 =	vld.idx.msk [tilespmem:v28+s11+$0x0], $0xffff;
	v20 =	vsel vm0, v25, v29;
	(xrf1) =	vsort.ascd.msk.f32 $0xffff, v4, v16;
	v4 =	vsel vm0, v24, v22;
	v21, v22, _ =	vpop (xrf1)  }
0x40f: {  	v23 =	vadd.s32 s0, v3;
	(xrf1) =	vsort.ascd.msk.f32 $0xffff, v4, v20;
	v4 =	vsel vm0, v9, v21;
	v9 =	vsel vm0, v13, v22  }
0x410: {  	s30 =	simm.s32 $0x30C  }
0x411: {  	(xrf1) =	vsort.ascd.msk.f32 $0xffff, v5, v17;
	v13 =	vadd.s32 s30, v0;
	v20, v21, _ =	vpop (xrf1)  }
0x412: {  	s31 =	simm.s32 $0x2CB;
	v11 =	vsel vm0, v19, v11;
	v8 =	vld.idx.msk [tilespmem:v8+s11+$0x0], $0xffff;
	v5, v22, _ =	vpop (xrf1);
	(xrf1) =	vsort.ascd.msk.f32 $0xffff, v4, v9  }
0x413: {  	v24 =	vadd.s32 s31, v17;
	v4 =	vsel vm0, v6, v14;
	v6 =	vsel vm0, v7, v18;
	v7, v9, _ =	vpop (xrf1);
	(xrf1) =	vsort.ascd.msk.f32 $0xffff, v12, v16  }
0x414: {  	v23 =	vld.idx.msk [tilespmem:v23+s11+$0x0], $0xffff;
	v10 =	vsel vm0, v15, v10;
	v14, v15, _ =	vpop (xrf1);
	(xrf1) =	vsort.ascd.msk.f32 $0xffff, v4, v6;
	v6 =	vsel vm0, v62, v42  }
0x415: {  	v12 =	vadd.s32 s31, v3;
	v4 =	vsel vm0, v61, v30;
	v18, v19, _ =	vpop (xrf1);
	(xrf1) =	vsort.dscd.msk.f32 $0xffff, v10, v11;
	v9 =	vsel vm0, v9, v15  }
0x416: {  	v21 =	vsel vm0, v46, v21;
	v10 =	vld.idx.msk [tilespmem:v13+s11+$0x0], $0xffff;
	v11, v13, _ =	vpop (xrf1);
	(xrf1) =	vsort.dscd.msk.f32 $0xffff, v4, v6;
	v4 =	vsel vm0, v7, v14  }
0x417: {  	v6, v7, _ =	vpop (xrf1);
	(xrf1) =	vsort.dscd.msk.f32 $0xffff, v8, v0;
	v8 =	vsel vm0, v45, v20  }
0x418: {  	v14 =	vld.idx.msk [tilespmem:v24+s11+$0x0], $0xffff;
	v15, v20, _ =	vpop (xrf1)  }
0x419: {  	(xrf1) =	vsort.ascd.msk.f32 $0xffff, v4, v9;
	v4, v9, _ =	vpop (xrf1)  }
0x41a: {  	v25 =	vadd.s32 s29, v17;
	v12 =	vld.idx.msk [tilespmem:v12+s11+$0x0], $0xffff;
	(xrf1) =	vsort.dscd.msk.f32 $0xffff, v8, v21;
	v8, v21, _ =	vpop (xrf1)  }
0x41b: {  	(xrf1) =	vsort.dscd.msk.f32 $0xffff, v23, v3;
	v26, v27, _ =	vpop (xrf1)  }
0x41c: {  	s1 =	simm.s32 $0x249;
	v23 =	vadd.s32 s30, v16;
	(xrf1) =	vsort.dscd.msk.f32 $0xffff, v10, v0  }
0x41d: {  	v24 =	vadd.s32 s1, v0;
	v10 =	vsel vm0, v18, v26;
	(xrf1) =	vsort.ascd.msk.f32 $0xffff, v14, v17;
	v14 =	vsel vm0, v19, v27;
	v18, v26, _ =	vpop (xrf1)  }
0x41e: {  	v6 =	vsel vm0, v15, v6;
	(xrf1) =	vsort.ascd.msk.f32 $0xffff, v10, v14;
	v19, v27, _ =	vpop (xrf1)  }
0x41f: {  	s5 =	simm.s32 $0x38E;
	v25 =	vld.idx.msk [tilespmem:v25+s11+$0x0], $0xffff;
	v8 =	vsel vm0, v11, v8;
	v10 =	vsel vm0, v13, v21;
	(xrf1) =	vsort.dscd.msk.f32 $0xffff, v12, v3;
	v31, v30, _ =	vpop (xrf1)  }
0x420: {  	v7 =	vsel vm0, v20, v7;
	v11 =	vadd.s32 s31, v0;
	v13 =	vadd.s32 s5, v3;
	(xrf1) =	vsort.dscd.msk.f32 $0xffff, v8, v10;
	v14, v15, _ =	vpop (xrf1)  }
0x421: {  	v8 =	vld.idx.msk [tilespmem:v23+s11+$0x0], $0xffff;
	(xrf1) =	vsort.dscd.msk.f32 $0xffff, v6, v7;
	v23, v28, _ =	vpop (xrf1);
	v7 =	vsel vm0, v2, v14;
	v14 =	vsel vm0, v1, v15  }
0x422: {  	v6 =	vld.idx.msk [tilespmem:v24+s11+$0x0], $0xffff;
	v15, v24, _ =	vpop (xrf1)  }
0x423: {  	v20 =	vadd.s32 s29, v3;
	v15 =	vsel vm0, v44, v15  }
0x424: {  	(xrf1) =	vsort.ascd.msk.f32 $0xffff, v25, v17  }
0x425: {  	v10 =	vadd.s32 s29, v16;
	v11 =	vld.idx.msk [tilespmem:v11+s11+$0x0], $0xffff;
	(xrf1) =	vsort.ascd.msk.f32 $0xffff, v7, v14;
	v24 =	vsel vm0, v43, v24;
	v7, v14, _ =	vpop (xrf1)  }
0x426: {  	s21 =	simm.s32 $0x34D;
	v5 =	vsel vm0, v5, v19;
	v19 =	vsel vm0, v22, v27;
	v13 =	vld.idx.msk [tilespmem:v13+s11+$0x0], $0xffff;
	(xrf1) =	vsort.dscd.msk.f32 $0xffff, v15, v24;
	v15, v22, _ =	vpop (xrf1)  }
0x427: {  	v25 =	vadd.s32 s21, v0;
	(xrf1) =	vsort.dscd.msk.f32 $0xffff, v5, v19;
	v4 =	vsel vm0, v15, v4;
	v9 =	vsel vm0, v22, v9  }
0x428: {  	s22 =	sadd.s32 $0xFFFFFFF8, s16;
	v19 =	vld.idx.msk [tilespmem:v20+s11+$0x0], $0xffff;
	v15 =	vadd.s32 s30, v3;
	v20, v22, _ =	vpop (xrf1);
	(xrf1) =	vsort.dscd.msk.f32 $0xffff, v4, v9  }
0x429: {  	s23 =	sadd.s32 $0xF, s22;
	v9 =	vadd.s32 s21, v17;
	v2, v1, _ =	vpop (xrf1);
	(xrf1) =	vsort.ascd.msk.f32 $0xffff, v8, v16  }
0x42a: {  	v51 =	vadd.s32 s21, v16;
	v27 =	vadd.s32 s5, v17;
	v29 =	vld.idx.msk [tilespmem:v10+s11+$0x0], $0xffff;
	v10 =	vmov s23;
	v49, v48, _ =	vpop (xrf1);
	(xrf1) =	vsort.dscd.msk.f32 $0xffff, v6, v0  }
0x42b: {  	v52, v21, _ =	vpop (xrf1);
	(xrf1) =	vsort.dscd.msk.f32 $0xffff, v13, v3;
	v13 =	vsel vm0, v18, v7;
	v18 =	vsel vm0, v22, v28;
	v22 =	vshll.u32 v10, $0x3  }
0x42c: {  	v25 =	vld.idx.msk [tilespmem:v25+s11+$0x0], $0xffff;
	v14 =	vsel vm0, v26, v14;
	v4 =	vand.u32 $0x7F, v10;
	v7, v6, _ =	vpop (xrf1);
	(xrf1) =	vsort.dscd.msk.f32 $0xffff, v11, v0;
	v22 =	vand.u32 $0x1C00, v22  }
0x42d: {  	v15 =	vld.idx.msk [tilespmem:v15+s11+$0x0], $0xffff;
	v53, v54, _ =	vpop (xrf1);
	(xrf1) =	vsort.dscd.msk.f32 $0xffff, v19, v3;
	v19 =	vsel vm0, v20, v23;
	v4 =	vor.u32 v22, v4  }
0x42e: {  	v12 =	vld.idx.msk [tilespmem:v9+s11+$0x0], $0xffff;
	v11, v10, _ =	vpop (xrf1);
	(xrf1) =	vsort.dscd.msk.f32 $0xffff, v19, v18;
	v9 =	vor.u32 v63, v4  }
0x42f: {  	s24 =	sadd.s32 $0xE, s22;
	v24 =	vadd.s32 s5, v16;
	v55, v28, _ =	vpop (xrf1);
	(xrf1) =	vsort.dscd.msk.f32 $0xffff, v13, v14  }
0x430: {  	v50 =	vadd.s32 s21, v3;
	s28 =	sadd.s32 $0xD, s22;
	v23 =	vadd.s32 s5, v0;
	v19 =	vmov s24;
	v14, v13, _ =	vpop (xrf1);
	(xrf1) =	vsort.ascd.msk.f32 $0xffff, v29, v16  }
0x431: {  	v35 =	vadd.s32 s31, v16;
	s26 =	sadd.s32 $0xB, s22;
	v58 =	vmov s28;
	v27 =	vld.idx.msk [tilespmem:v27+s11+$0x0], $0xffff;
	v4 =	vshll.u32 v19, $0x3;
	v56, v57, _ =	vpop (xrf1);
	(xrf1) =	vsort.dscd.msk.f32 $0xffff, v25, v0  }
0x432: {  	v19 =	vand.u32 $0x7E, v19;
	v4 =	vand.u32 $0x1C00, v4;
	v29 =	vmov s26;
	v25 =	vld.idx.msk [tilespmem:v51+s11+$0x0], $0xffff;
	(xrf1) =	vsort.dscd.msk.f32 $0xffff, v15, v3;
	v15, v8, _ =	vpop (xrf1)  }
0x433: {  	v21 =	vsel vm0, v21, v30;
	v5 =	vor.u32 v4, v19;
	v19 =	vshll.u32 v29, $0x3;
	[tilespmem:v9+s12+$0x0] =	vst.idx.msk $0xff, v15  }
0x434: {  	s25 =	sadd.s32 $0xC, s22;
	v33 =	vand.u32 $0x7D, v58;
	v24 =	vld.idx.msk [tilespmem:v24+s11+$0x0], $0xffff;
	v20 =	vadd.s32 s30, v17;
	[tilespmem:v9+s13+$0x0] =	vst.idx.msk $0xff, v8;
	v9 =	vand.u32 $0x1C00, v19  }
0x435: {  	s29 =	simm.s32 $0x28A;
	v26 =	vmov s25;
	v34 =	vsel vm0, v52, v31;
	v23 =	vld.idx.msk [tilespmem:v23+s11+$0x0], $0xffff;
	(xrf1) =	vsort.ascd.msk.f32 $0xffff, v12, v17;
	v60, v59, _ =	vpop (xrf1);
	v8 =	vand.u32 $0x7B, v29  }
0x436: {  	v47 =	vadd.s32 s29, v17;
	v4 =	vshll.u32 v26, $0x3;
	v26 =	vand.u32 $0x7C, v26;
	v22, v30, _ =	vpop (xrf1);
	(xrf1) =	vsort.dscd.msk.f32 $0xffff, v34, v21  }
0x437: {  	v32 =	vld.idx.msk [tilespmem:v50+s11+$0x0], $0xffff;
	v18 =	vor.u32 v63, v5;
	v4 =	vand.u32 $0x1C00, v4;
	v15 =	vshll.u32 v58, $0x3;
	v19, v21, _ =	vpop (xrf1);
	(xrf1) =	vsort.ascd.msk.f32 $0xffff, v25, v16  }
0x438: {  	v12 =	vor.u32 v4, v26;
	v15 =	vand.u32 $0x1C00, v15;
	v61 =	vor.u32 v9, v8;
	v8, v9, _ =	vpop (xrf1);
	(xrf1) =	vsort.ascd.msk.f32 $0xffff, v27, v17  }
0x439: {  	s30 =	sadd.s32 $0x9, s22;
	v4 =	vld.idx.msk [tilespmem:v20+s11+$0x0], $0xffff;
	v26 =	vadd.s32 s1, v3;
	v29 =	vadd.s32 s29, v3;
	v31 =	vor.u32 v15, v33;
	(xrf1) =	vsort.ascd.msk.f32 $0xffff, v24, v16  }
0x43a: {  	v25 =	vadd.s32 s29, v0;
	v62 =	vsel vm0, v8, v49;
	v8, v27, _ =	vpop (xrf1);
	(xrf1) =	vsort.dscd.msk.f32 $0xffff, v23, v0;
	v23 =	vmov s30  }
0x43b: {  	v15 =	vsel vm0, v19, v55;
	v5 =	vsel vm0, v21, v28;
	v24, v20, _ =	vpop (xrf1);
	v21 =	vshll.u32 v23, $0x3  }
0x43c: {  	v12 =	vor.u32 v63, v12;
	v46 =	vsel vm0, v9, v48;
	[tilespmem:v18+s12+$0x0] =	vst.idx.msk $0xff, v8;
	v9, v8, _ =	vpop (xrf1);
	v23 =	vand.u32 $0x79, v23  }
0x43d: {  	v22 =	vsel vm0, v56, v22;
	v30 =	vsel vm0, v57, v30;
	v28 =	vld.idx.msk [tilespmem:v35+s11+$0x0], $0xffff;
	(xrf1) =	vsort.dscd.msk.f32 $0xffff, v32, v3;
	v50, v49, _ =	vpop (xrf1)  }
0x43e: {  	v48 =	vld.idx.msk [tilespmem:v29+s11+$0x0], $0xffff;
	[tilespmem:v18+s13+$0x0] =	vst.idx.msk $0xff, v27;
	(xrf1) =	vsort.ascd.msk.f32 $0xffff, v4, v17;
	v4 =	vand.u32 $0x1C00, v21;
	v21, v18, _ =	vpop (xrf1)  }
0x43f: {  	s31 =	sadd.s32 $0x8, s22;
	v19 =	vsel vm0, v53, v24;
	v29 =	vld.idx.msk [tilespmem:v25+s11+$0x0], $0xffff;
	v27 =	vor.u32 v63, v31;
	(xrf1) =	vsort.dscd.msk.f32 $0xffff, v15, v5;
	v5, v15, _ =	vpop (xrf1)  }
0x440: {  	v26 =	vld.idx.msk [tilespmem:v26+s11+$0x0], $0xffff;
	v24 =	vadd.s32 s0, v0;
	v51 =	vor.u32 v4, v23;
	(xrf1) =	vsort.dscd.msk.f32 $0xffff, v22, v30;
	v30 =	vmov s31;
	v22, v23, _ =	vpop (xrf1)  }
0x441: {  	v32 =	vld.idx.msk [tilespmem:v47+s11+$0x0], $0xffff;
	v41 =	vsel vm0, v5, v60;
	(xrf1) =	vsort.dscd.msk.f32 $0xffff, v62, v46;
	v4 =	vshll.u32 v30, $0x3;
	v33, v34, _ =	vpop (xrf1)  }
0x442: {  	v5 =	vor.u32 v63, v61;
	[tilespmem:v12+s12+$0x0] =	vst.idx.msk $0xff, v22;
	(xrf1) =	vsort.ascd.msk.f32 $0xffff, v28, v16;
	v4 =	vand.u32 $0x1C00, v4;
	v22, v28, _ =	vpop (xrf1)  }
0x443: {  	v25 =	vadd.s32 s0, v16;
	[tilespmem:v12+s13+$0x0] =	vst.idx.msk $0xff, v23;
	v12, v53, _ =	vpop (xrf1)  }
0x444: {  	v31 =	vadd.s32 s1, v17;
	v30 =	vand.u32 $0x78, v30;
	(xrf1) =	vsort.dscd.msk.f32 $0xffff, v29, v0;
	[tilespmem:v27+s12+$0x0] =	vst.idx.msk $0xff, v33;
	v56, v55, _ =	vpop (xrf1)  }
0x445: {  	v24 =	vld.idx.msk [tilespmem:v24+s11+$0x0], $0xffff;
	v57 =	vsel vm0, v2, v22;
	(xrf1) =	vsort.dscd.msk.f32 $0xffff, v48, v3;
	[tilespmem:v27+s13+$0x0] =	vst.idx.msk $0xff, v34;
	v27, v2, _ =	vpop (xrf1)  }
0x446: {  	s8 =	sadd.s32 $0xA, s22;
	v20 =	vsel vm0, v54, v20;
	v54 =	vor.u32 v4, v30;
	(xrf1) =	vsort.ascd.msk.f32 $0xffff, v32, v17;
	v58, v4, _ =	vpop (xrf1)  }
0x447: {  	v30 =	vmov s8;
	(xrf1) =	vsort.dscd.msk.f32 $0xffff, v26, v3;
	[tilespmem:v5+s12+$0x0] =	vst.idx.msk $0xff, v58;
	v26, v29, _ =	vpop (xrf1)  }
0x448: {  	v52 =	vsel vm0, v15, v59;
	v22 =	vshll.u32 v30, $0x3;
	v30 =	vand.u32 $0x7A, v30;
	[tilespmem:v5+s13+$0x0] =	vst.idx.msk $0xff, v4;
	v4, v5, _ =	vpop (xrf1)  }
0x449: {  	v15 =	vadd.s32 s29, v16;
	v23 =	vld.idx.msk [tilespmem:v25+s11+$0x0], $0xffff;
	v28 =	vsel vm0, v1, v28;
	v5 =	vsel vm0, v49, v5  }
0x44a: {  	v25 =	vld.idx.msk [tilespmem:v31+s11+$0x0], $0xffff;
	v22 =	vand.u32 $0x1C00, v22;
	(xrf1) =	vsort.dscd.msk.f32 $0xffff, v24, v0;
	v4 =	vsel vm0, v50, v4  }
0x44b: {  	v59 =	vor.u32 v22, v30;
	v22 =	vor.u32 v63, v51;
	v24 =	vadd.s32 s1, v16;
	(xrf1) =	vsort.ascd.msk.f32 $0xffff, v41, v52;
	v30, v31, _ =	vpop (xrf1)  }
0x44c: {  	v1 =	vadd.s32 s0, v17;
	(xrf1) =	vsort.dscd.msk.f32 $0xffff, v57, v28;
	v61 =	vsel vm0, v12, v26;
	v62 =	vsel vm0, v53, v29;
	v28, v60, _ =	vpop (xrf1)  }
0x44d: {  	(xrf1) =	vsort.ascd.msk.f32 $0xffff, v4, v5;
	v29 =	vsel vm0, v28, v30;
	v30 =	vsel vm0, v60, v31;
	v4, v5, _ =	vpop (xrf1)  }
0x44e: {  	(xrf1) =	vsort.ascd.msk.f32 $0xffff, v23, v16;
	v23 =	vld.idx.msk [tilespmem:v15+s11+$0x0], $0xffff;
	v31 =	vsel vm0, v4, v27;
	v27 =	vor.u32 v63, v54  }
0x44f: {  	v26 =	vor.u32 v63, v59;
	(xrf1) =	vsort.ascd.msk.f32 $0xffff, v25, v17;
	v32 =	vsel vm0, v5, v2;
	v4, v5, _ =	vpop (xrf1)  }
0x450: {  	v12 =	vld.idx.msk [tilespmem:v24+s11+$0x0], $0xffff;
	(xrf1) =	vsort.dscd.msk.f32 $0xffff, v61, v62;
	v33 =	vsel vm0, v56, v4;
	v4, v25, _ =	vpop (xrf1)  }
0x451: {  	s19 =	simm.s32 $0x8;
	s18 =	simm.s32 $0x0;
	s20 =	simm.s32 $0x5D7;
	v28 =	vld.idx.msk [tilespmem:v1+s11+$0x0], $0xffff;
	v34 =	vsel vm0, v55, v5;
	v5 =	vmov v16;
	[tilespmem:v22+s12+$0x0] =	vst.idx.msk $0xff, v4;
	v24, v15, _ =	vpop (xrf1);
	v4 =	vmov v17  }
.LBB2_5:
0x452: {  	s1 =	sadd.s32 $0xFFFFFE39, s20  }
0x453: {  	s9 =	sadd.s32 $0xFFFFFF3D, s20;
	v35 =	vadd.s32 s20, v0;
	(xrf1) =	vsort.ascd.msk.f32 $0xffff, v23, v5;
	[tilespmem:v27+s12+$0x0] =	vst.idx.msk $0xff, v24;
	v23, v36, _ =	vpop (xrf1);
	s0 =	smov.u32 s19;
	s19 =	sadd.s32 $0x8, s19  }
0x454: {  	s23 =	sadd.s32 $0xFFFFFEFC, s20;
	s8 =	sadd.s32 $0xFFFFFF7E, s20;
	v11 =	vsel vm0, v14, v11;
	v37 =	vadd.s32 s9, v0;
	p0 =	slt.u32 s19, $0xF8;
	v14, v38, _ =	vpop (xrf1);
	[tilespmem:v26+s12+$0x0] =	vst.idx.msk $0xff, v23  }
0x455: {  	v10 =	vsel vm0, v13, v10;
	v24 =	vadd.s32 s1, v16;
	v23 =	vadd.s32 s9, v16;
	v39, v40, _ =	vpop (xrf1);
	[tilespmem:v27+s13+$0x0] =	vst.idx.msk $0xff, v15  }
0x456: {  	v13 =	vadd.s32 s1, v3;
	v27 =	vadd.s32 s23, v3;
	v41, v42, _ =	vpop (xrf1);
	[tilespmem:v26+s13+$0x0] =	vst.idx.msk $0xff, v36  }
0x457: {  	s21 =	sadd.s32 $0xFFFFFE7A, s20;
	v15 =	vadd.s32 s1, v17;
	v26 =	vadd.s32 s23, v0;
	v36 =	vadd.s32 s23, v17;
	v43, v44, _ =	vpop (xrf1);
	(xrf1) =	vsort.ascd.msk.f32 $0xffff, v11, v10  }
0x458: {  	s22 =	sadd.s32 $0xFFFFFFBF, s20;
	v45 =	vadd.s32 s21, v16;
	v11 =	vadd.s32 s21, v0;
	v35 =	vld.idx.msk [tilespmem:v35+s11+$0x0], $0xffff;
	(xrf1) =	vsort.ascd.msk.f32 $0xffff, v28, v4;
	v4, v28, _ =	vpop (xrf1);
	[tilespmem:v22+s13+$0x0] =	vst.idx.msk $0xff, v25  }
0x459: {  	v14 =	vsel vm0, v21, v14;
	v10 =	vadd.s32 s21, v17;
	v22 =	vld.idx.msk [tilespmem:v37+s11+$0x0], $0xffff;
	v37 =	vadd.s32 s8, v17;
	v25, v46, _ =	vpop (xrf1);
	(xrf1) =	vsort.ascd.msk.f32 $0xffff, v33, v34  }
0x45a: {  	v41 =	vsel vm0, v41, v43;
	v34 =	vadd.s32 s20, v17;
	v33 =	vld.idx.msk [tilespmem:v23+s11+$0x0], $0xffff;
	v23 =	vadd.s32 s22, v16;
	(xrf1) =	vsort.ascd.msk.f32 $0xffff, v12, v5  }
0x45b: {  	s24 =	sadd.s32 $0xFFFFFEBB, s20;
	v47 =	vadd.s32 s9, v3;
	v48 =	vadd.s32 s22, v17;
	v43 =	vadd.s32 s23, v16;
	v5 =	vld.idx.msk [tilespmem:v13+s11+$0x0], $0xffff;
	(xrf1) =	vsort.ascd.msk.f32 $0xffff, v31, v32;
	v31, v32, _ =	vpop (xrf1)  }
0x45c: {  	v49 =	vadd.s32 s24, v16;
	v13 =	vadd.s32 s24, v0;
	v50 =	vld.idx.msk [tilespmem:v26+s11+$0x0], $0xffff;
	v26 =	vadd.s32 s20, v16;
	(xrf1) =	vsort.dscd.msk.f32 $0xffff, v29, v30;
	v29, v30, _ =	vpop (xrf1)  }
0x45d: {  	v51 =	vadd.s32 s24, v3;
	v21 =	vadd.s32 s8, v3;
	v12 =	vsel vm0, v42, v44;
	v36 =	vld.idx.msk [tilespmem:v36+s11+$0x0], $0xffff;
	(xrf1) =	vsort.dscd.msk.f32 $0xffff, v19, v20;
	v19, v42, _ =	vpop (xrf1)  }
0x45e: {  	v52 =	vadd.s32 s20, v3;
	v44 =	vadd.s32 s9, v17;
	v20 =	vadd.s32 s24, v17;
	v11 =	vld.idx.msk [tilespmem:v11+s11+$0x0], $0xffff;
	(xrf1) =	vsort.dscd.msk.f32 $0xffff, v35, v0;
	v35, v53, _ =	vpop (xrf1)  }
0x45f: {  	v1 =	vsel vm0, v18, v38;
	v38, v56, _ =	vpop (xrf1)  }
0x460: {  	v54 =	vadd.s32 s8, v16;
	v55 =	vadd.s32 s22, v0;
	v27 =	vld.idx.msk [tilespmem:v27+s11+$0x0], $0xffff;
	(xrf1) =	vsort.ascd.msk.f32 $0xffff, v41, v12  }
0x461: {  	v41 =	vadd.s32 s21, v3;
	v46 =	vsel vm0, v46, v53;
	v4 =	vsel vm0, v4, v38;
	(xrf1) =	vsort.dscd.msk.f32 $0xffff, v14, v1;
	v14, v38, _ =	vpop (xrf1)  }
0x462: {  	v29 =	vsel vm0, v29, v31;
	v53 =	vadd.s32 s22, v3;
	v12 =	vld.idx.msk [tilespmem:v45+s11+$0x0], $0xffff;
	v45 =	vadd.s32 s8, v0;
	(xrf1) =	vsort.dscd.msk.f32 $0xffff, v5, v3;
	v5, v18, _ =	vpop (xrf1)  }
0x463: {  	v31 =	vld.idx.msk [tilespmem:v34+s11+$0x0], $0xffff;
	(xrf1) =	vsort.dscd.msk.f32 $0xffff, v22, v0;
	v34 =	vsel vm0, v25, v35;
	v35 =	vsel vm0, v39, v5  }
0x464: {  	v1 =	vsel vm0, v28, v56;
	v28 =	vsel vm0, v30, v32;
	v39 =	vld.idx.msk [tilespmem:v52+s11+$0x0], $0xffff;
	(xrf1) =	vsort.ascd.msk.f32 $0xffff, v36, v17  }
0x465: {  	v25 =	vadd.s32 s1, v0;
	v5 =	vmovc v16;
	v22 =	vld.idx.msk [tilespmem:v43+s11+$0x0], $0xffff;
	(xrf1) =	vsort.ascd.msk.f32 $0xffff, v4, v1;
	v4 =	vmov v17  }
0x466: {  	v32 =	vld.idx.msk [tilespmem:v37+s11+$0x0], $0xffff;
	(xrf1) =	vsort.dscd.msk.f32 $0xffff, v27, v3;
	v27 =	vsel vm0, v40, v18;
	v36, v37, _ =	vpop (xrf1)  }
0x467: {  	v18 =	vld.idx.msk [tilespmem:v48+s11+$0x0], $0xffff;
	v1, v40, _ =	vpop (xrf1);
	(xrf1) =	vsort.dscd.msk.f32 $0xffff, v34, v46  }
0x468: {  	v34 =	vld.idx.msk [tilespmem:v26+s11+$0x0], $0xffff;
	v43 =	vsel vm0, v7, v1;
	v1 =	vsel vm0, v6, v40;
	v40, v30, _ =	vpop (xrf1);
	(xrf1) =	vsort.dscd.msk.f32 $0xffff, v29, v28  }
0x469: {  	v28 =	vld.idx.msk [tilespmem:v53+s11+$0x0], $0xffff;
	(xrf1) =	vsort.ascd.msk.f32 $0xffff, v31, v4;
	v26, v29, _ =	vpop (xrf1)  }
0x46a: {  	v31 =	vld.idx.msk [tilespmem:v45+s11+$0x0], $0xffff;
	v2 =	vsel vm0, v9, v26;
	v8 =	vsel vm0, v8, v29;
	(xrf1) =	vsort.ascd.msk.f32 $0xffff, v43, v1;
	v6, v7, _ =	vpop (xrf1)  }
0x46b: {  	v43 =	vld.idx.msk [tilespmem:v47+s11+$0x0], $0xffff;
	v45 =	vsel vm0, v14, v6;
	v38 =	vsel vm0, v38, v7;
	(xrf1) =	vsort.dscd.msk.f32 $0xffff, v2, v8;
	v6, v7, _ =	vpop (xrf1)  }
0x46c: {  	v8 =	vld.idx.msk [tilespmem:v23+s11+$0x0], $0xffff;
	v6 =	vsel vm0, v6, v19;
	v7 =	vsel vm0, v7, v42;
	(xrf1) =	vsort.dscd.msk.f32 $0xffff, v35, v27;
	v9, v14, _ =	vpop (xrf1)  }
0x46d: {  	s8 =	sadd.s32 s18, s16;
	s18 =	smov.u32 s0;
	v19 =	vld.idx.msk [tilespmem:v54+s11+$0x0], $0xffff;
	v27, v26, _ =	vpop (xrf1);
	v14 =	vsel vm0, v14, v30;
	(xrf1) =	vsort.dscd.msk.f32 $0xffff, v6, v7  }
0x46e: {  	s0 =	sadd.s32 $0xC, s8;
	s1 =	sadd.s32 $0xE, s8;
	s9 =	sadd.s32 $0xF, s8;
	v23 =	vld.idx.msk [tilespmem:v49+s11+$0x0], $0xffff;
	(xrf1) =	vsort.ascd.msk.f32 $0xffff, v33, v5;
	v33, v35, _ =	vpop (xrf1)  }
0x46f: {  	s21 =	sadd.s32 $0x9, s8;
	s22 =	sadd.s32 $0xB, s8;
	s23 =	sadd.s32 $0xD, s8;
	v46 =	vmov s9;
	v42 =	vld.idx.msk [tilespmem:v44+s11+$0x0], $0xffff;
	(xrf1) =	vsort.dscd.msk.f32 $0xffff, v11, v0;
	v44 =	vmov s0;
	v11 =	vmov s1;
	v47, v48, _ =	vpop (xrf1)  }
0x470: {  	s1 =	sadd.s32 $0x8, s8;
	s0 =	sadd.s32 $0xA, s8;
	v30 =	vld.idx.msk [tilespmem:v51+s11+$0x0], $0xffff;
	v7, v6, _ =	vpop (xrf1);
	(xrf1) =	vsort.dscd.msk.f32 $0xffff, v28, v3;
	v49 =	vand.u32 $0x7E, v11;
	v1 =	vshll.u32 v11, $0x3;
	v28 =	vshll.u32 v46, $0x3  }
0x471: {  	v46 =	vand.u32 $0x7F, v46;
	v29 =	vld.idx.msk [tilespmem:v41+s11+$0x0], $0xffff;
	(xrf1) =	vsort.dscd.msk.f32 $0xffff, v50, v0;
	v41, v50, _ =	vpop (xrf1);
	v1 =	vand.u32 $0x1C00, v1;
	v52 =	vand.u32 $0x1C00, v28  }
0x472: {  	v9 =	vsel vm0, v9, v40;
	v28 =	vld.idx.msk [tilespmem:v10+s11+$0x0], $0xffff;
	v11, v10, _ =	vpop (xrf1);
	(xrf1) =	vsort.dscd.msk.f32 $0xffff, v39, v3;
	v39 =	vmov s23;
	v40 =	vor.u32 v52, v46  }
0x473: {  	v52 =	vmov s22;
	v49 =	vor.u32 v1, v49;
	v46 =	vld.idx.msk [tilespmem:v13+s11+$0x0], $0xffff;
	v40 =	vor.u32 v63, v40;
	v51, v53, _ =	vpop (xrf1);
	(xrf1) =	vsort.dscd.msk.f32 $0xffff, v9, v14  }
0x474: {  	v1 =	vshll.u32 v44, $0x3;
	v9 =	vshll.u32 v52, $0x3;
	v2 =	vshll.u32 v39, $0x3;
	v54 =	vld.idx.msk [tilespmem:v55+s11+$0x0], $0xffff;
	v14, v13, _ =	vpop (xrf1);
	(xrf1) =	vsort.dscd.msk.f32 $0xffff, v45, v38  }
0x475: {  	v38 =	vand.u32 $0x1C00, v1;
	v59 =	vand.u32 $0x1C00, v2;
	v21 =	vld.idx.msk [tilespmem:v21+s11+$0x0], $0xffff;
	(xrf1) =	vsort.ascd.msk.f32 $0xffff, v34, v5;
	v34 =	vand.u32 $0x7C, v44;
	v45, v55, _ =	vpop (xrf1)  }
0x476: {  	v49 =	vor.u32 v63, v49;
	v2 =	vand.u32 $0x7B, v52;
	v24 =	vld.idx.msk [tilespmem:v24+s11+$0x0], $0xffff;
	(xrf1) =	vsort.dscd.msk.f32 $0xffff, v31, v0;
	v31 =	vmov s21;
	v56, v57, _ =	vpop (xrf1)  }
0x477: {  	v36 =	vsel vm0, v47, v36;
	v37 =	vsel vm0, v48, v37;
	v1 =	vand.u32 $0x7D, v39;
	(xrf1) =	vsort.dscd.msk.f32 $0xffff, v43, v3;
	v43, v58, _ =	vpop (xrf1)  }
0x478: {  	v9 =	vand.u32 $0x1C00, v9;
	(xrf1) =	vsort.ascd.msk.f32 $0xffff, v32, v4;
	v32 =	vor.u32 v59, v1;
	[tilespmem:v40+s12+$0x0] =	vst.idx.msk $0xff, v56;
	v39, v44, _ =	vpop (xrf1)  }
0x479: {  	v48 =	vor.u32 v9, v2;
	v47 =	vshll.u32 v31, $0x3;
	[tilespmem:v40+s13+$0x0] =	vst.idx.msk $0xff, v57;
	v40, v52, _ =	vpop (xrf1);
	(xrf1) =	vsort.dscd.msk.f32 $0xffff, v36, v37  }
0x47a: {  	v9 =	vor.u32 v38, v34;
	v36 =	vand.u32 $0x1C00, v47;
	v32 =	vor.u32 v63, v32;
	(xrf1) =	vsort.ascd.msk.f32 $0xffff, v19, v5;
	v19, v34, _ =	vpop (xrf1)  }
0x47b: {  	v37 =	vmov s1;
	(xrf1) =	vsort.ascd.msk.f32 $0xffff, v18, v4;
	v33 =	vsel vm0, v19, v33;
	v34 =	vsel vm0, v34, v35;
	v18, v35, _ =	vpop (xrf1)  }
0x47c: {  	v56 =	vor.u32 v63, v9;
	v47 =	vshll.u32 v37, $0x3;
	v19, v38, _ =	vpop (xrf1);
	(xrf1) =	vsort.ascd.msk.f32 $0xffff, v8, v5;
	[tilespmem:v49+s12+$0x0] =	vst.idx.msk $0xff, v18  }
0x47d: {  	v40 =	vsel vm0, v40, v51;
	v51 =	vsel vm0, v52, v53;
	v47 =	vand.u32 $0x1C00, v47;
	v9, v8, _ =	vpop (xrf1);
	(xrf1) =	vsort.dscd.msk.f32 $0xffff, v54, v0  }
0x47e: {  	v39 =	vsel vm0, v45, v39;
	v44 =	vsel vm0, v55, v44;
	v45 =	vmov s0;
	(xrf1) =	vsort.dscd.msk.f32 $0xffff, v21, v3;
	v52, v53, _ =	vpop (xrf1)  }
0x47f: {  	v31 =	vand.u32 $0x79, v31;
	v19 =	vsel vm0, v41, v19;
	v21, v18, _ =	vpop (xrf1);
	(xrf1) =	vsort.ascd.msk.f32 $0xffff, v42, v4;
	[tilespmem:v49+s13+$0x0] =	vst.idx.msk $0xff, v35  }
0x480: {  	v31 =	vor.u32 v36, v31;
	v35 =	vld.idx.msk [tilespmem:v20+s11+$0x0], $0xffff;
	v20 =	vsel vm0, v50, v38;
	v38, v41, _ =	vpop (xrf1);
	(xrf1) =	vsort.dscd.msk.f32 $0xffff, v40, v51  }
0x481: {  	v37 =	vand.u32 $0x78, v37;
	v36 =	vsel vm0, v38, v43;
	v38 =	vsel vm0, v41, v58;
	(xrf1) =	vsort.dscd.msk.f32 $0xffff, v39, v44;
	v39, v40, _ =	vpop (xrf1)  }
0x482: {  	v37 =	vor.u32 v47, v37;
	v25 =	vld.idx.msk [tilespmem:v25+s11+$0x0], $0xffff;
	[tilespmem:v56+s12+$0x0] =	vst.idx.msk $0xff, v39;
	(xrf1) =	vsort.dscd.msk.f32 $0xffff, v33, v34;
	v33, v34, _ =	vpop (xrf1)  }
0x483: {  	v42 =	vor.u32 v63, v48;
	v41 =	vshll.u32 v45, $0x3;
	(xrf1) =	vsort.ascd.msk.f32 $0xffff, v22, v5;
	v22, v39, _ =	vpop (xrf1);
	[tilespmem:v56+s13+$0x0] =	vst.idx.msk $0xff, v40  }
0x484: {  	v27 =	vsel vm0, v27, v22;
	(xrf1) =	vsort.dscd.msk.f32 $0xffff, v46, v0;
	v40, v43, _ =	vpop (xrf1);
	v22 =	vand.u32 $0x1C00, v41;
	[tilespmem:v32+s12+$0x0] =	vst.idx.msk $0xff, v33  }
0x485: {  	v26 =	vsel vm0, v26, v39;
	(xrf1) =	vsort.dscd.msk.f32 $0xffff, v30, v3;
	v33, v39, _ =	vpop (xrf1);
	v30 =	vand.u32 $0x7A, v45;
	[tilespmem:v32+s13+$0x0] =	vst.idx.msk $0xff, v34  }
0x486: {  	(xrf1) =	vsort.ascd.msk.f32 $0xffff, v35, v4;
	v32, v34, _ =	vpop (xrf1);
	v30 =	vor.u32 v22, v30  }
0x487: {  	(xrf1) =	vsort.dscd.msk.f32 $0xffff, v29, v3;
	v29, v35, _ =	vpop (xrf1)  }
0x488: {  	v22 =	vor.u32 v63, v31;
	(xrf1) =	vsort.dscd.msk.f32 $0xffff, v25, v0;
	v25, v41, _ =	vpop (xrf1);
	[tilespmem:v42+s12+$0x0] =	vst.idx.msk $0xff, v29  }
0x489: {  	v40 =	vsel vm0, v40, v25;
	v41 =	vsel vm0, v43, v41;
	v25, v29, _ =	vpop (xrf1);
	[tilespmem:v42+s13+$0x0] =	vst.idx.msk $0xff, v35  }
0x48a: {  	v2 =	vsel vm0, v52, v25;
	v31 =	vsel vm0, v53, v29;
	v29, v35, _ =	vpop (xrf1);
	(xrf1) =	vsort.ascd.msk.f32 $0xffff, v36, v38  }
.Ltmp1:
0x48b: {  	v1, v38, _ =	vpop (xrf1);
	(xrf1) =	vsort.dscd.msk.f32 $0xffff, v27, v26;
	v27 =	vor.u32 v63, v37;
	v26 =	vor.u32 v63, v30;
	(pc) =	sbr.rel @p0 .LBB2_5-.Ltmp1, $4  }
0x48c: {  	v29 =	vsel vm0, v1, v29;
	v30 =	vsel vm0, v38, v35;
	v35, v36, _ =	vpop (xrf1);
	(xrf1) =	vsort.ascd.msk.f32 $0xffff, v2, v31  }
0x48d: {  	v31 =	vsel vm0, v35, v32;
	v32 =	vsel vm0, v36, v34;
	(xrf1) =	vsort.ascd.msk.f32 $0xffff, v24, v5;
	v24, v25, _ =	vpop (xrf1)  }
0x48e: {  	v33 =	vsel vm0, v33, v24;
	v34 =	vsel vm0, v39, v25;
	(xrf1) =	vsort.ascd.msk.f32 $0xffff, v28, v4;
	v24, v25, _ =	vpop (xrf1)  }
0x48f: {  	s20 =	sadd.s32 $0x208, s20;
	v28 =	vld.idx.msk [tilespmem:v15+s11+$0x0], $0xffff;
	(xrf1) =	vsort.dscd.msk.f32 $0xffff, v40, v41;
	[tilespmem:v22+s12+$0x0] =	vst.idx.msk $0xff, v24;
	v24, v15, _ =	vpop (xrf1)  }
0x490: {  	v10 =	vsel vm0, v13, v10  }
0x491: {  	v3 =	vsel vm0, v14, v11;
	_ =	sdelay $0x1  }
0x492: {  	(xrf1) =	vsort.ascd.msk.f32 $0xffff, v23, v5;
	v11, v13, _ =	vpop (xrf1)  }
0x493: {  	(xrf1) =	vsort.ascd.msk.f32 $0xffff, v3, v10;
	v3, v10, _ =	vpop (xrf1)  }
0x494: {  	(xrf1) =	vsort.ascd.msk.f32 $0xffff, v28, v4;
	v59, v14, _ =	vpop (xrf1)  }
0x495: {  	(xrf1) =	vsort.ascd.msk.f32 $0xffff, v33, v34;
	v16, v17, _ =	vpop (xrf1)  }
0x496: {  	(xrf1) =	vsort.ascd.msk.f32 $0xffff, v12, v5;
	v5, v12, _ =	vpop (xrf1)  }
0x497: {  	v23, v28, _ =	vpop (xrf1)  }
0x498: {  	v33, v34, _ =	vpop (xrf1)  }
0x499: {  	v35, v36, _ =	vpop (xrf1)  }
0x49a: {  	(xrf1) =	vsort.ascd.msk.f32 $0xffff, v31, v32;
	v37, v38, _ =	vpop (xrf1)  }
0x49b: {  	(xrf1) =	vsort.dscd.msk.f32 $0xffff, v29, v30;
	v39, v40, _ =	vpop (xrf1)  }
0x49c: {  	v5 =	vsel vm0, v16, v5;
	v12 =	vsel vm0, v17, v12;
	(xrf1) =	vsort.dscd.msk.f32 $0xffff, v19, v20;
	v31, v32, _ =	vpop (xrf1)  }
0x49d: {  	v3 =	vsel vm0, v21, v3;
	v10 =	vsel vm0, v18, v10;
	(xrf1) =	vsort.ascd.msk.f32 $0xffff, v5, v12;
	v29, v30, _ =	vpop (xrf1)  }
0x49e: {  	(xrf1) =	vsort.dscd.msk.f32 $0xffff, v3, v10;
	v10 =	vsel vm0, v28, v30  }
0x49f: {  	v21 =	vsel vm0, v33, v31;
	v60, v61, _ =	vpop (xrf1);
	v3 =	vsel vm0, v23, v29  }
0x4a0: {  	v20 =	vsel vm0, v34, v32;
	v5, v12, _ =	vpop (xrf1)  }
0x4a1: {  	v41, v62, _ =	vpop (xrf1);
	(xrf1) =	vsort.ascd.msk.f32 $0xffff, v3, v10  }
0x4a2: {  	v23 =	vsel vm0, v37, v35;
	v28 =	vsel vm0, v38, v36;
	(xrf1) =	vsort.dscd.msk.f32 $0xffff, v21, v20;
	v3, v10, _ =	vpop (xrf1)  }
0x4a3: {  	v20, v21, _ =	vpop (xrf1);
	v3 =	vsel vm0, v7, v3;
	v6 =	vsel vm0, v6, v10;
	(xrf1) =	vsort.dscd.msk.f32 $0xffff, v23, v28  }
0x4a4: {  	v42, v10, _ =	vpop (xrf1);
	(xrf1) =	vsort.ascd.msk.f32 $0xffff, v3, v6  }
0x4a5: {  	v3 =	vsel vm0, v59, v5;
	v7 =	vsel vm0, v9, v42;
	v8 =	vsel vm0, v8, v10  }
0x4a6: {  	(xrf1) =	vsort.dscd.msk.f32 $0xffff, v7, v8  }
0x4a7: {  	v43 =	vsel vm0, v14, v12  }
0x4a8: {  	(xrf1) =	vsort.dscd.msk.f32 $0xffff, v3, v43;
	v3, v4, _ =	vpop (xrf1)  }
0x4a9: {  	v45, v44, _ =	vpop (xrf1)  }
0x4aa: {  	s0 =	sadd.s32 s18, s16;
	v6 =	vsel vm0, v44, v40  }
0x4ab: {  	s8 =	sadd.s32 $0xF, s0;
	v5 =	vsel vm0, v45, v39  }
0x4ac: {  	v10 =	vmov s8;
	v7, v8, _ =	vpop (xrf1)  }
0x4ad: {  	v7 =	vsel vm0, v7, v20;
	v20 =	vshll.u32 v10, $0x3  }
0x4ae: {  	s1 =	sadd.s32 $0xE, s0;
	v4 =	vsel vm0, v61, v4;
	(xrf1) =	vsort.dscd.msk.f32 $0xffff, v5, v6;
	v5, v6, _ =	vpop (xrf1)  }
0x4af: {  	[tilespmem:v27+s12+$0x0] =	vst.idx.msk $0xff, v24;
	s28 =	sadd.s32 $0xD, s0;
	v9 =	vmov s1;
	v3 =	vsel vm0, v60, v3;
	v12, v14, _ =	vpop (xrf1)  }
0x4b0: {  	[tilespmem:v26+s12+$0x0] =	vst.idx.msk $0xff, v11;
	v24 =	vmov s28;
	v47 =	vand.u32 $0x7E, v9;
	v8 =	vsel vm0, v8, v21;
	v21, v23, _ =	vpop (xrf1)  }
0x4b1: {  	s9 =	sadd.s32 $0xC, s0;
	v48 =	vshll.u32 v9, $0x3;
	v9 =	vand.u32 $0x1C00, v20;
	(xrf1) =	vsort.dscd.msk.f32 $0xffff, v7, v8;
	v8 =	vand.u32 $0x7F, v10;
	v10, v20, _ =	vpop (xrf1)  }
0x4b2: {  	v46 =	vmov s9;
	v52 =	vshll.u32 v24, $0x3;
	v7 =	vand.u32 $0x1C00, v48;
	(xrf1) =	vsort.dscd.msk.f32 $0xffff, v3, v4;
	v3, v4, _ =	vpop (xrf1)  }
0x4b3: {  	s29 =	sadd.s32 $0xB, s0;
	v11 =	vsel vm0, v12, v41;
	v12 =	vsel vm0, v14, v62;
	v8 =	vor.u32 v9, v8;
	v14, v49, _ =	vpop (xrf1)  }
0x4b4: {  	[tilespmem:v27+s13+$0x0] =	vst.idx.msk $0xff, v15;
	v9 =	vmov s29;
	v7 =	vor.u32 v7, v47;
	v8 =	vor.u32 v63, v8;
	v51, v28, _ =	vpop (xrf1)  }
0x4b5: {  	v50 =	vshll.u32 v9, $0x3;
	(xrf1) =	vsort.dscd.msk.f32 $0xffff, v11, v12;
	v12 =	vsel vm0, v51, v21;
	v15 =	vsel vm0, v28, v23  }
0x4b6: {  	v11 =	vshll.u32 v46, $0x3;
	v10 =	vsel vm0, v10, v14;
	v14 =	vsel vm0, v20, v49;
	(xrf1) =	vsort.dscd.msk.f32 $0xffff, v12, v15  }
0x4b7: {  	v54 =	vand.u32 $0x7B, v9;
	v12 =	vand.u32 $0x7C, v46;
	(xrf1) =	vsort.dscd.msk.f32 $0xffff, v10, v14;
	v10 =	vand.u32 $0x1C00, v11  }
0x4b8: {  	v11 =	vand.u32 $0x1C00, v52;
	v9 =	vor.u32 v10, v12;
	v10 =	vand.u32 $0x7D, v24  }
0x4b9: {  	[tilespmem:v22+s13+$0x0] =	vst.idx.msk $0xff, v25;
	v7 =	vor.u32 v63, v7;
	v21, v23, _ =	vpop (xrf1);
	v10 =	vor.u32 v11, v10  }
0x4ba: {  	s30 =	sadd.s32 $0x9, s0;
	s31 =	sadd.s32 $0x8, s0;
	[tilespmem:v26+s13+$0x0] =	vst.idx.msk $0xff, v13;
	v5 =	vsel vm0, v21, v5;
	v6 =	vsel vm0, v23, v6  }
0x4bb: {  	v53 =	vmov s30;
	(xrf1) =	vsort.dscd.msk.f32 $0xffff, v5, v6;
	v9 =	vor.u32 v63, v9;
	v11 =	vmov s31  }
0x4bc: {  	[tilespmem:v8+s12+$0x0] =	vst.idx.msk $0xff, v3;
	v3 =	vshll.u32 v53, $0x3;
	v12 =	vand.u32 $0x1C00, v50  }
0x4bd: {  	[tilespmem:v8+s13+$0x0] =	vst.idx.msk $0xff, v4;
	v6 =	vor.u32 v12, v54;
	v55 =	vor.u32 v63, v10;
	v12 =	vshll.u32 v11, $0x3;
	v8, v10, _ =	vpop (xrf1)  }
0x4be: {  	v3 =	vand.u32 $0x1C00, v3;
	[tilespmem:v7+s12+$0x0] =	vst.idx.msk $0xff, v8;
	v8 =	vand.u32 $0x1C00, v12  }
0x4bf: {  	v5 =	vand.u32 $0x79, v53;
	v56 =	vand.u32 $0x78, v11;
	v6 =	vor.u32 v63, v6;
	[tilespmem:v7+s13+$0x0] =	vst.idx.msk $0xff, v10;
	v10, v11, _ =	vpop (xrf1)  }
0x4c0: {  	s0 =	sadd.s32 $0xA, s0;
	v3 =	vor.u32 v3, v5;
	[tilespmem:v9+s12+$0x0] =	vst.idx.msk $0xff, v10  }
0x4c1: {  	v3 =	vor.u32 v63, v3;
	v12 =	vmov s0;
	v57 =	vor.u32 v8, v56;
	v8, v10, _ =	vpop (xrf1);
	[tilespmem:v9+s13+$0x0] =	vst.idx.msk $0xff, v11  }
0x4c2: {  	v58 =	vshll.u32 v12, $0x3;
	v5 =	vor.u32 v63, v57;
	[tilespmem:v55+s12+$0x0] =	vst.idx.msk $0xff, v8  }
0x4c3: {  	v7 =	vand.u32 $0x1C00, v58;
	v9 =	vand.u32 $0x7A, v12;
	[tilespmem:v55+s13+$0x0] =	vst.idx.msk $0xff, v10;
	v59, v8, _ =	vpop (xrf1)  }
0x4c4: {  	v7 =	vor.u32 v7, v9;
	[tilespmem:v6+s12+$0x0] =	vst.idx.msk $0xff, v59  }
0x4c5: {  	v7 =	vor.u32 v63, v7;
	v4, v60, _ =	vpop (xrf1);
	[tilespmem:v6+s13+$0x0] =	vst.idx.msk $0xff, v8  }
0x4c6: {  	[tilespmem:v3+s12+$0x0] =	vst.idx.msk $0xff, v4;
	v61, v8, _ =	vpop (xrf1)  }
0x4c7: {  	[tilespmem:v5+s12+$0x0] =	vst.idx.msk $0xff, v61  }
0x4c8: {  	[tilespmem:v3+s13+$0x0] =	vst.idx.msk $0xff, v60  }
0x4c9: {  	v62, v9, _ =	vpop (xrf1);
	[tilespmem:v5+s13+$0x0] =	vst.idx.msk $0xff, v8  }
0x4ca: {  	[tilespmem:v7+s12+$0x0] =	vst.idx.msk $0xff, v62  }
0x4cb: {  	[tilespmem:v7+s13+$0x0] =	vst.idx.msk $0xff, v9  }
0x4cc: {  	v27 =	vld [tilespmem:$0x1FEC0]  }
0x4cd: {  	v26 =	vld [tilespmem:$0x1FED0]  }
0x4ce: {  	v25 =	vld [tilespmem:$0x1FEE0]  }
0x4cf: {  	v24 =	vld [tilespmem:$0x1FEF0]  }
0x4d0: {  	v23 =	vld [tilespmem:$0x1FF00]  }
0x4d1: {  	v45 =	vld [tilespmem:$0x1FF10]  }
0x4d2: {  	v31 =	vld [tilespmem:$0x1FF20]  }
0x4d3: {  	v44 =	vld [tilespmem:$0x1FF30]  }
0x4d4: {  	v14 =	vld [tilespmem:$0x1FF40]  }
0x4d5: {  	v13 =	vld [tilespmem:$0x1FF50]  }
0x4d6: {  	v54 =	vld [tilespmem:$0x1FF60]  }
0x4d7: {  	v43 =	vld [tilespmem:$0x1FF70]  }
0x4d8: {  	v40 =	vld [tilespmem:$0x1FF80]  }
0x4d9: {  	s17 =	sadd.s32 $0x1, s17;
	v41 =	vld [tilespmem:$0x1FF90]  }
0x4da: {  	p0 =	sne.s32 s17, $0x4;
	v58 =	vld [tilespmem:$0x1FFA0]  }
.Ltmp2:
0x4db: {  	v60 =	vld [tilespmem:$0x1FFB0];
	(pc) =	sbr.rel @p0 .LBB2_2-.Ltmp2, $4  }
0x4dc: {  	v48 =	vld [tilespmem:$0x1FFC0]  }
0x4dd: {  	v42 =	vld [tilespmem:$0x1FFD0]  }
0x4de: {  	v61 =	vld [tilespmem:$0x1FFE0]  }
0x4df: {  	s16 =	sadd.s32 $0x100, s16;
	v11 =	vld [tilespmem:$0x1FFF0]  }
0x4e0: {  	s0 =	simm.s32 $0x0  }
0x4e1: {  	s1 =	sand.u32 $0x60, s0;
	s8 =	sand.u32 $0x1C00, s0  }
0x4e2: {  	s16 =	sor.u32 s1, s8  }
0x4e3: {  	v3 =	vld [tilespmem:s16+$0xC190]  }
0x4e4: {  	v4 =	vld [tilespmem:s16+$0xC210]  }
0x4e5: {  	v5 =	vld [tilespmem:s16+$0xC180]  }
0x4e6: {  	v6 =	vld [tilespmem:s16+$0xC290]  }
0x4e7: {  	v7 =	vld [tilespmem:s16+$0xC200]  }
0x4e8: {  	v8 =	vld [tilespmem:s16+$0xC310];
	v3 =	vmul.f32 $1.442695020e+00, v3  }
0x4e9: {  	v9 =	vld [tilespmem:s16+$0xC280]  }
0x4ea: {  	v4 =	vmul.f32 $1.442695020e+00, v4;
	(erf) = vpow2.f32 v3;
	v3 =	vld [tilespmem:s16+$0xC390]  }
0x4eb: {  	s19 =	sand.u32 $0x3, s0;
	v10 =	vld [tilespmem:s16+$0xC300];
	v5 =	vmul.f32 $1.442695020e+00, v5;
	v6 =	vmul.f32 $1.442695020e+00, v6  }
0x4ec: {  	s1 =	sshll.u32 s19, $0x5;
	(erf) = vpow2.f32 v4;
	v4 =	vmul.f32 $1.442695020e+00, v7  }
0x4ed: {  	s1 =	sadd.s32 $0x0, s1;
	v7 =	vld [tilespmem:s16+$0xC410];
	(erf) = vpow2.f32 v5;
	v5 =	vmul.f32 $1.442695020e+00, v8  }
0x4ee: {  	s20 =	sadd.s32 $0x10, s1;
	(erf) = vpow2.f32 v6;
	v6 =	vmul.f32 $1.442695020e+00, v9  }
0x4ef: {  	s9 =	sor.u32 $0x300, s20;
	(erf) = vpow2.f32 v4;
	v3 =	vmul.f32 $1.442695020e+00, v3  }
0x4f0: {  	v8 =	vld [tilespmem:s9+$0xC180];
	(erf) = vpow2.f32 v5;
	v5 =	vmul.f32 $1.442695020e+00, v10  }
0x4f1: {  	s25 =	sor.u32 $0x380, s20;
	v4 =	vld [tilespmem:s16+$0xC380];
	(erf) = vpow2.f32 v6  }
0x4f2: {  	v9 =	vld [tilespmem:s25+$0xC180];
	v6 =	vmul.f32 $1.442695020e+00, v7;
	(erf) = vpow2.f32 v3  }
0x4f3: {  	(erf) = vpow2.f32 v5  }
0x4f4: {  	v5 =	vpop (erf);
	(erf) = vpow2.f32 v6  }
0x4f5: {  	v3 =	vmul.f32 $1.442695020e+00, v8;
	v8 =	vpop (erf)  }
0x4f6: {  	v49 =	vmov v44;
	v4 =	vmul.f32 $1.442695020e+00, v4;
	v7 =	vadd.f32 v8, v5;
	v44 =	vpop (erf)  }
0x4f7: {  	v6 =	vmul.f32 $1.442695020e+00, v9;
	(erf) = vpow2.f32 v3;
	v9 =	vpop (erf)  }
0x4f8: {  	(erf) = vpow2.f32 v4;
	v3 =	vadd.f32 v9, v7;
	v12 =	vpop (erf)  }
0x4f9: {  	s21 =	sor.u32 s0, s0;
	s19 =	sor.u32 $0x300, s1;
	v4 =	vld [tilespmem:s16+$0xC400];
	(erf) = vpow2.f32 v6;
	v15 =	vpop (erf)  }
0x4fa: {  	v51 =	vmov v45;
	s22 =	simm.s32 $0x100;
	s26 =	simm.s32 $0x20;
	s18 =	sor.u32 $0x380, s21;
	v6 =	vld [tilespmem:s19+$0xC180];
	v3 =	vadd.f32 v15, v3;
	v45 =	vpop (erf)  }
0x4fb: {  	s30 =	sand.u32 $0x60, s26;
	s17 =	sand.u32 $0x1C00, s22;
	v7 =	vld [tilespmem:s18+$0xC180];
	v16 =	vpop (erf)  }
0x4fc: {  	s17 =	sor.u32 s30, s17;
	v3 =	vadd.f32 v16, v3;
	v47 =	vpop (erf)  }
0x4fd: {  	v10 =	vld [tilespmem:s17+$0xC190];
	v19 =	vpop (erf)  }
0x4fe: {  	v11 =	vld [tilespmem:s17+$0xC210];
	v4 =	vmul.f32 $1.442695020e+00, v4;
	v3 =	vadd.f32 v19, v3  }
0x4ff: {  	v1 =	vmov v13;
	v13 =	vld [tilespmem:s17+$0xC180];
	v6 =	vmul.f32 $1.442695020e+00, v6  }
0x500: {  	v2 =	vmov v14;
	v14 =	vld [tilespmem:s17+$0xC290];
	(erf) = vpow2.f32 v4;
	v4 =	vmul.f32 $1.442695020e+00, v7;
	v21 =	vpop (erf)  }
0x501: {  	(erf) = vpow2.f32 v6;
	v6 =	vld [tilespmem:s17+$0xC200];
	v7 =	vpop (erf);
	v17 =	vadd.f32 v21, v3  }
0x502: {  	s31 =	simm.s32 $0x1;
	v10 =	vmul.f32 $1.442695020e+00, v10;
	(erf) = vpow2.f32 v4;
	v4 =	vld [tilespmem:s17+$0xC310];
	v3 =	vpop (erf)  }
0x503: {  	s8 =	sand.u32 $0x3, s31;
	v18 =	vld [tilespmem:s17+$0xC280];
	v11 =	vmul.f32 $1.442695020e+00, v11;
	v17 =	vadd.f32 v3, v17  }
0x504: {  	s8 =	sshll.u32 s8, $0x5;
	(erf) = vpow2.f32 v10;
	v10 =	vmul.f32 $1.442695020e+00, v13;
	v13 =	vld [tilespmem:s17+$0xC390]  }
0x505: {  	s8 =	sadd.s32 $0x100, s8;
	v14 =	vmul.f32 $1.442695020e+00, v14;
	(erf) = vrcp.f32 v17  }
0x506: {  	s20 =	sadd.s32 $0x10, s8;
	v6 =	vmul.f32 $1.442695020e+00, v6;
	v17 =	vld [tilespmem:s17+$0xC300];
	(erf) = vpow2.f32 v11  }
0x507: {  	v20 =	vld [tilespmem:s17+$0xC410];
	s23 =	sor.u32 $0x300, s20;
	v4 =	vmul.f32 $1.442695020e+00, v4;
	(erf) = vpow2.f32 v10  }
0x508: {  	v10 =	vmul.f32 $1.442695020e+00, v18;
	v18 =	vld [tilespmem:s23+$0xC180];
	(erf) = vpow2.f32 v14  }
0x509: {  	v22 =	vmul.f32 $1.442695020e+00, v13;
	(erf) = vpow2.f32 v6;
	v6 =	vld [tilespmem:s17+$0xC380]  }
0x50a: {  	s24 =	sor.u32 $0x380, s20;
	v11 =	vpop (erf);
	(erf) = vpow2.f32 v4  }
0x50b: {  	v13 =	vpop (erf);
	v4 =	vmul.f32 $1.442695020e+00, v17;
	v17 =	vld [tilespmem:s24+$0xC180];
	(erf) = vpow2.f32 v10  }
0x50c: {  	v14 =	vpop (erf);
	v10 =	vmul.f32 $1.442695020e+00, v20;
	v20 =	vadd.f32 v12, v44;
	(erf) = vpow2.f32 v22  }
0x50d: {  	v52 =	vmov v23;
	v22 =	vpop (erf);
	v18 =	vmul.f32 $1.442695020e+00, v18;
	(erf) = vpow2.f32 v4  }
0x50e: {  	(erf) = vpow2.f32 v10;
	v23 =	vpop (erf);
	v10 =	vadd.f32 v45, v20;
	v6 =	vmul.f32 $1.442695020e+00, v6  }
0x50f: {  	v55 =	vmov v26;
	v53 =	vmov v24;
	v24 =	vpop (erf)  }
0x510: {  	v17 =	vmul.f32 $1.442695020e+00, v17;
	(erf) = vpow2.f32 v18;
	v4 =	vpop (erf);
	v10 =	vadd.f32 v47, v10  }
0x511: {  	v46 =	vmov v25;
	v25 =	vadd.f32 v24, v22;
	(erf) = vpow2.f32 v6;
	v26 =	vpop (erf)  }
0x512: {  	s20 =	sor.u32 $0x300, s8;
	v20 =	vld [tilespmem:s17+$0xC400];
	v6 =	vpop (erf);
	(erf) = vpow2.f32 v17;
	v17 =	vadd.f32 v7, v10  }
0x513: {  	v18 =	vadd.f32 v26, v25;
	v25 =	vld [tilespmem:s20+$0xC180]  }
0x514: {  	s0 =	sor.u32 s22, s26;
	v30 =	vpop (erf);
	v17 =	vadd.f32 v11, v17  }
0x515: {  	s28 =	simm.s32 $0x40;
	s26 =	simm.s32 $0x200;
	s22 =	sor.u32 $0x380, s0;
	v18 =	vadd.f32 v30, v18;
	v10 =	vpop (erf)  }
0x516: {  	v56 =	vmov v27;
	v50 =	vmov v31;
	s5 =	sand.u32 $0x1C00, s26;
	v27 =	vld [tilespmem:s22+$0xC180];
	s1 =	sand.u32 $0x60, s28;
	v33 =	vpop (erf)  }
0x517: {  	s21 =	sor.u32 s1, s5;
	v28 =	vmul.f32 v23, v8;
	v20 =	vmul.f32 $1.442695020e+00, v20;
	v18 =	vadd.f32 v33, v18;
	v8 =	vpop (erf)  }
0x518: {  	v29 =	vld [tilespmem:s21+$0xC190];
	v32 =	vmul.f32 v23, v9;
	v31 =	vadd.f32 v13, v17;
	v9 =	vmul.f32 $1.442695020e+00, v25;
	v17 =	vpop (erf)  }
0x519: {  	(erf) = vpow2.f32 v20;
	v20 =	vadd.f32 v17, v18  }
0x51a: {  	v34 =	vmul.f32 v23, v15;
	v15 =	vld [tilespmem:s21+$0xC210]  }
0x51b: {  	v25 =	vadd.f32 v14, v31;
	v31 =	vmul.f32 v23, v16;
	v16 =	vmul.f32 $1.442695020e+00, v27;
	v27 =	vld [tilespmem:s21+$0xC180];
	v18 =	vpop (erf)  }
0x51c: {  	v35 =	vmul.f32 v23, v19;
	v19 =	vld [tilespmem:s21+$0xC290];
	(erf) = vpow2.f32 v9;
	v36 =	vadd.f32 v18, v20;
	v9 =	vpop (erf)  }
0x51d: {  	v29 =	vmul.f32 $1.442695020e+00, v29;
	(erf) = vpow2.f32 v16;
	v16 =	vld [tilespmem:s21+$0xC200];
	v20 =	vpop (erf)  }
0x51e: {  	(erf) = vrcp.f32 v25;
	v25 =	vld [tilespmem:s21+$0xC310];
	v36 =	vadd.f32 v20, v36  }
0x51f: {  	v15 =	vmul.f32 $1.442695020e+00, v15;
	(erf) = vpow2.f32 v29  }
0x520: {  	s0 =	simm.s32 $0x2;
	v37 =	vld [tilespmem:s21+$0xC280];
	v62 =	vadd.f32 v6, v4;
	v27 =	vmul.f32 $1.442695020e+00, v27;
	(erf) = vrcp.f32 v36  }
0x521: {  	s8 =	sand.u32 $0x3, s0;
	(erf) = vpow2.f32 v15;
	v15 =	vmul.f32 $1.442695020e+00, v19  }
0x522: {  	v38 =	vld [tilespmem:s21+$0xC390];
	s1 =	sshll.u32 s8, $0x5;
	v16 =	vmul.f32 $1.442695020e+00, v16;
	(erf) = vpow2.f32 v27;
	v27 =	vadd.f32 v10, v62  }
0x523: {  	v57 =	vld [tilespmem:s21+$0xC410];
	s29 =	sadd.s32 $0x200, s1;
	(erf) = vpow2.f32 v15;
	v15 =	vmul.f32 $1.442695020e+00, v25  }
0x524: {  	s30 =	sadd.s32 $0x10, s29;
	v5 =	vmul.f32 v23, v5;
	v29 =	vld [tilespmem:s21+$0xC300];
	(erf) = vpow2.f32 v16;
	v16 =	vadd.f32 v8, v27  }
0x525: {  	s1 =	sor.u32 $0x300, s30;
	v19 =	vld [tilespmem:s21+$0xC380];
	v25 =	vmul.f32 $1.442695020e+00, v37  }
0x526: {  	v21 =	vmul.f32 v23, v21;
	[tilespmem:s16+$0xC190] =	vst v5;
	v5 =	vmul.f32 v23, v3;
	v23 =	vld [tilespmem:s1+$0xC180];
	v3 =	vpop (erf)  }
0x527: {  	s8 =	sor.u32 $0x380, s30;
	[tilespmem:s16+$0xC210] =	vst v28;
	(erf) = vpow2.f32 v15;
	v28 =	vadd.f32 v9, v16;
	v15 =	vpop (erf)  }
0x528: {  	v57 =	vmul.f32 $1.442695020e+00, v57;
	[tilespmem:s16+$0xC290] =	vst v32;
	v62 =	vld [tilespmem:s8+$0xC180];
	v16 =	vpop (erf)  }
0x529: {  	[tilespmem:s16+$0xC310] =	vst v34;
	v27 =	vmul.f32 $1.442695020e+00, v38;
	(erf) = vpow2.f32 v25;
	v25 =	vpop (erf)  }
0x52a: {  	[tilespmem:s16+$0xC410] =	vst v35;
	v29 =	vmul.f32 $1.442695020e+00, v29;
	v32 =	vmul.f32 $1.442695020e+00, v19;
	v19 =	vpop (erf)  }
0x52b: {  	v59 =	vld [tilespmem:s21+$0xC400];
	[tilespmem:s16+$0xC390] =	vst v31;
	v23 =	vmul.f32 $1.442695020e+00, v23;
	(erf) = vpow2.f32 v27;
	v27 =	vadd.f32 v3, v28;
	v28 =	vpop (erf)  }
0x52c: {  	[tilespmem:s9+$0xC180] =	vst v21;
	(erf) = vpow2.f32 v29;
	v29 =	vmul.f32 v28, v22  }
0x52d: {  	s31 =	sor.u32 s26, s28;
	s26 =	sor.u32 $0x300, s29;
	[tilespmem:s25+$0xC180] =	vst v5;
	v31 =	vmul.f32 $1.442695020e+00, v62;
	(erf) = vpow2.f32 v57  }
0x52e: {  	s25 =	sor.u32 $0x380, s31;
	v21 =	vpop (erf);
	(erf) = vpow2.f32 v23;
	v24 =	vmul.f32 v28, v24;
	[tilespmem:s17+$0xC190] =	vst v29;
	v29 =	vld [tilespmem:s26+$0xC180]  }
0x52f: {  	v62 =	vadd.f32 v21, v19;
	v5 =	vpop (erf);
	(erf) = vpow2.f32 v32;
	v32 =	vmul.f32 v28, v30;
	v30 =	vld [tilespmem:s25+$0xC180]  }
0x530: {  	v59 =	vmul.f32 $1.442695020e+00, v59;
	v27 =	vadd.f32 v15, v27;
	v26 =	vmul.f32 v28, v26;
	v22 =	vpop (erf)  }
0x531: {  	v33 =	vmul.f32 v28, v33;
	(erf) = vpow2.f32 v31;
	[tilespmem:s17+$0xC210] =	vst v24;
	v34 =	vadd.f32 v22, v62;
	v23 =	vpop (erf)  }
0x532: {  	s28 =	simm.s32 $0x300;
	s29 =	simm.s32 $0x60;
	s9 =	simm.s32 $0x4;
	v27 =	vadd.f32 v16, v27;
	[tilespmem:s17+$0xC290] =	vst v26;
	(erf) = vpow2.f32 v59;
	v31 =	vadd.f32 v23, v5;
	v24 =	vpop (erf)  }
.LBB2_8:
0x533: {  	s30 =	sand.u32 $0x60, s29;
	s31 =	sand.u32 $0x1C00, s28;
	s5 =	sor.u32 s28, s29;
	v29 =	vmul.f32 $1.442695020e+00, v29;
	v36 =	vadd.f32 v24, v34;
	v35 =	vpop (erf);
	[tilespmem:s17+$0xC310] =	vst v32;
	v37 =	vmul.f32 v28, v17  }
0x534: {  	v30 =	vmul.f32 $1.442695020e+00, v30;
	v18 =	vmul.f32 v28, v18;
	s31 =	sor.u32 s30, s31;
	s30 =	sor.u32 $0x380, s5;
	v31 =	vadd.f32 v35, v31;
	v26 =	vpop (erf);
	[tilespmem:s17+$0xC390] =	vst v33  }
0x535: {  	v20 =	vmul.f32 v28, v20;
	v32 =	vld [tilespmem:s31+$0xC190];
	v33 =	vadd.f32 v26, v36;
	v34 =	vpop (erf);
	(erf) = vpow2.f32 v29;
	[tilespmem:s17+$0xC410] =	vst v37  }
0x536: {  	v28 =	vld [tilespmem:s31+$0xC180];
	v29 =	vadd.f32 v34, v31;
	(erf) = vpow2.f32 v30;
	v17 =	vpop (erf);
	[tilespmem:s23+$0xC180] =	vst v18;
	v30 =	vmul.f32 v25, v44;
	s23 =	smov.u32 s1  }
0x537: {  	v12 =	vmul.f32 v25, v12;
	v44 =	vmovc v4;
	v31 =	vld [tilespmem:s31+$0xC210];
	v37 =	vadd.f32 v17, v33;
	[tilespmem:s24+$0xC180] =	vst v20;
	(erf) = vrcp.f32 v27;
	s24 =	smov.u32 s8  }
0x538: {  	v27 =	vmul.f32 v25, v45;
	v45 =	vmov v10;
	v4 =	vld [tilespmem:s31+$0xC200];
	v18 =	vpop (erf);
	[tilespmem:s16+$0xC180] =	vst v30;
	v30 =	vmul.f32 v25, v47  }
0x539: {  	v7 =	vmul.f32 v25, v7;
	v11 =	vmul.f32 v25, v11;
	v36 =	vld [tilespmem:s31+$0xC290];
	v39 =	vadd.f32 v18, v37;
	v33 =	vpop (erf);
	[tilespmem:s16+$0xC200] =	vst v12  }
0x53a: {  	v13 =	vmul.f32 v25, v13;
	v12 =	vld [tilespmem:s31+$0xC280];
	v32 =	vmul.f32 $1.442695020e+00, v32;
	v29 =	vadd.f32 v33, v29;
	v20 =	vpop (erf);
	[tilespmem:s16+$0xC280] =	vst v27  }
0x53b: {  	s0 =	sadd.s32 $0x1, s0;
	v14 =	vmul.f32 v25, v14;
	v27 =	vmul.f32 $1.442695020e+00, v28;
	v28 =	vld [tilespmem:s31+$0xC310];
	v37 =	vadd.f32 v20, v39;
	v38 =	vpop (erf);
	[tilespmem:s16+$0xC300] =	vst v30  }
0x53c: {  	s9 =	sadd.s32 $0x2, s9;
	s1 =	sand.u32 $0x3, s0;
	v10 =	vmovc v35;
	v47 =	vmovc v8;
	v30 =	vld [tilespmem:s31+$0xC300];
	v25 =	vmul.f32 $1.442695020e+00, v31;
	(erf) = vpow2.f32 v32;
	v39 =	vadd.f32 v38, v29;
	[tilespmem:s16+$0xC380] =	vst v7  }
0x53d: {  	p0 =	slt.u32 s9, $0x3E;
	s1 =	sshll.u32 s1, $0x5;
	v8 =	vmovc v34;
	v7 =	vmovc v9;
	v9 =	vmov v33;
	v4 =	vmul.f32 $1.442695020e+00, v4;
	v31 =	vld [tilespmem:s31+$0xC390];
	(erf) = vrcp.f32 v37;
	[tilespmem:s16+$0xC400] =	vst v11;
	s16 =	smov.u32 s17  }
0x53e: {  	s1 =	sadd.s32 s1, s28;
	v11 =	vmov v3;
	s17 =	smov.u32 s21;
	s21 =	smov.u32 s31;
	v32 =	vld [tilespmem:s31+$0xC380];
	v33 =	vmul.f32 $1.442695020e+00, v36;
	(erf) = vpow2.f32 v25;
	v34 =	vpop (erf);
	[tilespmem:s19+$0xC180] =	vst v13  }
0x53f: {  	s5 =	sor.u32 $0x300, s1;
	s8 =	sadd.s32 $0x10, s1;
	v12 =	vmul.f32 $1.442695020e+00, v12;
	v35 =	vld [tilespmem:s21+$0xC410];
	(erf) = vpow2.f32 v27;
	v37 =	vadd.f32 v34, v39;
	v29 =	vpop (erf);
	[tilespmem:s18+$0xC180] =	vst v14;
	s18 =	smov.u32 s22  }
0x540: {  	s1 =	sor.u32 $0x300, s8;
	v3 =	vmov v38;
	s22 =	smov.u32 s25;
	s25 =	smov.u32 s30;
	v36 =	vld [tilespmem:s21+$0xC400];
	v39 =	vmul.f32 $1.442695020e+00, v28;
	(erf) = vpow2.f32 v33;
	v25 =	vpop (erf)  }
0x541: {  	s8 =	sor.u32 $0x380, s8;
	v13 =	vmovc v15;
	s19 =	smov.u32 s20;
	s20 =	smov.u32 s26;
	v15 =	vmovc v34;
	v28 =	vmul.f32 $1.442695020e+00, v30;
	v33 =	vld [tilespmem:s1+$0xC180];
	(erf) = vpow2.f32 v4;
	v27 =	vadd.f32 v29, v37  }
0x542: {  	s26 =	smov.u32 s5;
	v14 =	vmovc v16;
	v16 =	vmovc v29;
	v4 =	vmov v5;
	v31 =	vmul.f32 $1.442695020e+00, v31;
	v34 =	vld [tilespmem:s8+$0xC180];
	(erf) = vpow2.f32 v39  }
0x543: {  	v32 =	vmul.f32 $1.442695020e+00, v32;
	v29 =	vld [tilespmem:s26+$0xC180];
	(erf) = vpow2.f32 v12;
	v12 =	vmovc v6;
	v6 =	vmov v23  }
0x544: {  	v30 =	vld [tilespmem:s25+$0xC180];
	v5 =	vmul.f32 $1.442695020e+00, v35;
	(erf) = vpow2.f32 v31  }
0x545: {  	v35 =	vmul.f32 $1.442695020e+00, v36;
	(erf) = vpow2.f32 v28;
	v23 =	vpop (erf)  }
0x546: {  	v31 =	vmul.f32 $1.442695020e+00, v33;
	(erf) = vpow2.f32 v5;
	v28 =	vpop (erf)  }
.Ltmp3:
0x547: {  	v33 =	vmul.f32 $1.442695020e+00, v34;
	v34 =	vpop (erf);
	v36 =	vmul.f32 v28, v19;
	v19 =	vmov v23;
	(pc) =	sbr.rel @p0 .LBB2_8-.Ltmp3, $4  }
0x548: {  	v37 =	vadd.f32 v34, v19;
	v5 =	vpop (erf);
	(erf) = vpow2.f32 v31;
	v31 =	vmul.f32 v28, v21  }
0x549: {  	v21 =	vmov v34;
	(erf) = vpow2.f32 v32;
	[tilespmem:s17+$0xC190] =	vst v36;
	v36 =	vmul.f32 v28, v22;
	v22 =	vpop (erf)  }
0x54a: {  	v32 =	vmul.f32 v28, v24;
	v34 =	vadd.f32 v22, v37;
	v23 =	vpop (erf);
	(erf) = vpow2.f32 v33;
	[tilespmem:s17+$0xC210] =	vst v31  }
0x54b: {  	s29 =	sadd.s32 $0x20, s29;
	s28 =	sadd.s32 $0x100, s28;
	v33 =	vmul.f32 v28, v26;
	v31 =	vadd.f32 v23, v5;
	(erf) = vpow2.f32 v35;
	v24 =	vpop (erf);
	[tilespmem:s17+$0xC290] =	vst v36  }
0x54c: {  	_ = 	snop  }
0x54d: {  	v26 =	vadd.f32 v24, v34;
	v34 =	vpop (erf)  }
0x54e: {  	v29 =	vmul.f32 $1.442695020e+00, v29;
	v35 =	vpop (erf)  }
0x54f: {  	v30 =	vmul.f32 $1.442695020e+00, v30;
	v36 =	vpop (erf)  }
0x550: {  	v26 =	vadd.f32 v35, v26;
	(erf) = vpow2.f32 v29;
	v37 =	vpop (erf)  }
0x551: {  	[tilespmem:s17+$0xC310] =	vst v32;
	v17 =	vmul.f32 v28, v17;
	(erf) = vpow2.f32 v30;
	v38 =	vpop (erf)  }
0x552: {  	v44 =	vmul.f32 v25, v44;
	[tilespmem:s17+$0xC390] =	vst v33;
	v26 =	vadd.f32 v37, v26;
	v39 =	vpop (erf);
	(erf) = vrcp.f32 v27  }
0x553: {  	v12 =	vmul.f32 v25, v12;
	[tilespmem:s17+$0xC410] =	vst v17  }
0x554: {  	v18 =	vmul.f32 v28, v18;
	v59 =	vmul.f32 v25, v45;
	[tilespmem:s16+$0xC180] =	vst v44;
	v26 =	vadd.f32 v38, v26  }
0x555: {  	v7 =	vmul.f32 v25, v7;
	v11 =	vmul.f32 v25, v11;
	v57 =	vadd.f32 v34, v31;
	[tilespmem:s16+$0xC200] =	vst v12;
	v29 =	vpop (erf)  }
0x556: {  	v33 =	vmul.f32 v28, v20;
	v20 =	vmul.f32 v25, v47;
	[tilespmem:s16+$0xC280] =	vst v59;
	v26 =	vadd.f32 v29, v26  }
0x557: {  	[tilespmem:s16+$0xC380] =	vst v7;
	v17 =	vadd.f32 v36, v57  }
0x558: {  	[tilespmem:s16+$0xC400] =	vst v11;
	v12 =	vpop (erf);
	(erf) = vrcp.f32 v26  }
0x559: {  	[tilespmem:s23+$0xC180] =	vst v18;
	v17 =	vadd.f32 v39, v17;
	v18 =	vpop (erf)  }
0x55a: {  	v13 =	vmul.f32 v25, v13;
	[tilespmem:s16+$0xC300] =	vst v20;
	v20 =	vpop (erf)  }
0x55b: {  	v14 =	vmul.f32 v25, v14;
	[tilespmem:s24+$0xC180] =	vst v33;
	v17 =	vadd.f32 v12, v17;
	v62 =	vpop (erf)  }
0x55c: {  	[tilespmem:s19+$0xC180] =	vst v13;
	v4 =	vmul.f32 v62, v4  }
0x55d: {  	[tilespmem:s18+$0xC180] =	vst v14;
	v17 =	vadd.f32 v18, v17;
	v6 =	vmul.f32 v62, v6  }
0x55e: {  	v32 =	vmul.f32 v62, v10;
	[tilespmem:s17+$0xC180] =	vst v4  }
0x55f: {  	v17 =	vadd.f32 v20, v17;
	v8 =	vmul.f32 v62, v8;
	[tilespmem:s17+$0xC200] =	vst v6  }
0x560: {  	v33 =	vmul.f32 v62, v9;
	[tilespmem:s17+$0xC280] =	vst v32  }
0x561: {  	(erf) = vrcp.f32 v17;
	v3 =	vmul.f32 v62, v3;
	[tilespmem:s17+$0xC300] =	vst v8;
	v11 =	vpop (erf)  }
0x562: {  	[tilespmem:s17+$0xC380] =	vst v33;
	v13 =	vmul.f32 v11, v19  }
0x563: {  	[tilespmem:s17+$0xC400] =	vst v3;
	v14 =	vmul.f32 v11, v21  }
0x564: {  	[tilespmem:s21+$0xC190] =	vst v13;
	v13 =	vmul.f32 v11, v22  }
0x565: {  	[tilespmem:s21+$0xC210] =	vst v14;
	v14 =	vmul.f32 v11, v24  }
0x566: {  	[tilespmem:s21+$0xC290] =	vst v13;
	v13 =	vmul.f32 v11, v35  }
0x567: {  	[tilespmem:s21+$0xC310] =	vst v14;
	v14 =	vmul.f32 v11, v37  }
0x568: {  	v35 =	vmul.f32 v62, v15;
	[tilespmem:s21+$0xC390] =	vst v13  }
0x569: {  	v37 =	vmul.f32 v62, v16;
	[tilespmem:s21+$0xC410] =	vst v14  }
0x56a: {  	v3 =	vpop (erf);
	v13 =	vmul.f32 v11, v38;
	[tilespmem:s20+$0xC180] =	vst v35  }
0x56b: {  	v38 =	vmul.f32 v3, v5;
	[tilespmem:s22+$0xC180] =	vst v37  }
0x56c: {  	v44 =	vmul.f32 v3, v23;
	[tilespmem:s1+$0xC180] =	vst v13  }
0x56d: {  	v45 =	vmul.f32 v3, v34;
	[tilespmem:s21+$0xC180] =	vst v38  }
0x56e: {  	v47 =	vmul.f32 v3, v36;
	[tilespmem:s21+$0xC200] =	vst v44  }
0x56f: {  	v57 =	vmul.f32 v3, v39;
	[tilespmem:s21+$0xC280] =	vst v45  }
0x570: {  	v59 =	vmul.f32 v3, v12;
	[tilespmem:s21+$0xC300] =	vst v47  }
0x571: {  	v11 =	vmul.f32 v11, v29;
	[tilespmem:s21+$0xC380] =	vst v57  }
0x572: {  	v62 =	vmul.f32 v3, v18;
	[tilespmem:s21+$0xC400] =	vst v59  }
0x573: {  	v3 =	vmul.f32 v3, v20;
	[tilespmem:s8+$0xC180] =	vst v11  }
0x574: {  	[tilespmem:s26+$0xC180] =	vst v62  }
0x575: {  	[tilespmem:s25+$0xC180] =	vst v3  }
0x576: {  	s0 =	rddreg [dreg:$0x4]  }
0x577: {  	[hbm4b:s0+s2] =	stream.linear.scatter [tilespmem:s12], [sflag:$0x2], $0x2000, $0x38;
	[tilespmem:$0x10180] =	vst v63  }
0x578: {  	s15 =	sadd.s32 $0x1, s15;
	_ =	swait.ge [sflag:s14], $0x2000  }
0x579: {  	p0 =	sne.s32 s15, s7;
	[sflag:s14] =	ssyncset.done $0x0  }
.Ltmp4:
0x57a: {  	[sflag:s14] =	ssyncadd.s32 $0xFFFFE000;
	(pc) =	sbr.rel @p0 .LBB2_1-.Ltmp4, $4  }
0x57b: {  	[hbm4b:s6+s2] =	stream.linear.scatter [tilespmem:s13], [sflag:$0x2], $0x2000, $0x38;
	[tilespmem:$0x10180] =	vst v63  }
0x57c: {  	_ =	swait.ge [sflag:s14], $0x2000  }
0x57d: {  	v31 =	vmovc v50;
	v25 =	vmovc v46;
	v27 =	vmov v56;
	v26 =	vmov v55;
	v24 =	vmov v53;
	[sflag:s14] =	ssyncset.done $0x0  }
0x57e: {  	v23 =	vmovc v52;
	v14 =	vmovc v2;
	v13 =	vmov v1;
	v44 =	vmov v49;
	v45 =	vmov v51;
	v11 =	vld [tilespmem:$0x1FFF0];
	[sflag:s14] =	ssyncadd.s32 $0xFFFFE000  }
0x57f: {  	_ =	sfence.sel $0x180000  }
0x580: {  	[bflag:$0x0] =	sbarrier.arrive $0xFFFF  }
0x581: {  	_ =	strace $0x90000047  }
0x582: {  	s0 =	stileid.u32;
	[bflag:$0x2] =	sbarrier.arrive $0xFFFF  }
0x583: {  	p0 =	sne.s32 s0, $0x0;
	s0 =	rddreg [dreg:$0x3]  }
0x584: {  	s0 =	sadd.s32 @!p0 $0x100000, s0  }
0x585: {  	[sflag:s0] =	ssyncadd.tile.s32 @!p0 $0x1;
	_ =	shalt  }
.Lfunc_end2:
_tile_overlayer_lowered:
.L_overlay_start_2:
0x586: {  	(tag) =	ssettag $0x2  }
0x587: {  	s0 =	rddreg [dreg:$0x0];
	s2 =	stileid.u32  }
0x588: {  	s1 =	rddreg [dreg:$0x1];
	p0 =	sne.s32 s2, $0x0  }
0x589: {  	s3 =	rddreg [dreg:$0x2];
	[bflag:$0x3] =	sbarrier.arrive $0xFFFF;
	s2 =	simm.s32 @!p0 $0x1C02  }
0x58a: {  	[timem:s3], [sflag:s2] =	dma.local @!p0 [hbm:s0], s1  }
0x58b: {  	s0 =	simm.s32 @!p0 $0x2  }
0x58c: {  	_ =	swait.ge @!p0 [sflag:s0], s1  }
0x58d: {  	s1 =	ssub.s32 @!p0 $0x0, s1;
	[sflag:s0] =	ssyncset.done @!p0 $0x0  }
0x58e: {  	[sflag:s0] =	ssyncadd.s32 @!p0 s1  }
0x58f: {  	[bflag:$0x3] =	sbarrier.arrive $0xFFFF  }
0x590: {  	_ =	shalt  }

</sc_bundles>
